<compile_context>
chip_gen: v7x
topology: tpu7x:2x2x1
jax: 0.10.2.dev20260603
libtpu: 0.0.44.dev20260713+nightly
codegen_flags: <defaults>
</compile_context>

<pallas_src>
import functools

import jax
import jax.numpy as jnp
from jax import lax
from jax.experimental import pallas as pl
from jax.experimental.pallas import tpu as pltpu
from jax.experimental.pallas import tpu_sc as plsc

_NPOINT = 1024
_RADIUS = [0.1, 0.2, 0.4]
_NSAMPLE = [16, 32, 64]
_KSIZES = [1, 3, 5]
_BN_EPS = 1e-5
_CW = 128


def _fps(xyz, npoint):
    B, N, _ = xyz.shape
    centroids0 = jnp.zeros((B, npoint), dtype=jnp.int32)
    distance0 = jnp.full((B, N), 1e10, dtype=jnp.float32)
    farthest0 = jnp.zeros((B,), dtype=jnp.int32)

    def body(i, state):
        centroids, distance, farthest = state
        centroids = centroids.at[:, i].set(farthest)
        centroid = jnp.take_along_axis(
            xyz, farthest[:, None, None].astype(jnp.int32), axis=1)
        dist = jnp.sum((xyz - centroid) ** 2, axis=-1)
        distance = jnp.minimum(distance, dist)
        farthest = jnp.argmax(distance, axis=-1).astype(jnp.int32)
        return (centroids, distance, farthest)

    centroids, _, _ = jax.lax.fori_loop(
        0, npoint, body, (centroids0, distance0, farthest0))
    return centroids


def _sqdist(a, b):
    return (jnp.sum(a ** 2, axis=-1)[:, :, None]
            + jnp.sum(b ** 2, axis=-1)[:, None, :]
            - 2.0 * jnp.einsum('bsc,bnc->bsn', a, b))


def _ball_query(radius, nsample, xyz, new_xyz, sqr=None):
    B, N, _ = xyz.shape
    if sqr is None:
        sqr = _sqdist(new_xyz, xyz)
    gidx = jnp.broadcast_to(jnp.arange(N, dtype=jnp.int32),
                            (B, new_xyz.shape[1], N))
    gidx = jnp.where(sqr > radius ** 2, N, gidx)
    neg, _ = jax.lax.top_k(-gidx, nsample)
    gidx = -neg
    first = gidx[:, :, :1]
    gidx = jnp.where(gidx == N, jnp.broadcast_to(first, gidx.shape), gidx)
    return gidx


def _gather(p, idx):
    return jax.vmap(lambda pb, ib: pb[ib])(p, idx)


@functools.cache
def _make_sc_gather(total, width):
    info = plsc.get_sparse_core_info()
    NW = info.num_cores * info.num_subcores
    b_per_w = total // NW
    assert total % (NW * 512) == 0
    n_steps = b_per_w // 512
    mesh = plsc.VectorSubcoreMesh(core_axis_name="c", subcore_axis_name="s")

    @functools.partial(
        pl.kernel,
        out_type=jax.ShapeDtypeStruct((total, width), jnp.float32),
        mesh=mesh,
        scratch_types=[
            pltpu.VMEM((b_per_w // 128, 128), jnp.int32),
            pltpu.VMEM((512, width), jnp.float32),
            pltpu.SemaphoreType.DMA,
        ],
    )
    def gather_k(table_hbm, idx_hbm, out_hbm, idx_v, rows_v, sem):
        wid = lax.axis_index("s") * info.num_cores + lax.axis_index("c")
        base = pl.multiple_of(wid * b_per_w, 512)
        idx_row0 = pl.multiple_of(wid * (b_per_w // 128), 8)
        pltpu.sync_copy(idx_hbm.at[pl.ds(idx_row0, b_per_w // 128)], idx_v)

        def step(j, carry):
            handles = []
            for q in range(4):
                handles.append(pltpu.async_copy(
                    table_hbm.at[idx_v.at[j * 4 + q]],
                    rows_v.at[pl.ds(q * 128, 128)], sem))
            for h in handles:
                h.wait()
            out0 = pl.multiple_of(base + j * 512, 512)
            pltpu.sync_copy(rows_v, out_hbm.at[pl.ds(out0, 512)])
            return carry

        lax.fori_loop(0, n_steps, step, 0)

    return gather_k


def _sc_gather(table, gidx_flat):
    total = gidx_flat.shape[0]
    width = table.shape[-1]
    return _make_sc_gather(total, width)(
        table, gidx_flat.reshape(total // 128, 128))


def _layer_first_body(x_ref, c_ref, w_ref, wx_ref, b_ref, out_ref, part_ref):
    x = x_ref[...]
    g = jnp.dot(x, w_ref[...], preferred_element_type=jnp.float32) + b_ref[...]
    g = g - jnp.dot(c_ref[...], wx_ref[...], preferred_element_type=jnp.float32)
    out_ref[...] = g

    @pl.when(pl.program_id(0) == 0)
    def _():
        part_ref[...] = jnp.zeros_like(part_ref)

    part_ref[0:1, :] += jnp.sum(g, axis=0, keepdims=True)
    part_ref[1:2, :] += jnp.sum(g * g, axis=0, keepdims=True)


def _layer_body(x_ref, sc_ref, sh_ref, w_ref, b_ref, out_ref, part_ref):
    x = x_ref[...]
    x = jnp.maximum(x * sc_ref[...] + sh_ref[...], 0.0)
    g = jnp.dot(x, w_ref[...], preferred_element_type=jnp.float32) + b_ref[...]
    out_ref[...] = g

    @pl.when(pl.program_id(0) == 0)
    def _():
        part_ref[...] = jnp.zeros_like(part_ref)

    part_ref[0:1, :] += jnp.sum(g, axis=0, keepdims=True)
    part_ref[1:2, :] += jnp.sum(g * g, axis=0, keepdims=True)


def _run_layer_first(x, ctr, w, wx, b, tile=1024):
    M, cin = x.shape
    cout = w.shape[1]
    grid = M // tile
    outs = [jax.ShapeDtypeStruct((M, cout), jnp.float32),
            jax.ShapeDtypeStruct((8, cout), jnp.float32)]
    out_specs = [pl.BlockSpec((tile, cout), lambda i: (i, 0)),
                 pl.BlockSpec((8, cout), lambda i: (0, 0))]
    g, part = pl.pallas_call(
        _layer_first_body,
        grid=(grid,),
        in_specs=[pl.BlockSpec((tile, cin), lambda i: (i, 0)),
                  pl.BlockSpec((tile, 3), lambda i: (i, 0)),
                  pl.BlockSpec((cin, cout), lambda i: (0, 0)),
                  pl.BlockSpec((3, cout), lambda i: (0, 0)),
                  pl.BlockSpec((1, cout), lambda i: (0, 0))],
        out_specs=out_specs,
        out_shape=outs,
    )(x, ctr, w, wx, b[None, :])
    return g, part


def _run_layer(x, w, b, scale, shift, tile=1024):
    M, cin = x.shape
    cout = w.shape[1]
    grid = M // tile
    outs = [jax.ShapeDtypeStruct((M, cout), jnp.float32),
            jax.ShapeDtypeStruct((8, cout), jnp.float32)]
    out_specs = [pl.BlockSpec((tile, cout), lambda i: (i, 0)),
                 pl.BlockSpec((8, cout), lambda i: (0, 0))]
    g, part = pl.pallas_call(
        _layer_body,
        grid=(grid,),
        in_specs=[pl.BlockSpec((tile, cin), lambda i: (i, 0)),
                  pl.BlockSpec((1, cin), lambda i: (0, 0)),
                  pl.BlockSpec((1, cin), lambda i: (0, 0)),
                  pl.BlockSpec((cin, cout), lambda i: (0, 0)),
                  pl.BlockSpec((1, cout), lambda i: (0, 0))],
        out_specs=out_specs,
        out_shape=outs,
    )(x, scale[None, :], shift[None, :], w, b[None, :])
    return g, part


def _bn_coeffs(part, M, gamma, beta):
    s, s2 = part[0], part[1]
    mean = s / M
    var = s2 / M - mean * mean
    scale = gamma * jax.lax.rsqrt(var + _BN_EPS)
    shift = beta - mean * scale
    return scale, shift


def _pool_relu_body(g_ref, sc_ref, sh_ref, out_ref):
    g = g_ref[...]
    sc = sc_ref[...][None]
    sh = sh_ref[...][None]
    x = jnp.maximum(g * sc + sh, 0.0)
    out_ref[...] = jnp.max(x, axis=1)


def _run_pool(g, scale, shift, tile=128):
    BS, K, C = g.shape
    grid = BS // tile
    out = pl.pallas_call(
        _pool_relu_body,
        grid=(grid,),
        in_specs=[pl.BlockSpec((tile, K, C), lambda i: (i, 0, 0)),
                  pl.BlockSpec((1, C), lambda i: (0, 0)),
                  pl.BlockSpec((1, C), lambda i: (0, 0))],
        out_specs=pl.BlockSpec((tile, C), lambda i: (i, 0)),
        out_shape=jax.ShapeDtypeStruct((BS, C), jnp.float32),
    )(g, scale[None, :], shift[None, :])
    return out


def _cbam_body(x_ref, w1a_ref, w2a_ref, w1m_ref, w2m_ref, wsp_ref, out_ref):
    x = x_ref[0]
    a = jnp.mean(x, axis=0, keepdims=True)
    m = jnp.max(x, axis=0, keepdims=True)

    def pyramid(v, w1_ref, w2_ref):
        acc = jnp.zeros_like(v)
        for k in range(3):
            h = jnp.maximum(
                jnp.dot(v, w1_ref[k], preferred_element_type=jnp.float32), 0.0)
            acc = acc + jnp.dot(h, w2_ref[k],
                                preferred_element_type=jnp.float32)
        return acc

    logit = pyramid(a, w1a_ref, w2a_ref) + pyramid(m, w1m_ref, w2m_ref)
    ca = jax.nn.sigmoid(logit)
    x_ca = x * ca

    mx = jnp.max(x_ca, axis=1, keepdims=True)
    av = jnp.mean(x_ca, axis=1, keepdims=True)
    mn = jnp.min(x_ca, axis=1, keepdims=True)
    spa = jnp.concatenate([mx, av, mn], axis=1)
    w = wsp_ref[...]
    zero = jnp.zeros((1, 3), jnp.float32)
    prev = jnp.concatenate([zero, spa[:-1]], axis=0)
    nxt = jnp.concatenate([spa[1:], zero], axis=0)
    logit_s = (jnp.sum(prev * w[:, 0][None, :], axis=1, keepdims=True)
               + jnp.sum(spa * w[:, 1][None, :], axis=1, keepdims=True)
               + jnp.sum(nxt * w[:, 2][None, :], axis=1, keepdims=True))
    sa = jax.nn.sigmoid(logit_s)
    out_ref[0] = x_ca * sa


def _run_cbam(x_bsc, w1a, w2a, w1m, w2m, wsp):
    B, S, C = x_bsc.shape
    out = pl.pallas_call(
        _cbam_body,
        grid=(B,),
        in_specs=[pl.BlockSpec((1, S, C), lambda i: (i, 0, 0)),
                  pl.BlockSpec(w1a.shape, lambda i: (0, 0, 0)),
                  pl.BlockSpec(w2a.shape, lambda i: (0, 0, 0)),
                  pl.BlockSpec(w1m.shape, lambda i: (0, 0, 0)),
                  pl.BlockSpec(w2m.shape, lambda i: (0, 0, 0)),
                  pl.BlockSpec(wsp.shape, lambda i: (0, 0))],
        out_specs=pl.BlockSpec((1, S, C), lambda i: (i, 0, 0)),
        out_shape=jax.ShapeDtypeStruct((B, S, C), jnp.float32),
    )(x_bsc, w1a, w2a, w1m, w2m, wsp)
    return out


def kernel(xyz, points, params):
    B, N, _ = xyz.shape
    S = _NPOINT
    CF = points.shape[-1]

    fps_idx = _fps(xyz, S)
    new_xyz = _gather(xyz, fps_idx)

    combo = jnp.concatenate(
        [xyz, points,
         jnp.zeros((B, N, _CW - 3 - CF), jnp.float32)], axis=-1)
    combo = combo.reshape(B * N, _CW)

    new_xyz_flat = new_xyz.reshape(B * S, 3)
    boff = (jnp.arange(B, dtype=jnp.int32) * N)[:, None, None]

    sqr = _sqdist(new_xyz, xyz)
    idxs = [_ball_query(r, _NSAMPLE[i], xyz, new_xyz, sqr)
            for i, r in enumerate(_RADIUS)]
    idxs = jax.lax.optimization_barrier(idxs)

    outs = []
    prev = None
    for i, r in enumerate(_RADIUS):
        K = _NSAMPLE[i]
        M = B * S * K
        idx = idxs[i]
        if prev is not None:
            idx, _ = jax.lax.optimization_barrier((idx, prev))
        gidx = (idx + boff).reshape(M)
        x = _sc_gather(combo, gidx)
        prev = x
        ctr = jnp.broadcast_to(new_xyz_flat[:, None, :],
                               (B * S, K, 3)).reshape(M, 3)

        layers = params['branches'][i]
        w0 = layers[0]['W']
        wfull = jnp.zeros((_CW, w0.shape[0]), jnp.float32)
        wfull = wfull.at[:3 + CF, :].set(w0.T)
        wx = w0[:, :3].T
        g, part = _run_layer_first(x, ctr, wfull, wx, layers[0]['b'])
        scale, shift = _bn_coeffs(part, M, layers[0]['gamma'],
                                  layers[0]['beta'])
        for layer in layers[1:]:
            g, part = _run_layer(g, layer['W'].T, layer['b'], scale, shift)
            scale, shift = _bn_coeffs(part, M, layer['gamma'], layer['beta'])
        c3 = g.shape[-1]
        pooled = _run_pool(g.reshape(B * S, K, c3), scale, shift)
        outs.append(pooled.reshape(B, S, c3))

    x_bsc = jnp.concatenate(outs, axis=-1)

    cb = params['cbam']
    def eff(br_list):
        w1 = jnp.stack([br['w1'][:, :, k // 2].T
                        for br, k in zip(br_list, _KSIZES)])
        w2 = jnp.stack([br['w2'][:, :, k // 2].T
                        for br, k in zip(br_list, _KSIZES)])
        return w1, w2
    w1a, w2a = eff(cb['avg'])
    w1m, w2m = eff(cb['max'])
    wsp = cb['w_spatial'][0]

    y = _run_cbam(x_bsc, w1a, w2a, w1m, w2m, wsp)
    x_out = jnp.transpose(y, (0, 2, 1))
    return new_xyz, x_out

# --- scband reference (transcript-rebuilt; emitter-appended) ---
"""Pipeline reference for scband-point-net-set-abstraction-msg-66254165508131 (READ-ONLY COPY).

The authoritative reference and input builder live on the scoring server;
editing this copy changes nothing except your own understanding.
"""

import jax, jax.numpy as jnp
import numpy as np

NPOINT = 1024
RADIUS = [0.1, 0.2, 0.4]
NSAMPLE = [16, 32, 64]
IN_CHANNEL = 64
MLP = [[32, 32, 64], [64, 64, 128], [64, 96, 128]]
REDUCTION = 16
KSIZES = [1, 3, 5]


def setup_inputs(seed: int = 0):
    key = jax.random.key(seed)
    cnt = [0]
    def nk():
        cnt[0] += 1
        return jax.random.fold_in(key, cnt[0])
    B, N = 8, 4096
    xyz = jax.random.uniform(nk(), (B, N, 3), dtype=jnp.float32)
    points = jax.random.normal(nk(), (B, N, IN_CHANNEL), dtype=jnp.float32)
    branches = []
    for out_list in MLP:
        c_in = IN_CHANNEL + 3
        layers = []
        for c_out in out_list:
            layers.append({
                'W': jax.random.normal(nk(), (c_out, c_in), jnp.float32) * 0.05,
                'b': jnp.zeros((c_out,), jnp.float32),
                'gamma': jnp.ones((c_out,), jnp.float32),
                'beta': jnp.zeros((c_out,), jnp.float32),
            })
            c_in = c_out
        branches.append(layers)
    C = sum(m[-1] for m in MLP)
    Cr = C // REDUCTION
    def mk(k):
        return {'w1': jax.random.normal(nk(), (Cr, C, k), jnp.float32) * 0.05,
                'w2': jax.random.normal(nk(), (C, Cr, k), jnp.float32) * 0.05}
    cbam_p = {'avg': [mk(k) for k in KSIZES],
              'max': [mk(k) for k in KSIZES],
              'w_spatial': jax.random.normal(nk(), (1, 3, 3), jnp.float32) * 0.05}
    params = {'branches': branches, 'cbam': cbam_p}
    return {'xyz': xyz, 'points': points, 'params': params}


def square_distance(a, b):
    return (jnp.sum(a ** 2, axis=-1)[:, :, None]
            + jnp.sum(b ** 2, axis=-1)[:, None, :]
            - 2.0 * jnp.einsum('bsc,bnc->bsn', a, b))


def index_points(p, idx):
    return jax.vmap(lambda pb, ib: pb[ib])(p, idx)


def farthest_point_sample(xyz, npoint):
    B, N, _ = xyz.shape
    centroids0 = jnp.zeros((B, npoint), dtype=jnp.int32)
    distance0 = jnp.full((B, N), 1e10, dtype=jnp.float32)
    farthest0 = jnp.zeros((B,), dtype=jnp.int32)
    def body(i, state):
        centroids, distance, farthest = state
        centroids = centroids.at[:, i].set(farthest)
        centroid = jnp.take_along_axis(xyz, farthest[:, None, None].astype(jnp.int32), axis=1)
        dist = jnp.sum((xyz - centroid) ** 2, axis=-1)
        distance = jnp.minimum(distance, dist)
        farthest = jnp.argmax(distance, axis=-1).astype(jnp.int32)
        return (centroids, distance, farthest)
    centroids, _, _ = jax.lax.fori_loop(0, npoint, body, (centroids0, distance0, farthest0))
    return centroids


def query_ball_point(radius, nsample, xyz, new_xyz):
    B, N, _ = xyz.shape
    S = new_xyz.shape[1]
    sqr = square_distance(new_xyz, xyz)
    gidx = jnp.broadcast_to(jnp.arange(N, dtype=jnp.int32), (B, S, N))
    gidx = jnp.where(sqr > radius ** 2, N, gidx)
    gidx = jnp.sort(gidx, axis=-1)[:, :, :nsample]
    first = gidx[:, :, :1]
    gidx = jnp.where(gidx == N, jnp.broadcast_to(first, gidx.shape), gidx)
    return gidx


def conv1d(x, w, pad):
    return jax.lax.conv_general_dilated(x, w, (1,), [(pad, pad)],
                                        dimension_numbers=('NCH', 'OIH', 'NCH'))


def cbam(x, p):
    a = jnp.mean(x, axis=2, keepdims=True)
    m = jnp.max(x, axis=2, keepdims=True)
    def pyramid(pool, branches):
        out = 0.0
        for br, k in zip(branches, KSIZES):
            h = jax.nn.relu(conv1d(pool, br['w1'], k // 2))
            out = out + conv1d(h, br['w2'], k // 2)
        return out
    ca = jax.nn.sigmoid(pyramid(a, p['avg']) + pyramid(m, p['max']))
    x_ca = x * ca
    max_c = jnp.max(x_ca, axis=1, keepdims=True)
    avg_c = jnp.mean(x_ca, axis=1, keepdims=True)
    min_c = jnp.min(x_ca, axis=1, keepdims=True)
    spa = jnp.concatenate([max_c, avg_c, min_c], axis=1)
    sa = jax.nn.sigmoid(conv1d(spa, p['w_spatial'], 1))
    return x_ca * sa


def forward(xyz, points, params):
    fps_idx = farthest_point_sample(jax.lax.stop_gradient(xyz), NPOINT)
    new_xyz = index_points(xyz, fps_idx)
    outs = []
    for i, r in enumerate(RADIUS):
        idx = query_ball_point(r, NSAMPLE[i], jax.lax.stop_gradient(xyz), jax.lax.stop_gradient(new_xyz))
        grouped_xyz = index_points(xyz, idx) - new_xyz[:, :, None, :]
        grouped = jnp.concatenate([grouped_xyz, index_points(points, idx)], axis=-1)
        for layer in params['branches'][i]:
            g = jnp.einsum('bskc,oc->bsko', grouped, layer['W']) + layer['b']
            mean = jnp.mean(g, axis=(0, 1, 2))
            var = jnp.var(g, axis=(0, 1, 2))
            g = (g - mean) / jnp.sqrt(var + 1e-5) * layer['gamma'] + layer['beta']
            grouped = jax.nn.relu(g)
        new_pts = jnp.max(grouped, axis=2)
        outs.append(jnp.transpose(new_pts, (0, 2, 1)))
    x = jnp.concatenate(outs, axis=1)
    x = cbam(x, params['cbam'])
    return new_xyz, x


def reference(xyz, points, params):
    return forward(xyz, points, params)

if __name__ == "__main__":
    import jax
    _d = setup_inputs()
    print(jax.jit(kernel)(*tuple(_d.values())))

</pallas_src>

<mosaic_0001>
#map = affine_map<(d0, d1) -> (0, 0)>
module attributes {stable_mosaic.version = 14 : i64} {
  func.func @gather_k(%arg0: i32, %arg1: i32, %arg2: memref<32768x128xf32, #tpu.memory_space<hbm>>, %arg3: memref<1024x128xi32, #tpu.memory_space<hbm>>, %arg4: memref<131072x128xf32, #tpu.memory_space<hbm>>, %arg5: memref<32x128xi32, #tpu.memory_space<vmem>>, %arg6: memref<512x128xf32, #tpu.memory_space<vmem>>, %arg7: memref<!tpu.dma_semaphore, #tpu.memory_space<semaphore_mem>>) attributes {dimension_semantics = [#tpu.dimension_semantics<core_parallel>, #tpu.dimension_semantics<subcore_parallel>], iteration_bounds = array<i64: 2, 16>, scalar_prefetch = 0 : i64, scratch_operands = 3 : i64, tpu.core_type = #tpu.core_type<sc_vector_subcore>, window_params = [{transform_indices = #map}, {transform_indices = #map}, {transform_indices = #map}]} {
    %mul3A = arith.constant 2 : i32
    %mul3A_0 = arith.muli %arg1, %mul3A : i32
    %add3A = arith.addi %mul3A_0, %arg0 : i32
    %mul3A_1 = arith.constant 4096 : i32
    %mul3A_2 = arith.muli %add3A, %mul3A_1 : i32
    %multiple_of3A = tpu.assume_multiple %mul3A_2, 512 : i32
    %mul3A_3 = arith.constant 32 : i32
    %mul3A_4 = arith.muli %add3A, %mul3A_3 : i32
    %multiple_of3A_5 = tpu.assume_multiple %mul3A_4, 8 : i32
    "tpu.region"() ({
      %run_scoped3A = tpu.sem_alloc : memref<!tpu.dma_semaphore, #tpu.memory_space<semaphore_mem>>
      %dma_start3A = arith.constant 0 : i32
      %dma_start3A_11 = tpu.memref_slice %arg3[%multiple_of3A_5, %dma_start3A] : memref<1024x128xi32, #tpu.memory_space<hbm>> -> memref<32x128xi32, #tpu.memory_space<hbm>>
      %dma_start3A_12 = arith.constant 0 : i32
      %dma_start3A_13 = tpu.memref_slice %arg3[%multiple_of3A_5, %dma_start3A_12] : memref<1024x128xi32, #tpu.memory_space<hbm>> -> memref<32x128xi32, #tpu.memory_space<hbm>>
      tpu.enqueue_dma source(%dma_start3A_13 : memref<32x128xi32, #tpu.memory_space<hbm>>) target(%arg5 : memref<32x128xi32, #tpu.memory_space<vmem>>) target_semaphore(%run_scoped3A : memref<!tpu.dma_semaphore, #tpu.memory_space<semaphore_mem>>)
      %dma_wait3A = arith.constant 0 : i32
      %dma_wait3A_14 = tpu.memref_slice %arg3[%multiple_of3A_5, %dma_wait3A] : memref<1024x128xi32, #tpu.memory_space<hbm>> -> memref<32x128xi32, #tpu.memory_space<hbm>>
      %dma_wait3A_15 = arith.constant 0 : i32
      %dma_wait3A_16 = tpu.memref_slice %arg3[%multiple_of3A_5, %dma_wait3A_15] : memref<1024x128xi32, #tpu.memory_space<hbm>> -> memref<32x128xi32, #tpu.memory_space<hbm>>
      tpu.wait_dma2 semaphore(%run_scoped3A : memref<!tpu.dma_semaphore, #tpu.memory_space<semaphore_mem>>) src(%dma_wait3A_16 : memref<32x128xi32, #tpu.memory_space<hbm>>) dst(%arg5 : memref<32x128xi32, #tpu.memory_space<vmem>>)
      tpu.yield
    }) : () -> ()
    %scan3A = arith.constant 0 : i32
    %scan3A_6 = arith.constant 0 : i32
    %scan3A_7 = arith.constant 8 : i32
    %scan3A_8 = arith.addi %scan3A_6, %scan3A_7 : i32
    %scan3A_9 = arith.constant 1 : i32
    scf.for %scan3A_11 = %scan3A_6 to %scan3A_8 step %scan3A_9  : i32 {
      %mul3A_12 = arith.constant 4 : i32
      %mul3A_13 = arith.muli %scan3A_11, %mul3A_12 : i32
      %add3A_14 = arith.constant 0 : i32
      %add3A_15 = arith.addi %mul3A_13, %add3A_14 : i32
      %dma_start3A = arith.constant 0 : i32
      %dma_start3A_16 = arith.constant 0 : i32
      %dma_start3A_17 = tpu.memref_slice %arg6[%dma_start3A, %dma_start3A_16] : memref<512x128xf32, #tpu.memory_space<vmem>> -> memref<128x128xf32, #tpu.memory_space<vmem>>
      %dma_start3A_18 = arith.constant 0 : i32
      %dma_start3A_19 = tpu.memref_slice %arg5[%add3A_15, %dma_start3A_18] : memref<32x128xi32, #tpu.memory_space<vmem>> -> memref<1x128xi32, #tpu.memory_space<vmem>>
      %dma_start3A_20 = tpu.memref_squeeze %dma_start3A_19 : memref<1x128xi32, #tpu.memory_space<vmem>> -> memref<128xi32, #tpu.memory_space<vmem>>
      %dma_start3A_21 = arith.constant 0 : i32
      %dma_start3A_22 = arith.constant 0 : i32
      %dma_start3A_23 = tpu.memref_slice %arg2[%dma_start3A_21, %dma_start3A_22] : memref<32768x128xf32, #tpu.memory_space<hbm>> -> memref<32768x128xf32, #tpu.memory_space<hbm>>
      tpu.enqueue_indirect_dma source(%dma_start3A_23 : memref<32768x128xf32, #tpu.memory_space<hbm>>) target(%dma_start3A_17 : memref<128x128xf32, #tpu.memory_space<vmem>>) offsets(%dma_start3A_20 : memref<128xi32, #tpu.memory_space<vmem>>) semaphore(%arg7 : memref<!tpu.dma_semaphore, #tpu.memory_space<semaphore_mem>>)
      %mul3A_24 = arith.constant 4 : i32
      %mul3A_25 = arith.muli %scan3A_11, %mul3A_24 : i32
      %add3A_26 = arith.constant 1 : i32
      %add3A_27 = arith.addi %mul3A_25, %add3A_26 : i32
      %dma_start3A_28 = arith.constant 128 : i32
      %dma_start3A_29 = arith.constant 0 : i32
      %dma_start3A_30 = tpu.memref_slice %arg6[%dma_start3A_28, %dma_start3A_29] : memref<512x128xf32, #tpu.memory_space<vmem>> -> memref<128x128xf32, #tpu.memory_space<vmem>>
      %dma_start3A_31 = arith.constant 0 : i32
      %dma_start3A_32 = tpu.memref_slice %arg5[%add3A_27, %dma_start3A_31] : memref<32x128xi32, #tpu.memory_space<vmem>> -> memref<1x128xi32, #tpu.memory_space<vmem>>
      %dma_start3A_33 = tpu.memref_squeeze %dma_start3A_32 : memref<1x128xi32, #tpu.memory_space<vmem>> -> memref<128xi32, #tpu.memory_space<vmem>>
      %dma_start3A_34 = arith.constant 0 : i32
      %dma_start3A_35 = arith.constant 0 : i32
      %dma_start3A_36 = tpu.memref_slice %arg2[%dma_start3A_34, %dma_start3A_35] : memref<32768x128xf32, #tpu.memory_space<hbm>> -> memref<32768x128xf32, #tpu.memory_space<hbm>>
      tpu.enqueue_indirect_dma source(%dma_start3A_36 : memref<32768x128xf32, #tpu.memory_space<hbm>>) target(%dma_start3A_30 : memref<128x128xf32, #tpu.memory_space<vmem>>) offsets(%dma_start3A_33 : memref<128xi32, #tpu.memory_space<vmem>>) semaphore(%arg7 : memref<!tpu.dma_semaphore, #tpu.memory_space<semaphore_mem>>)
      %mul3A_37 = arith.constant 4 : i32
      %mul3A_38 = arith.muli %scan3A_11, %mul3A_37 : i32
      %add3A_39 = arith.constant 2 : i32
      %add3A_40 = arith.addi %mul3A_38, %add3A_39 : i32
      %dma_start3A_41 = arith.constant 256 : i32
      %dma_start3A_42 = arith.constant 0 : i32
      %dma_start3A_43 = tpu.memref_slice %arg6[%dma_start3A_41, %dma_start3A_42] : memref<512x128xf32, #tpu.memory_space<vmem>> -> memref<128x128xf32, #tpu.memory_space<vmem>>
      %dma_start3A_44 = arith.constant 0 : i32
      %dma_start3A_45 = tpu.memref_slice %arg5[%add3A_40, %dma_start3A_44] : memref<32x128xi32, #tpu.memory_space<vmem>> -> memref<1x128xi32, #tpu.memory_space<vmem>>
      %dma_start3A_46 = tpu.memref_squeeze %dma_start3A_45 : memref<1x128xi32, #tpu.memory_space<vmem>> -> memref<128xi32, #tpu.memory_space<vmem>>
      %dma_start3A_47 = arith.constant 0 : i32
      %dma_start3A_48 = arith.constant 0 : i32
      %dma_start3A_49 = tpu.memref_slice %arg2[%dma_start3A_47, %dma_start3A_48] : memref<32768x128xf32, #tpu.memory_space<hbm>> -> memref<32768x128xf32, #tpu.memory_space<hbm>>
      tpu.enqueue_indirect_dma source(%dma_start3A_49 : memref<32768x128xf32, #tpu.memory_space<hbm>>) target(%dma_start3A_43 : memref<128x128xf32, #tpu.memory_space<vmem>>) offsets(%dma_start3A_46 : memref<128xi32, #tpu.memory_space<vmem>>) semaphore(%arg7 : memref<!tpu.dma_semaphore, #tpu.memory_space<semaphore_mem>>)
      %mul3A_50 = arith.constant 4 : i32
      %mul3A_51 = arith.muli %scan3A_11, %mul3A_50 : i32
      %add3A_52 = arith.constant 3 : i32
      %add3A_53 = arith.addi %mul3A_51, %add3A_52 : i32
      %dma_start3A_54 = arith.constant 384 : i32
      %dma_start3A_55 = arith.constant 0 : i32
      %dma_start3A_56 = tpu.memref_slice %arg6[%dma_start3A_54, %dma_start3A_55] : memref<512x128xf32, #tpu.memory_space<vmem>> -> memref<128x128xf32, #tpu.memory_space<vmem>>
      %dma_start3A_57 = arith.constant 0 : i32
      %dma_start3A_58 = tpu.memref_slice %arg5[%add3A_53, %dma_start3A_57] : memref<32x128xi32, #tpu.memory_space<vmem>> -> memref<1x128xi32, #tpu.memory_space<vmem>>
      %dma_start3A_59 = tpu.memref_squeeze %dma_start3A_58 : memref<1x128xi32, #tpu.memory_space<vmem>> -> memref<128xi32, #tpu.memory_space<vmem>>
      %dma_start3A_60 = arith.constant 0 : i32
      %dma_start3A_61 = arith.constant 0 : i32
      %dma_start3A_62 = tpu.memref_slice %arg2[%dma_start3A_60, %dma_start3A_61] : memref<32768x128xf32, #tpu.memory_space<hbm>> -> memref<32768x128xf32, #tpu.memory_space<hbm>>
      tpu.enqueue_indirect_dma source(%dma_start3A_62 : memref<32768x128xf32, #tpu.memory_space<hbm>>) target(%dma_start3A_56 : memref<128x128xf32, #tpu.memory_space<vmem>>) offsets(%dma_start3A_59 : memref<128xi32, #tpu.memory_space<vmem>>) semaphore(%arg7 : memref<!tpu.dma_semaphore, #tpu.memory_space<semaphore_mem>>)
      %dma_wait3A = arith.constant 0 : i32
      %dma_wait3A_63 = arith.constant 0 : i32
      %dma_wait3A_64 = tpu.memref_slice %arg6[%dma_wait3A, %dma_wait3A_63] : memref<512x128xf32, #tpu.memory_space<vmem>> -> memref<128x128xf32, #tpu.memory_space<vmem>>
      %dma_wait3A_65 = arith.constant 0 : i32
      %dma_wait3A_66 = tpu.memref_slice %arg5[%add3A_15, %dma_wait3A_65] : memref<32x128xi32, #tpu.memory_space<vmem>> -> memref<1x128xi32, #tpu.memory_space<vmem>>
      %dma_wait3A_67 = tpu.memref_squeeze %dma_wait3A_66 : memref<1x128xi32, #tpu.memory_space<vmem>> -> memref<128xi32, #tpu.memory_space<vmem>>
      %dma_wait3A_68 = arith.constant 0 : i32
      %dma_wait3A_69 = arith.constant 0 : i32
      %dma_wait3A_70 = tpu.memref_slice %arg2[%dma_wait3A_68, %dma_wait3A_69] : memref<32768x128xf32, #tpu.memory_space<hbm>> -> memref<32768x128xf32, #tpu.memory_space<hbm>>
      tpu.wait_indirect_dma semaphore(%arg7 : memref<!tpu.dma_semaphore, #tpu.memory_space<semaphore_mem>>) src(%dma_wait3A_70 : memref<32768x128xf32, #tpu.memory_space<hbm>>) dst(%dma_wait3A_64 : memref<128x128xf32, #tpu.memory_space<vmem>>)
      %dma_wait3A_71 = arith.constant 128 : i32
      %dma_wait3A_72 = arith.constant 0 : i32
      %dma_wait3A_73 = tpu.memref_slice %arg6[%dma_wait3A_71, %dma_wait3A_72] : memref<512x128xf32, #tpu.memory_space<vmem>> -> memref<128x128xf32, #tpu.memory_space<vmem>>
      %dma_wait3A_74 = arith.constant 0 : i32
      %dma_wait3A_75 = tpu.memref_slice %arg5[%add3A_27, %dma_wait3A_74] : memref<32x128xi32, #tpu.memory_space<vmem>> -> memref<1x128xi32, #tpu.memory_space<vmem>>
      %dma_wait3A_76 = tpu.memref_squeeze %dma_wait3A_75 : memref<1x128xi32, #tpu.memory_space<vmem>> -> memref<128xi32, #tpu.memory_space<vmem>>
      %dma_wait3A_77 = arith.constant 0 : i32
      %dma_wait3A_78 = arith.constant 0 : i32
      %dma_wait3A_79 = tpu.memref_slice %arg2[%dma_wait3A_77, %dma_wait3A_78] : memref<32768x128xf32, #tpu.memory_space<hbm>> -> memref<32768x128xf32, #tpu.memory_space<hbm>>
      tpu.wait_indirect_dma semaphore(%arg7 : memref<!tpu.dma_semaphore, #tpu.memory_space<semaphore_mem>>) src(%dma_wait3A_79 : memref<32768x128xf32, #tpu.memory_space<hbm>>) dst(%dma_wait3A_73 : memref<128x128xf32, #tpu.memory_space<vmem>>)
      %dma_wait3A_80 = arith.constant 256 : i32
      %dma_wait3A_81 = arith.constant 0 : i32
      %dma_wait3A_82 = tpu.memref_slice %arg6[%dma_wait3A_80, %dma_wait3A_81] : memref<512x128xf32, #tpu.memory_space<vmem>> -> memref<128x128xf32, #tpu.memory_space<vmem>>
      %dma_wait3A_83 = arith.constant 0 : i32
      %dma_wait3A_84 = tpu.memref_slice %arg5[%add3A_40, %dma_wait3A_83] : memref<32x128xi32, #tpu.memory_space<vmem>> -> memref<1x128xi32, #tpu.memory_space<vmem>>
      %dma_wait3A_85 = tpu.memref_squeeze %dma_wait3A_84 : memref<1x128xi32, #tpu.memory_space<vmem>> -> memref<128xi32, #tpu.memory_space<vmem>>
      %dma_wait3A_86 = arith.constant 0 : i32
      %dma_wait3A_87 = arith.constant 0 : i32
      %dma_wait3A_88 = tpu.memref_slice %arg2[%dma_wait3A_86, %dma_wait3A_87] : memref<32768x128xf32, #tpu.memory_space<hbm>> -> memref<32768x128xf32, #tpu.memory_space<hbm>>
      tpu.wait_indirect_dma semaphore(%arg7 : memref<!tpu.dma_semaphore, #tpu.memory_space<semaphore_mem>>) src(%dma_wait3A_88 : memref<32768x128xf32, #tpu.memory_space<hbm>>) dst(%dma_wait3A_82 : memref<128x128xf32, #tpu.memory_space<vmem>>)
      %dma_wait3A_89 = arith.constant 384 : i32
      %dma_wait3A_90 = arith.constant 0 : i32
      %dma_wait3A_91 = tpu.memref_slice %arg6[%dma_wait3A_89, %dma_wait3A_90] : memref<512x128xf32, #tpu.memory_space<vmem>> -> memref<128x128xf32, #tpu.memory_space<vmem>>
      %dma_wait3A_92 = arith.constant 0 : i32
      %dma_wait3A_93 = tpu.memref_slice %arg5[%add3A_53, %dma_wait3A_92] : memref<32x128xi32, #tpu.memory_space<vmem>> -> memref<1x128xi32, #tpu.memory_space<vmem>>
      %dma_wait3A_94 = tpu.memref_squeeze %dma_wait3A_93 : memref<1x128xi32, #tpu.memory_space<vmem>> -> memref<128xi32, #tpu.memory_space<vmem>>
      %dma_wait3A_95 = arith.constant 0 : i32
      %dma_wait3A_96 = arith.constant 0 : i32
      %dma_wait3A_97 = tpu.memref_slice %arg2[%dma_wait3A_95, %dma_wait3A_96] : memref<32768x128xf32, #tpu.memory_space<hbm>> -> memref<32768x128xf32, #tpu.memory_space<hbm>>
      tpu.wait_indirect_dma semaphore(%arg7 : memref<!tpu.dma_semaphore, #tpu.memory_space<semaphore_mem>>) src(%dma_wait3A_97 : memref<32768x128xf32, #tpu.memory_space<hbm>>) dst(%dma_wait3A_91 : memref<128x128xf32, #tpu.memory_space<vmem>>)
      %mul3A_98 = arith.constant 512 : i32
      %mul3A_99 = arith.muli %scan3A_11, %mul3A_98 : i32
      %add3A_100 = arith.addi %multiple_of3A, %mul3A_99 : i32
      %multiple_of3A_101 = tpu.assume_multiple %add3A_100, 512 : i32
      "tpu.region"() ({
        %run_scoped3A = tpu.sem_alloc : memref<!tpu.dma_semaphore, #tpu.memory_space<semaphore_mem>>
        %dma_start3A_102 = arith.constant 0 : i32
        %dma_start3A_103 = tpu.memref_slice %arg4[%multiple_of3A_101, %dma_start3A_102] : memref<131072x128xf32, #tpu.memory_space<hbm>> -> memref<512x128xf32, #tpu.memory_space<hbm>>
        %dma_start3A_104 = arith.constant 0 : i32
        %dma_start3A_105 = tpu.memref_slice %arg4[%multiple_of3A_101, %dma_start3A_104] : memref<131072x128xf32, #tpu.memory_space<hbm>> -> memref<512x128xf32, #tpu.memory_space<hbm>>
        tpu.enqueue_dma source(%arg6 : memref<512x128xf32, #tpu.memory_space<vmem>>) target(%dma_start3A_105 : memref<512x128xf32, #tpu.memory_space<hbm>>) target_semaphore(%run_scoped3A : memref<!tpu.dma_semaphore, #tpu.memory_space<semaphore_mem>>)
        %dma_wait3A_106 = arith.constant 0 : i32
        %dma_wait3A_107 = tpu.memref_slice %arg4[%multiple_of3A_101, %dma_wait3A_106] : memref<131072x128xf32, #tpu.memory_space<hbm>> -> memref<512x128xf32, #tpu.memory_space<hbm>>
        %dma_wait3A_108 = arith.constant 0 : i32
        %dma_wait3A_109 = tpu.memref_slice %arg4[%multiple_of3A_101, %dma_wait3A_108] : memref<131072x128xf32, #tpu.memory_space<hbm>> -> memref<512x128xf32, #tpu.memory_space<hbm>>
        tpu.wait_dma2 semaphore(%run_scoped3A : memref<!tpu.dma_semaphore, #tpu.memory_space<semaphore_mem>>) src(%arg6 : memref<512x128xf32, #tpu.memory_space<vmem>>) dst(%dma_wait3A_109 : memref<512x128xf32, #tpu.memory_space<hbm>>)
        tpu.yield
      }) : () -> ()
    }
    %scan3A_10 = arith.constant 8 : i32
    return
  }
}

#map = affine_map<(d0, d1) -> (0, 0)>
module attributes {stable_mosaic.version = 14 : i64} {
  func.func @gather_k(%arg0: i32, %arg1: i32, %arg2: memref<32768x128xf32, #tpu.memory_space<hbm>>, %arg3: memref<2048x128xi32, #tpu.memory_space<hbm>>, %arg4: memref<262144x128xf32, #tpu.memory_space<hbm>>, %arg5: memref<64x128xi32, #tpu.memory_space<vmem>>, %arg6: memref<512x128xf32, #tpu.memory_space<vmem>>, %arg7: memref<!tpu.dma_semaphore, #tpu.memory_space<semaphore_mem>>) attributes {dimension_semantics = [#tpu.dimension_semantics<core_parallel>, #tpu.dimension_semantics<subcore_parallel>], iteration_bounds = array<i64: 2, 16>, scalar_prefetch = 0 : i64, scratch_operands = 3 : i64, tpu.core_type = #tpu.core_type<sc_vector_subcore>, window_params = [{transform_indices = #map}, {transform_indices = #map}, {transform_indices = #map}]} {
    %mul3A = arith.constant 2 : i32
    %mul3A_0 = arith.muli %arg1, %mul3A : i32
    %add3A = arith.addi %mul3A_0, %arg0 : i32
    %mul3A_1 = arith.constant 8192 : i32
    %mul3A_2 = arith.muli %add3A, %mul3A_1 : i32
    %multiple_of3A = tpu.assume_multiple %mul3A_2, 512 : i32
    %mul3A_3 = arith.constant 64 : i32
    %mul3A_4 = arith.muli %add3A, %mul3A_3 : i32
    %multiple_of3A_5 = tpu.assume_multiple %mul3A_4, 8 : i32
    "tpu.region"() ({
      %run_scoped3A = tpu.sem_alloc : memref<!tpu.dma_semaphore, #tpu.memory_space<semaphore_mem>>
      %dma_start3A = arith.constant 0 : i32
      %dma_start3A_11 = tpu.memref_slice %arg3[%multiple_of3A_5, %dma_start3A] : memref<2048x128xi32, #tpu.memory_space<hbm>> -> memref<64x128xi32, #tpu.memory_space<hbm>>
      %dma_start3A_12 = arith.constant 0 : i32
      %dma_start3A_13 = tpu.memref_slice %arg3[%multiple_of3A_5, %dma_start3A_12] : memref<2048x128xi32, #tpu.memory_space<hbm>> -> memref<64x128xi32, #tpu.memory_space<hbm>>
      tpu.enqueue_dma source(%dma_start3A_13 : memref<64x128xi32, #tpu.memory_space<hbm>>) target(%arg5 : memref<64x128xi32, #tpu.memory_space<vmem>>) target_semaphore(%run_scoped3A : memref<!tpu.dma_semaphore, #tpu.memory_space<semaphore_mem>>)
      %dma_wait3A = arith.constant 0 : i32
      %dma_wait3A_14 = tpu.memref_slice %arg3[%multiple_of3A_5, %dma_wait3A] : memref<2048x128xi32, #tpu.memory_space<hbm>> -> memref<64x128xi32, #tpu.memory_space<hbm>>
      %dma_wait3A_15 = arith.constant 0 : i32
      %dma_wait3A_16 = tpu.memref_slice %arg3[%multiple_of3A_5, %dma_wait3A_15] : memref<2048x128xi32, #tpu.memory_space<hbm>> -> memref<64x128xi32, #tpu.memory_space<hbm>>
      tpu.wait_dma2 semaphore(%run_scoped3A : memref<!tpu.dma_semaphore, #tpu.memory_space<semaphore_mem>>) src(%dma_wait3A_16 : memref<64x128xi32, #tpu.memory_space<hbm>>) dst(%arg5 : memref<64x128xi32, #tpu.memory_space<vmem>>)
      tpu.yield
    }) : () -> ()
    %scan3A = arith.constant 0 : i32
    %scan3A_6 = arith.constant 0 : i32
    %scan3A_7 = arith.constant 16 : i32
    %scan3A_8 = arith.addi %scan3A_6, %scan3A_7 : i32
    %scan3A_9 = arith.constant 1 : i32
    scf.for %scan3A_11 = %scan3A_6 to %scan3A_8 step %scan3A_9  : i32 {
      %mul3A_12 = arith.constant 4 : i32
      %mul3A_13 = arith.muli %scan3A_11, %mul3A_12 : i32
      %add3A_14 = arith.constant 0 : i32
      %add3A_15 = arith.addi %mul3A_13, %add3A_14 : i32
      %dma_start3A = arith.constant 0 : i32
      %dma_start3A_16 = arith.constant 0 : i32
      %dma_start3A_17 = tpu.memref_slice %arg6[%dma_start3A, %dma_start3A_16] : memref<512x128xf32, #tpu.memory_space<vmem>> -> memref<128x128xf32, #tpu.memory_space<vmem>>
      %dma_start3A_18 = arith.constant 0 : i32
      %dma_start3A_19 = tpu.memref_slice %arg5[%add3A_15, %dma_start3A_18] : memref<64x128xi32, #tpu.memory_space<vmem>> -> memref<1x128xi32, #tpu.memory_space<vmem>>
      %dma_start3A_20 = tpu.memref_squeeze %dma_start3A_19 : memref<1x128xi32, #tpu.memory_space<vmem>> -> memref<128xi32, #tpu.memory_space<vmem>>
      %dma_start3A_21 = arith.constant 0 : i32
      %dma_start3A_22 = arith.constant 0 : i32
      %dma_start3A_23 = tpu.memref_slice %arg2[%dma_start3A_21, %dma_start3A_22] : memref<32768x128xf32, #tpu.memory_space<hbm>> -> memref<32768x128xf32, #tpu.memory_space<hbm>>
      tpu.enqueue_indirect_dma source(%dma_start3A_23 : memref<32768x128xf32, #tpu.memory_space<hbm>>) target(%dma_start3A_17 : memref<128x128xf32, #tpu.memory_space<vmem>>) offsets(%dma_start3A_20 : memref<128xi32, #tpu.memory_space<vmem>>) semaphore(%arg7 : memref<!tpu.dma_semaphore, #tpu.memory_space<semaphore_mem>>)
      %mul3A_24 = arith.constant 4 : i32
      %mul3A_25 = arith.muli %scan3A_11, %mul3A_24 : i32
      %add3A_26 = arith.constant 1 : i32
      %add3A_27 = arith.addi %mul3A_25, %add3A_26 : i32
      %dma_start3A_28 = arith.constant 128 : i32
      %dma_start3A_29 = arith.constant 0 : i32
      %dma_start3A_30 = tpu.memref_slice %arg6[%dma_start3A_28, %dma_start3A_29] : memref<512x128xf32, #tpu.memory_space<vmem>> -> memref<128x128xf32, #tpu.memory_space<vmem>>
      %dma_start3A_31 = arith.constant 0 : i32
      %dma_start3A_32 = tpu.memref_slice %arg5[%add3A_27, %dma_start3A_31] : memref<64x128xi32, #tpu.memory_space<vmem>> -> memref<1x128xi32, #tpu.memory_space<vmem>>
      %dma_start3A_33 = tpu.memref_squeeze %dma_start3A_32 : memref<1x128xi32, #tpu.memory_space<vmem>> -> memref<128xi32, #tpu.memory_space<vmem>>
      %dma_start3A_34 = arith.constant 0 : i32
      %dma_start3A_35 = arith.constant 0 : i32
      %dma_start3A_36 = tpu.memref_slice %arg2[%dma_start3A_34, %dma_start3A_35] : memref<32768x128xf32, #tpu.memory_space<hbm>> -> memref<32768x128xf32, #tpu.memory_space<hbm>>
      tpu.enqueue_indirect_dma source(%dma_start3A_36 : memref<32768x128xf32, #tpu.memory_space<hbm>>) target(%dma_start3A_30 : memref<128x128xf32, #tpu.memory_space<vmem>>) offsets(%dma_start3A_33 : memref<128xi32, #tpu.memory_space<vmem>>) semaphore(%arg7 : memref<!tpu.dma_semaphore, #tpu.memory_space<semaphore_mem>>)
      %mul3A_37 = arith.constant 4 : i32
      %mul3A_38 = arith.muli %scan3A_11, %mul3A_37 : i32
      %add3A_39 = arith.constant 2 : i32
      %add3A_40 = arith.addi %mul3A_38, %add3A_39 : i32
      %dma_start3A_41 = arith.constant 256 : i32
      %dma_start3A_42 = arith.constant 0 : i32
      %dma_start3A_43 = tpu.memref_slice %arg6[%dma_start3A_41, %dma_start3A_42] : memref<512x128xf32, #tpu.memory_space<vmem>> -> memref<128x128xf32, #tpu.memory_space<vmem>>
      %dma_start3A_44 = arith.constant 0 : i32
      %dma_start3A_45 = tpu.memref_slice %arg5[%add3A_40, %dma_start3A_44] : memref<64x128xi32, #tpu.memory_space<vmem>> -> memref<1x128xi32, #tpu.memory_space<vmem>>
      %dma_start3A_46 = tpu.memref_squeeze %dma_start3A_45 : memref<1x128xi32, #tpu.memory_space<vmem>> -> memref<128xi32, #tpu.memory_space<vmem>>
      %dma_start3A_47 = arith.constant 0 : i32
      %dma_start3A_48 = arith.constant 0 : i32
      %dma_start3A_49 = tpu.memref_slice %arg2[%dma_start3A_47, %dma_start3A_48] : memref<32768x128xf32, #tpu.memory_space<hbm>> -> memref<32768x128xf32, #tpu.memory_space<hbm>>
      tpu.enqueue_indirect_dma source(%dma_start3A_49 : memref<32768x128xf32, #tpu.memory_space<hbm>>) target(%dma_start3A_43 : memref<128x128xf32, #tpu.memory_space<vmem>>) offsets(%dma_start3A_46 : memref<128xi32, #tpu.memory_space<vmem>>) semaphore(%arg7 : memref<!tpu.dma_semaphore, #tpu.memory_space<semaphore_mem>>)
      %mul3A_50 = arith.constant 4 : i32
      %mul3A_51 = arith.muli %scan3A_11, %mul3A_50 : i32
      %add3A_52 = arith.constant 3 : i32
      %add3A_53 = arith.addi %mul3A_51, %add3A_52 : i32
      %dma_start3A_54 = arith.constant 384 : i32
      %dma_start3A_55 = arith.constant 0 : i32
      %dma_start3A_56 = tpu.memref_slice %arg6[%dma_start3A_54, %dma_start3A_55] : memref<512x128xf32, #tpu.memory_space<vmem>> -> memref<128x128xf32, #tpu.memory_space<vmem>>
      %dma_start3A_57 = arith.constant 0 : i32
      %dma_start3A_58 = tpu.memref_slice %arg5[%add3A_53, %dma_start3A_57] : memref<64x128xi32, #tpu.memory_space<vmem>> -> memref<1x128xi32, #tpu.memory_space<vmem>>
      %dma_start3A_59 = tpu.memref_squeeze %dma_start3A_58 : memref<1x128xi32, #tpu.memory_space<vmem>> -> memref<128xi32, #tpu.memory_space<vmem>>
      %dma_start3A_60 = arith.constant 0 : i32
      %dma_start3A_61 = arith.constant 0 : i32
      %dma_start3A_62 = tpu.memref_slice %arg2[%dma_start3A_60, %dma_start3A_61] : memref<32768x128xf32, #tpu.memory_space<hbm>> -> memref<32768x128xf32, #tpu.memory_space<hbm>>
      tpu.enqueue_indirect_dma source(%dma_start3A_62 : memref<32768x128xf32, #tpu.memory_space<hbm>>) target(%dma_start3A_56 : memref<128x128xf32, #tpu.memory_space<vmem>>) offsets(%dma_start3A_59 : memref<128xi32, #tpu.memory_space<vmem>>) semaphore(%arg7 : memref<!tpu.dma_semaphore, #tpu.memory_space<semaphore_mem>>)
      %dma_wait3A = arith.constant 0 : i32
      %dma_wait3A_63 = arith.constant 0 : i32
      %dma_wait3A_64 = tpu.memref_slice %arg6[%dma_wait3A, %dma_wait3A_63] : memref<512x128xf32, #tpu.memory_space<vmem>> -> memref<128x128xf32, #tpu.memory_space<vmem>>
      %dma_wait3A_65 = arith.constant 0 : i32
      %dma_wait3A_66 = tpu.memref_slice %arg5[%add3A_15, %dma_wait3A_65] : memref<64x128xi32, #tpu.memory_space<vmem>> -> memref<1x128xi32, #tpu.memory_space<vmem>>
      %dma_wait3A_67 = tpu.memref_squeeze %dma_wait3A_66 : memref<1x128xi32, #tpu.memory_space<vmem>> -> memref<128xi32, #tpu.memory_space<vmem>>
      %dma_wait3A_68 = arith.constant 0 : i32
      %dma_wait3A_69 = arith.constant 0 : i32
      %dma_wait3A_70 = tpu.memref_slice %arg2[%dma_wait3A_68, %dma_wait3A_69] : memref<32768x128xf32, #tpu.memory_space<hbm>> -> memref<32768x128xf32, #tpu.memory_space<hbm>>
      tpu.wait_indirect_dma semaphore(%arg7 : memref<!tpu.dma_semaphore, #tpu.memory_space<semaphore_mem>>) src(%dma_wait3A_70 : memref<32768x128xf32, #tpu.memory_space<hbm>>) dst(%dma_wait3A_64 : memref<128x128xf32, #tpu.memory_space<vmem>>)
      %dma_wait3A_71 = arith.constant 128 : i32
      %dma_wait3A_72 = arith.constant 0 : i32
      %dma_wait3A_73 = tpu.memref_slice %arg6[%dma_wait3A_71, %dma_wait3A_72] : memref<512x128xf32, #tpu.memory_space<vmem>> -> memref<128x128xf32, #tpu.memory_space<vmem>>
      %dma_wait3A_74 = arith.constant 0 : i32
      %dma_wait3A_75 = tpu.memref_slice %arg5[%add3A_27, %dma_wait3A_74] : memref<64x128xi32, #tpu.memory_space<vmem>> -> memref<1x128xi32, #tpu.memory_space<vmem>>
      %dma_wait3A_76 = tpu.memref_squeeze %dma_wait3A_75 : memref<1x128xi32, #tpu.memory_space<vmem>> -> memref<128xi32, #tpu.memory_space<vmem>>
      %dma_wait3A_77 = arith.constant 0 : i32
      %dma_wait3A_78 = arith.constant 0 : i32
      %dma_wait3A_79 = tpu.memref_slice %arg2[%dma_wait3A_77, %dma_wait3A_78] : memref<32768x128xf32, #tpu.memory_space<hbm>> -> memref<32768x128xf32, #tpu.memory_space<hbm>>
      tpu.wait_indirect_dma semaphore(%arg7 : memref<!tpu.dma_semaphore, #tpu.memory_space<semaphore_mem>>) src(%dma_wait3A_79 : memref<32768x128xf32, #tpu.memory_space<hbm>>) dst(%dma_wait3A_73 : memref<128x128xf32, #tpu.memory_space<vmem>>)
      %dma_wait3A_80 = arith.constant 256 : i32
      %dma_wait3A_81 = arith.constant 0 : i32
      %dma_wait3A_82 = tpu.memref_slice %arg6[%dma_wait3A_80, %dma_wait3A_81] : memref<512x128xf32, #tpu.memory_space<vmem>> -> memref<128x128xf32, #tpu.memory_space<vmem>>
      %dma_wait3A_83 = arith.constant 0 : i32
      %dma_wait3A_84 = tpu.memref_slice %arg5[%add3A_40, %dma_wait3A_83] : memref<64x128xi32, #tpu.memory_space<vmem>> -> memref<1x128xi32, #tpu.memory_space<vmem>>
      %dma_wait3A_85 = tpu.memref_squeeze %dma_wait3A_84 : memref<1x128xi32, #tpu.memory_space<vmem>> -> memref<128xi32, #tpu.memory_space<vmem>>
      %dma_wait3A_86 = arith.constant 0 : i32
      %dma_wait3A_87 = arith.constant 0 : i32
      %dma_wait3A_88 = tpu.memref_slice %arg2[%dma_wait3A_86, %dma_wait3A_87] : memref<32768x128xf32, #tpu.memory_space<hbm>> -> memref<32768x128xf32, #tpu.memory_space<hbm>>
      tpu.wait_indirect_dma semaphore(%arg7 : memref<!tpu.dma_semaphore, #tpu.memory_space<semaphore_mem>>) src(%dma_wait3A_88 : memref<32768x128xf32, #tpu.memory_space<hbm>>) dst(%dma_wait3A_82 : memref<128x128xf32, #tpu.memory_space<vmem>>)
      %dma_wait3A_89 = arith.constant 384 : i32
      %dma_wait3A_90 = arith.constant 0 : i32
      %dma_wait3A_91 = tpu.memref_slice %arg6[%dma_wait3A_89, %dma_wait3A_90] : memref<512x128xf32, #tpu.memory_space<vmem>> -> memref<128x128xf32, #tpu.memory_space<vmem>>
      %dma_wait3A_92 = arith.constant 0 : i32
      %dma_wait3A_93 = tpu.memref_slice %arg5[%add3A_53, %dma_wait3A_92] : memref<64x128xi32, #tpu.memory_space<vmem>> -> memref<1x128xi32, #tpu.memory_space<vmem>>
      %dma_wait3A_94 = tpu.memref_squeeze %dma_wait3A_93 : memref<1x128xi32, #tpu.memory_space<vmem>> -> memref<128xi32, #tpu.memory_space<vmem>>
      %dma_wait3A_95 = arith.constant 0 : i32
      %dma_wait3A_96 = arith.constant 0 : i32
      %dma_wait3A_97 = tpu.memref_slice %arg2[%dma_wait3A_95, %dma_wait3A_96] : memref<32768x128xf32, #tpu.memory_space<hbm>> -> memref<32768x128xf32, #tpu.memory_space<hbm>>
      tpu.wait_indirect_dma semaphore(%arg7 : memref<!tpu.dma_semaphore, #tpu.memory_space<semaphore_mem>>) src(%dma_wait3A_97 : memref<32768x128xf32, #tpu.memory_space<hbm>>) dst(%dma_wait3A_91 : memref<128x128xf32, #tpu.memory_space<vmem>>)
      %mul3A_98 = arith.constant 512 : i32
      %mul3A_99 = arith.muli %scan3A_11, %mul3A_98 : i32
      %add3A_100 = arith.addi %multiple_of3A, %mul3A_99 : i32
      %multiple_of3A_101 = tpu.assume_multiple %add3A_100, 512 : i32
      "tpu.region"() ({
        %run_scoped3A = tpu.sem_alloc : memref<!tpu.dma_semaphore, #tpu.memory_space<semaphore_mem>>
        %dma_start3A_102 = arith.constant 0 : i32
        %dma_start3A_103 = tpu.memref_slice %arg4[%multiple_of3A_101, %dma_start3A_102] : memref<262144x128xf32, #tpu.memory_space<hbm>> -> memref<512x128xf32, #tpu.memory_space<hbm>>
        %dma_start3A_104 = arith.constant 0 : i32
        %dma_start3A_105 = tpu.memref_slice %arg4[%multiple_of3A_101, %dma_start3A_104] : memref<262144x128xf32, #tpu.memory_space<hbm>> -> memref<512x128xf32, #tpu.memory_space<hbm>>
        tpu.enqueue_dma source(%arg6 : memref<512x128xf32, #tpu.memory_space<vmem>>) target(%dma_start3A_105 : memref<512x128xf32, #tpu.memory_space<hbm>>) target_semaphore(%run_scoped3A : memref<!tpu.dma_semaphore, #tpu.memory_space<semaphore_mem>>)
        %dma_wait3A_106 = arith.constant 0 : i32
        %dma_wait3A_107 = tpu.memref_slice %arg4[%multiple_of3A_101, %dma_wait3A_106] : memref<262144x128xf32, #tpu.memory_space<hbm>> -> memref<512x128xf32, #tpu.memory_space<hbm>>
        %dma_wait3A_108 = arith.constant 0 : i32
        %dma_wait3A_109 = tpu.memref_slice %arg4[%multiple_of3A_101, %dma_wait3A_108] : memref<262144x128xf32, #tpu.memory_space<hbm>> -> memref<512x128xf32, #tpu.memory_space<hbm>>
        tpu.wait_dma2 semaphore(%run_scoped3A : memref<!tpu.dma_semaphore, #tpu.memory_space<semaphore_mem>>) src(%arg6 : memref<512x128xf32, #tpu.memory_space<vmem>>) dst(%dma_wait3A_109 : memref<512x128xf32, #tpu.memory_space<hbm>>)
        tpu.yield
      }) : () -> ()
    }
    %scan3A_10 = arith.constant 16 : i32
    return
  }
}

#map = affine_map<(d0, d1) -> (0, 0)>
module attributes {stable_mosaic.version = 14 : i64} {
  func.func @gather_k(%arg0: i32, %arg1: i32, %arg2: memref<32768x128xf32, #tpu.memory_space<hbm>>, %arg3: memref<4096x128xi32, #tpu.memory_space<hbm>>, %arg4: memref<524288x128xf32, #tpu.memory_space<hbm>>, %arg5: memref<128x128xi32, #tpu.memory_space<vmem>>, %arg6: memref<512x128xf32, #tpu.memory_space<vmem>>, %arg7: memref<!tpu.dma_semaphore, #tpu.memory_space<semaphore_mem>>) attributes {dimension_semantics = [#tpu.dimension_semantics<core_parallel>, #tpu.dimension_semantics<subcore_parallel>], iteration_bounds = array<i64: 2, 16>, scalar_prefetch = 0 : i64, scratch_operands = 3 : i64, tpu.core_type = #tpu.core_type<sc_vector_subcore>, window_params = [{transform_indices = #map}, {transform_indices = #map}, {transform_indices = #map}]} {
    %mul3A = arith.constant 2 : i32
    %mul3A_0 = arith.muli %arg1, %mul3A : i32
    %add3A = arith.addi %mul3A_0, %arg0 : i32
    %mul3A_1 = arith.constant 16384 : i32
    %mul3A_2 = arith.muli %add3A, %mul3A_1 : i32
    %multiple_of3A = tpu.assume_multiple %mul3A_2, 512 : i32
    %mul3A_3 = arith.constant 128 : i32
    %mul3A_4 = arith.muli %add3A, %mul3A_3 : i32
    %multiple_of3A_5 = tpu.assume_multiple %mul3A_4, 8 : i32
    "tpu.region"() ({
      %run_scoped3A = tpu.sem_alloc : memref<!tpu.dma_semaphore, #tpu.memory_space<semaphore_mem>>
      %dma_start3A = arith.constant 0 : i32
      %dma_start3A_11 = tpu.memref_slice %arg3[%multiple_of3A_5, %dma_start3A] : memref<4096x128xi32, #tpu.memory_space<hbm>> -> memref<128x128xi32, #tpu.memory_space<hbm>>
      %dma_start3A_12 = arith.constant 0 : i32
      %dma_start3A_13 = tpu.memref_slice %arg3[%multiple_of3A_5, %dma_start3A_12] : memref<4096x128xi32, #tpu.memory_space<hbm>> -> memref<128x128xi32, #tpu.memory_space<hbm>>
      tpu.enqueue_dma source(%dma_start3A_13 : memref<128x128xi32, #tpu.memory_space<hbm>>) target(%arg5 : memref<128x128xi32, #tpu.memory_space<vmem>>) target_semaphore(%run_scoped3A : memref<!tpu.dma_semaphore, #tpu.memory_space<semaphore_mem>>)
      %dma_wait3A = arith.constant 0 : i32
      %dma_wait3A_14 = tpu.memref_slice %arg3[%multiple_of3A_5, %dma_wait3A] : memref<4096x128xi32, #tpu.memory_space<hbm>> -> memref<128x128xi32, #tpu.memory_space<hbm>>
      %dma_wait3A_15 = arith.constant 0 : i32
      %dma_wait3A_16 = tpu.memref_slice %arg3[%multiple_of3A_5, %dma_wait3A_15] : memref<4096x128xi32, #tpu.memory_space<hbm>> -> memref<128x128xi32, #tpu.memory_space<hbm>>
      tpu.wait_dma2 semaphore(%run_scoped3A : memref<!tpu.dma_semaphore, #tpu.memory_space<semaphore_mem>>) src(%dma_wait3A_16 : memref<128x128xi32, #tpu.memory_space<hbm>>) dst(%arg5 : memref<128x128xi32, #tpu.memory_space<vmem>>)
      tpu.yield
    }) : () -> ()
    %scan3A = arith.constant 0 : i32
    %scan3A_6 = arith.constant 0 : i32
    %scan3A_7 = arith.constant 32 : i32
    %scan3A_8 = arith.addi %scan3A_6, %scan3A_7 : i32
    %scan3A_9 = arith.constant 1 : i32
    scf.for %scan3A_11 = %scan3A_6 to %scan3A_8 step %scan3A_9  : i32 {
      %mul3A_12 = arith.constant 4 : i32
      %mul3A_13 = arith.muli %scan3A_11, %mul3A_12 : i32
      %add3A_14 = arith.constant 0 : i32
      %add3A_15 = arith.addi %mul3A_13, %add3A_14 : i32
      %dma_start3A = arith.constant 0 : i32
      %dma_start3A_16 = arith.constant 0 : i32
      %dma_start3A_17 = tpu.memref_slice %arg6[%dma_start3A, %dma_start3A_16] : memref<512x128xf32, #tpu.memory_space<vmem>> -> memref<128x128xf32, #tpu.memory_space<vmem>>
      %dma_start3A_18 = arith.constant 0 : i32
      %dma_start3A_19 = tpu.memref_slice %arg5[%add3A_15, %dma_start3A_18] : memref<128x128xi32, #tpu.memory_space<vmem>> -> memref<1x128xi32, #tpu.memory_space<vmem>>
      %dma_start3A_20 = tpu.memref_squeeze %dma_start3A_19 : memref<1x128xi32, #tpu.memory_space<vmem>> -> memref<128xi32, #tpu.memory_space<vmem>>
      %dma_start3A_21 = arith.constant 0 : i32
      %dma_start3A_22 = arith.constant 0 : i32
      %dma_start3A_23 = tpu.memref_slice %arg2[%dma_start3A_21, %dma_start3A_22] : memref<32768x128xf32, #tpu.memory_space<hbm>> -> memref<32768x128xf32, #tpu.memory_space<hbm>>
      tpu.enqueue_indirect_dma source(%dma_start3A_23 : memref<32768x128xf32, #tpu.memory_space<hbm>>) target(%dma_start3A_17 : memref<128x128xf32, #tpu.memory_space<vmem>>) offsets(%dma_start3A_20 : memref<128xi32, #tpu.memory_space<vmem>>) semaphore(%arg7 : memref<!tpu.dma_semaphore, #tpu.memory_space<semaphore_mem>>)
      %mul3A_24 = arith.constant 4 : i32
      %mul3A_25 = arith.muli %scan3A_11, %mul3A_24 : i32
      %add3A_26 = arith.constant 1 : i32
      %add3A_27 = arith.addi %mul3A_25, %add3A_26 : i32
      %dma_start3A_28 = arith.constant 128 : i32
      %dma_start3A_29 = arith.constant 0 : i32
      %dma_start3A_30 = tpu.memref_slice %arg6[%dma_start3A_28, %dma_start3A_29] : memref<512x128xf32, #tpu.memory_space<vmem>> -> memref<128x128xf32, #tpu.memory_space<vmem>>
      %dma_start3A_31 = arith.constant 0 : i32
      %dma_start3A_32 = tpu.memref_slice %arg5[%add3A_27, %dma_start3A_31] : memref<128x128xi32, #tpu.memory_space<vmem>> -> memref<1x128xi32, #tpu.memory_space<vmem>>
      %dma_start3A_33 = tpu.memref_squeeze %dma_start3A_32 : memref<1x128xi32, #tpu.memory_space<vmem>> -> memref<128xi32, #tpu.memory_space<vmem>>
      %dma_start3A_34 = arith.constant 0 : i32
      %dma_start3A_35 = arith.constant 0 : i32
      %dma_start3A_36 = tpu.memref_slice %arg2[%dma_start3A_34, %dma_start3A_35] : memref<32768x128xf32, #tpu.memory_space<hbm>> -> memref<32768x128xf32, #tpu.memory_space<hbm>>
      tpu.enqueue_indirect_dma source(%dma_start3A_36 : memref<32768x128xf32, #tpu.memory_space<hbm>>) target(%dma_start3A_30 : memref<128x128xf32, #tpu.memory_space<vmem>>) offsets(%dma_start3A_33 : memref<128xi32, #tpu.memory_space<vmem>>) semaphore(%arg7 : memref<!tpu.dma_semaphore, #tpu.memory_space<semaphore_mem>>)
      %mul3A_37 = arith.constant 4 : i32
      %mul3A_38 = arith.muli %scan3A_11, %mul3A_37 : i32
      %add3A_39 = arith.constant 2 : i32
      %add3A_40 = arith.addi %mul3A_38, %add3A_39 : i32
      %dma_start3A_41 = arith.constant 256 : i32
      %dma_start3A_42 = arith.constant 0 : i32
      %dma_start3A_43 = tpu.memref_slice %arg6[%dma_start3A_41, %dma_start3A_42] : memref<512x128xf32, #tpu.memory_space<vmem>> -> memref<128x128xf32, #tpu.memory_space<vmem>>
      %dma_start3A_44 = arith.constant 0 : i32
      %dma_start3A_45 = tpu.memref_slice %arg5[%add3A_40, %dma_start3A_44] : memref<128x128xi32, #tpu.memory_space<vmem>> -> memref<1x128xi32, #tpu.memory_space<vmem>>
      %dma_start3A_46 = tpu.memref_squeeze %dma_start3A_45 : memref<1x128xi32, #tpu.memory_space<vmem>> -> memref<128xi32, #tpu.memory_space<vmem>>
      %dma_start3A_47 = arith.constant 0 : i32
      %dma_start3A_48 = arith.constant 0 : i32
      %dma_start3A_49 = tpu.memref_slice %arg2[%dma_start3A_47, %dma_start3A_48] : memref<32768x128xf32, #tpu.memory_space<hbm>> -> memref<32768x128xf32, #tpu.memory_space<hbm>>
      tpu.enqueue_indirect_dma source(%dma_start3A_49 : memref<32768x128xf32, #tpu.memory_space<hbm>>) target(%dma_start3A_43 : memref<128x128xf32, #tpu.memory_space<vmem>>) offsets(%dma_start3A_46 : memref<128xi32, #tpu.memory_space<vmem>>) semaphore(%arg7 : memref<!tpu.dma_semaphore, #tpu.memory_space<semaphore_mem>>)
      %mul3A_50 = arith.constant 4 : i32
      %mul3A_51 = arith.muli %scan3A_11, %mul3A_50 : i32
      %add3A_52 = arith.constant 3 : i32
      %add3A_53 = arith.addi %mul3A_51, %add3A_52 : i32
      %dma_start3A_54 = arith.constant 384 : i32
      %dma_start3A_55 = arith.constant 0 : i32
      %dma_start3A_56 = tpu.memref_slice %arg6[%dma_start3A_54, %dma_start3A_55] : memref<512x128xf32, #tpu.memory_space<vmem>> -> memref<128x128xf32, #tpu.memory_space<vmem>>
      %dma_start3A_57 = arith.constant 0 : i32
      %dma_start3A_58 = tpu.memref_slice %arg5[%add3A_53, %dma_start3A_57] : memref<128x128xi32, #tpu.memory_space<vmem>> -> memref<1x128xi32, #tpu.memory_space<vmem>>
      %dma_start3A_59 = tpu.memref_squeeze %dma_start3A_58 : memref<1x128xi32, #tpu.memory_space<vmem>> -> memref<128xi32, #tpu.memory_space<vmem>>
      %dma_start3A_60 = arith.constant 0 : i32
      %dma_start3A_61 = arith.constant 0 : i32
      %dma_start3A_62 = tpu.memref_slice %arg2[%dma_start3A_60, %dma_start3A_61] : memref<32768x128xf32, #tpu.memory_space<hbm>> -> memref<32768x128xf32, #tpu.memory_space<hbm>>
      tpu.enqueue_indirect_dma source(%dma_start3A_62 : memref<32768x128xf32, #tpu.memory_space<hbm>>) target(%dma_start3A_56 : memref<128x128xf32, #tpu.memory_space<vmem>>) offsets(%dma_start3A_59 : memref<128xi32, #tpu.memory_space<vmem>>) semaphore(%arg7 : memref<!tpu.dma_semaphore, #tpu.memory_space<semaphore_mem>>)
      %dma_wait3A = arith.constant 0 : i32
      %dma_wait3A_63 = arith.constant 0 : i32
      %dma_wait3A_64 = tpu.memref_slice %arg6[%dma_wait3A, %dma_wait3A_63] : memref<512x128xf32, #tpu.memory_space<vmem>> -> memref<128x128xf32, #tpu.memory_space<vmem>>
      %dma_wait3A_65 = arith.constant 0 : i32
      %dma_wait3A_66 = tpu.memref_slice %arg5[%add3A_15, %dma_wait3A_65] : memref<128x128xi32, #tpu.memory_space<vmem>> -> memref<1x128xi32, #tpu.memory_space<vmem>>
      %dma_wait3A_67 = tpu.memref_squeeze %dma_wait3A_66 : memref<1x128xi32, #tpu.memory_space<vmem>> -> memref<128xi32, #tpu.memory_space<vmem>>
      %dma_wait3A_68 = arith.constant 0 : i32
      %dma_wait3A_69 = arith.constant 0 : i32
      %dma_wait3A_70 = tpu.memref_slice %arg2[%dma_wait3A_68, %dma_wait3A_69] : memref<32768x128xf32, #tpu.memory_space<hbm>> -> memref<32768x128xf32, #tpu.memory_space<hbm>>
      tpu.wait_indirect_dma semaphore(%arg7 : memref<!tpu.dma_semaphore, #tpu.memory_space<semaphore_mem>>) src(%dma_wait3A_70 : memref<32768x128xf32, #tpu.memory_space<hbm>>) dst(%dma_wait3A_64 : memref<128x128xf32, #tpu.memory_space<vmem>>)
      %dma_wait3A_71 = arith.constant 128 : i32
      %dma_wait3A_72 = arith.constant 0 : i32
      %dma_wait3A_73 = tpu.memref_slice %arg6[%dma_wait3A_71, %dma_wait3A_72] : memref<512x128xf32, #tpu.memory_space<vmem>> -> memref<128x128xf32, #tpu.memory_space<vmem>>
      %dma_wait3A_74 = arith.constant 0 : i32
      %dma_wait3A_75 = tpu.memref_slice %arg5[%add3A_27, %dma_wait3A_74] : memref<128x128xi32, #tpu.memory_space<vmem>> -> memref<1x128xi32, #tpu.memory_space<vmem>>
      %dma_wait3A_76 = tpu.memref_squeeze %dma_wait3A_75 : memref<1x128xi32, #tpu.memory_space<vmem>> -> memref<128xi32, #tpu.memory_space<vmem>>
      %dma_wait3A_77 = arith.constant 0 : i32
      %dma_wait3A_78 = arith.constant 0 : i32
      %dma_wait3A_79 = tpu.memref_slice %arg2[%dma_wait3A_77, %dma_wait3A_78] : memref<32768x128xf32, #tpu.memory_space<hbm>> -> memref<32768x128xf32, #tpu.memory_space<hbm>>
      tpu.wait_indirect_dma semaphore(%arg7 : memref<!tpu.dma_semaphore, #tpu.memory_space<semaphore_mem>>) src(%dma_wait3A_79 : memref<32768x128xf32, #tpu.memory_space<hbm>>) dst(%dma_wait3A_73 : memref<128x128xf32, #tpu.memory_space<vmem>>)
      %dma_wait3A_80 = arith.constant 256 : i32
      %dma_wait3A_81 = arith.constant 0 : i32
      %dma_wait3A_82 = tpu.memref_slice %arg6[%dma_wait3A_80, %dma_wait3A_81] : memref<512x128xf32, #tpu.memory_space<vmem>> -> memref<128x128xf32, #tpu.memory_space<vmem>>
      %dma_wait3A_83 = arith.constant 0 : i32
      %dma_wait3A_84 = tpu.memref_slice %arg5[%add3A_40, %dma_wait3A_83] : memref<128x128xi32, #tpu.memory_space<vmem>> -> memref<1x128xi32, #tpu.memory_space<vmem>>
      %dma_wait3A_85 = tpu.memref_squeeze %dma_wait3A_84 : memref<1x128xi32, #tpu.memory_space<vmem>> -> memref<128xi32, #tpu.memory_space<vmem>>
      %dma_wait3A_86 = arith.constant 0 : i32
      %dma_wait3A_87 = arith.constant 0 : i32
      %dma_wait3A_88 = tpu.memref_slice %arg2[%dma_wait3A_86, %dma_wait3A_87] : memref<32768x128xf32, #tpu.memory_space<hbm>> -> memref<32768x128xf32, #tpu.memory_space<hbm>>
      tpu.wait_indirect_dma semaphore(%arg7 : memref<!tpu.dma_semaphore, #tpu.memory_space<semaphore_mem>>) src(%dma_wait3A_88 : memref<32768x128xf32, #tpu.memory_space<hbm>>) dst(%dma_wait3A_82 : memref<128x128xf32, #tpu.memory_space<vmem>>)
      %dma_wait3A_89 = arith.constant 384 : i32
      %dma_wait3A_90 = arith.constant 0 : i32
      %dma_wait3A_91 = tpu.memref_slice %arg6[%dma_wait3A_89, %dma_wait3A_90] : memref<512x128xf32, #tpu.memory_space<vmem>> -> memref<128x128xf32, #tpu.memory_space<vmem>>
      %dma_wait3A_92 = arith.constant 0 : i32
      %dma_wait3A_93 = tpu.memref_slice %arg5[%add3A_53, %dma_wait3A_92] : memref<128x128xi32, #tpu.memory_space<vmem>> -> memref<1x128xi32, #tpu.memory_space<vmem>>
      %dma_wait3A_94 = tpu.memref_squeeze %dma_wait3A_93 : memref<1x128xi32, #tpu.memory_space<vmem>> -> memref<128xi32, #tpu.memory_space<vmem>>
      %dma_wait3A_95 = arith.constant 0 : i32
      %dma_wait3A_96 = arith.constant 0 : i32
      %dma_wait3A_97 = tpu.memref_slice %arg2[%dma_wait3A_95, %dma_wait3A_96] : memref<32768x128xf32, #tpu.memory_space<hbm>> -> memref<32768x128xf32, #tpu.memory_space<hbm>>
      tpu.wait_indirect_dma semaphore(%arg7 : memref<!tpu.dma_semaphore, #tpu.memory_space<semaphore_mem>>) src(%dma_wait3A_97 : memref<32768x128xf32, #tpu.memory_space<hbm>>) dst(%dma_wait3A_91 : memref<128x128xf32, #tpu.memory_space<vmem>>)
      %mul3A_98 = arith.constant 512 : i32
      %mul3A_99 = arith.muli %scan3A_11, %mul3A_98 : i32
      %add3A_100 = arith.addi %multiple_of3A, %mul3A_99 : i32
      %multiple_of3A_101 = tpu.assume_multiple %add3A_100, 512 : i32
      "tpu.region"() ({
        %run_scoped3A = tpu.sem_alloc : memref<!tpu.dma_semaphore, #tpu.memory_space<semaphore_mem>>
        %dma_start3A_102 = arith.constant 0 : i32
        %dma_start3A_103 = tpu.memref_slice %arg4[%multiple_of3A_101, %dma_start3A_102] : memref<524288x128xf32, #tpu.memory_space<hbm>> -> memref<512x128xf32, #tpu.memory_space<hbm>>
        %dma_start3A_104 = arith.constant 0 : i32
        %dma_start3A_105 = tpu.memref_slice %arg4[%multiple_of3A_101, %dma_start3A_104] : memref<524288x128xf32, #tpu.memory_space<hbm>> -> memref<512x128xf32, #tpu.memory_space<hbm>>
        tpu.enqueue_dma source(%arg6 : memref<512x128xf32, #tpu.memory_space<vmem>>) target(%dma_start3A_105 : memref<512x128xf32, #tpu.memory_space<hbm>>) target_semaphore(%run_scoped3A : memref<!tpu.dma_semaphore, #tpu.memory_space<semaphore_mem>>)
        %dma_wait3A_106 = arith.constant 0 : i32
        %dma_wait3A_107 = tpu.memref_slice %arg4[%multiple_of3A_101, %dma_wait3A_106] : memref<524288x128xf32, #tpu.memory_space<hbm>> -> memref<512x128xf32, #tpu.memory_space<hbm>>
        %dma_wait3A_108 = arith.constant 0 : i32
        %dma_wait3A_109 = tpu.memref_slice %arg4[%multiple_of3A_101, %dma_wait3A_108] : memref<524288x128xf32, #tpu.memory_space<hbm>> -> memref<512x128xf32, #tpu.memory_space<hbm>>
        tpu.wait_dma2 semaphore(%run_scoped3A : memref<!tpu.dma_semaphore, #tpu.memory_space<semaphore_mem>>) src(%arg6 : memref<512x128xf32, #tpu.memory_space<vmem>>) dst(%dma_wait3A_109 : memref<512x128xf32, #tpu.memory_space<hbm>>)
        tpu.yield
      }) : () -> ()
    }
    %scan3A_10 = arith.constant 32 : i32
    return
  }
}

module attributes {stable_mosaic.version = 14 : i64} {
  func.func @_layer_first_body(%arg0: i32, %arg1: memref<1024x128xf32, #tpu.memory_space<vmem>>, %arg2: memref<1024x3xf32, #tpu.memory_space<vmem>>, %arg3: memref<128x32xf32, #tpu.memory_space<vmem>>, %arg4: memref<3x32xf32, #tpu.memory_space<vmem>>, %arg5: memref<1x32xf32, #tpu.memory_space<vmem>>, %arg6: memref<1024x32xf32, #tpu.memory_space<vmem>>, %arg7: memref<8x32xf32, #tpu.memory_space<vmem>>) attributes {dimension_semantics = [#tpu.dimension_semantics<arbitrary>], iteration_bounds = array<i64: 128>, scalar_prefetch = 0 : i64, scratch_operands = 0 : i64, tpu.core_type = #tpu.core_type<tc>, window_params = [{transform_indices = @transform_0, window_bounds = array<i64: 1024, 128>}, {transform_indices = @transform_1, window_bounds = array<i64: 1024, 3>}, {pipeline_mode = #tpu.pipeline_mode<synchronous>, transform_indices = @transform_2, window_bounds = array<i64: 128, 32>}, {pipeline_mode = #tpu.pipeline_mode<synchronous>, transform_indices = @transform_3, window_bounds = array<i64: 3, 32>}, {pipeline_mode = #tpu.pipeline_mode<synchronous>, transform_indices = @transform_4, window_bounds = array<i64: 1, 32>}, {transform_indices = @transform_5, window_bounds = array<i64: 1024, 32>}, {pipeline_mode = #tpu.pipeline_mode<synchronous>, transform_indices = @transform_6, window_bounds = array<i64: 8, 32>}]} {
    %get3A = arith.constant 0 : index
    %get3A_0 = arith.constant 0 : index
    %get3A_1 = vector.load %arg1[%get3A, %get3A_0] : memref<1024x128xf32, #tpu.memory_space<vmem>>, vector<1024x128xf32>
    %get3A_2 = arith.constant 0 : index
    %get3A_3 = arith.constant 0 : index
    %get3A_4 = vector.load %arg3[%get3A_2, %get3A_3] : memref<128x32xf32, #tpu.memory_space<vmem>>, vector<128x32xf32>
    %dot_general3A = arith.constant dense<0.000000e+00> : vector<1024x32xf32>
    %dot_general3A_5 = tpu.matmul %get3A_1, %get3A_4, %dot_general3A {dimension_numbers = #tpu.dot_dimension_numbers<[1], [0], [0], [1], [0, 0, 1, 1], [], []>, transpose_lhs_hint = false} : vector<1024x128xf32>, vector<128x32xf32>, vector<1024x32xf32> -> vector<1024x32xf32>
    %get3A_6 = arith.constant 0 : index
    %get3A_7 = arith.constant 0 : index
    %get3A_8 = vector.load %arg5[%get3A_6, %get3A_7] : memref<1x32xf32, #tpu.memory_space<vmem>>, vector<1x32xf32>
    %add3A = vector.broadcast %get3A_8 : vector<1x32xf32> to vector<1024x32xf32>
    %add3A_9 = arith.addf %dot_general3A_5, %add3A : vector<1024x32xf32>
    %get3A_10 = arith.constant 0 : index
    %get3A_11 = arith.constant 0 : index
    %get3A_12 = vector.load %arg2[%get3A_10, %get3A_11] : memref<1024x3xf32, #tpu.memory_space<vmem>>, vector<1024x3xf32>
    %get3A_13 = arith.constant 0 : index
    %get3A_14 = arith.constant 0 : index
    %get3A_15 = vector.load %arg4[%get3A_13, %get3A_14] : memref<3x32xf32, #tpu.memory_space<vmem>>, vector<3x32xf32>
    %dot_general3A_16 = arith.constant dense<0.000000e+00> : vector<1024x32xf32>
    %dot_general3A_17 = tpu.matmul %get3A_12, %get3A_15, %dot_general3A_16 {dimension_numbers = #tpu.dot_dimension_numbers<[1], [0], [0], [1], [0, 0, 1, 1], [], []>, transpose_lhs_hint = false} : vector<1024x3xf32>, vector<3x32xf32>, vector<1024x32xf32> -> vector<1024x32xf32>
    %sub3A = arith.subf %add3A_9, %dot_general3A_17 : vector<1024x32xf32>
    %swap3A = arith.constant 0 : index
    %swap3A_18 = arith.constant 0 : index
    %swap3A_19 = vector.load %arg6[%swap3A, %swap3A_18] : memref<1024x32xf32, #tpu.memory_space<vmem>>, vector<1024x32xf32>
    tpu.vector_store %arg6[%swap3A, %swap3A_18], %sub3A {strides = array<i32>} : memref<1024x32xf32, #tpu.memory_space<vmem>>, vector<1024x32xf32>,
    %eq3A = arith.constant 0 : i32
    %eq3A_20 = arith.cmpi eq, %arg0, %eq3A : i32
    %convert_element_type3A = arith.extui %eq3A_20 : i1 to i32
    %cond3A = arith.constant 0 : i32
    %cond3A_21 = arith.cmpi ne, %convert_element_type3A, %cond3A : i32
    scf.if %cond3A_21 {
      %broadcast_in_dim3A_40 = arith.constant 0.000000e+00 : f32
      %broadcast_in_dim3A_41 = vector.broadcast %broadcast_in_dim3A_40 : f32 to vector<8x32xf32>
      %swap3A_42 = arith.constant 0 : index
      %swap3A_43 = arith.constant 0 : index
      %swap3A_44 = vector.load %arg7[%swap3A_42, %swap3A_43] : memref<8x32xf32, #tpu.memory_space<vmem>>, vector<8x32xf32>
      tpu.vector_store %arg7[%swap3A_42, %swap3A_43], %broadcast_in_dim3A_41 {strides = array<i32>} : memref<8x32xf32, #tpu.memory_space<vmem>>, vector<8x32xf32>,
    } else {
    }
    %get3A_22 = arith.constant 0 : index
    %get3A_23 = arith.constant 0 : index
    %get3A_24 = vector.load %arg7[%get3A_22, %get3A_23] : memref<8x32xf32, #tpu.memory_space<vmem>>, vector<1x32xf32>
    %reduce_sum3A = arith.constant dense<0.000000e+00> : vector<32xf32>
    %reduce_sum3A_25 = vector.multi_reduction <add>, %sub3A, %reduce_sum3A [0] : vector<1024x32xf32> to vector<32xf32>
    %broadcast_in_dim3A = vector.shape_cast %reduce_sum3A_25 : vector<32xf32> to vector<1x32xf32>
    %add3A_26 = arith.addf %get3A_24, %broadcast_in_dim3A : vector<1x32xf32>
    %swap3A_27 = arith.constant 0 : index
    %swap3A_28 = arith.constant 0 : index
    %swap3A_29 = vector.load %arg7[%swap3A_27, %swap3A_28] : memref<8x32xf32, #tpu.memory_space<vmem>>, vector<1x32xf32>
    tpu.vector_store %arg7[%swap3A_27, %swap3A_28], %add3A_26 {strides = array<i32>} : memref<8x32xf32, #tpu.memory_space<vmem>>, vector<1x32xf32>,
    %get3A_30 = arith.constant 1 : index
    %get3A_31 = arith.constant 0 : index
    %get3A_32 = vector.load %arg7[%get3A_30, %get3A_31] : memref<8x32xf32, #tpu.memory_space<vmem>>, vector<1x32xf32>
    %mul3A = arith.mulf %sub3A, %sub3A : vector<1024x32xf32>
    %reduce_sum3A_33 = arith.constant dense<0.000000e+00> : vector<32xf32>
    %reduce_sum3A_34 = vector.multi_reduction <add>, %mul3A, %reduce_sum3A_33 [0] : vector<1024x32xf32> to vector<32xf32>
    %broadcast_in_dim3A_35 = vector.shape_cast %reduce_sum3A_34 : vector<32xf32> to vector<1x32xf32>
    %add3A_36 = arith.addf %get3A_32, %broadcast_in_dim3A_35 : vector<1x32xf32>
    %swap3A_37 = arith.constant 1 : index
    %swap3A_38 = arith.constant 0 : index
    %swap3A_39 = vector.load %arg7[%swap3A_37, %swap3A_38] : memref<8x32xf32, #tpu.memory_space<vmem>>, vector<1x32xf32>
    tpu.vector_store %arg7[%swap3A_37, %swap3A_38], %add3A_36 {strides = array<i32>} : memref<8x32xf32, #tpu.memory_space<vmem>>, vector<1x32xf32>,
    return
  }
  func.func @transform_0(%arg0: i32) -> (i32, i32) {
    %c0_i32 = arith.constant 0 : i32
    %c0_i32_0 = arith.constant 0 : i32
    return %arg0, %c0_i32 : i32, i32
  }
  func.func @transform_1(%arg0: i32) -> (i32, i32) {
    %c0_i32 = arith.constant 0 : i32
    %c0_i32_0 = arith.constant 0 : i32
    return %arg0, %c0_i32 : i32, i32
  }
  func.func @transform_2(%arg0: i32) -> (i32, i32) {
    %c0_i32 = arith.constant 0 : i32
    %c0_i32_0 = arith.constant 0 : i32
    %c0_i32_1 = arith.constant 0 : i32
    return %c0_i32, %c0_i32_0 : i32, i32
  }
  func.func @transform_3(%arg0: i32) -> (i32, i32) {
    %c0_i32 = arith.constant 0 : i32
    %c0_i32_0 = arith.constant 0 : i32
    %c0_i32_1 = arith.constant 0 : i32
    return %c0_i32, %c0_i32_0 : i32, i32
  }
  func.func @transform_4(%arg0: i32) -> (i32, i32) {
    %c0_i32 = arith.constant 0 : i32
    %c0_i32_0 = arith.constant 0 : i32
    %c0_i32_1 = arith.constant 0 : i32
    return %c0_i32, %c0_i32_0 : i32, i32
  }
  func.func @transform_5(%arg0: i32) -> (i32, i32) {
    %c0_i32 = arith.constant 0 : i32
    %c0_i32_0 = arith.constant 0 : i32
    return %arg0, %c0_i32 : i32, i32
  }
  func.func @transform_6(%arg0: i32) -> (i32, i32) {
    %c0_i32 = arith.constant 0 : i32
    %c0_i32_0 = arith.constant 0 : i32
    %c0_i32_1 = arith.constant 0 : i32
    return %c0_i32, %c0_i32_0 : i32, i32
  }
}

module attributes {stable_mosaic.version = 14 : i64} {
  func.func @_layer_body(%arg0: i32, %arg1: memref<1024x32xf32, #tpu.memory_space<vmem>>, %arg2: memref<1x32xf32, #tpu.memory_space<vmem>>, %arg3: memref<1x32xf32, #tpu.memory_space<vmem>>, %arg4: memref<32x32xf32, #tpu.memory_space<vmem>>, %arg5: memref<1x32xf32, #tpu.memory_space<vmem>>, %arg6: memref<1024x32xf32, #tpu.memory_space<vmem>>, %arg7: memref<8x32xf32, #tpu.memory_space<vmem>>) attributes {dimension_semantics = [#tpu.dimension_semantics<arbitrary>], iteration_bounds = array<i64: 128>, scalar_prefetch = 0 : i64, scratch_operands = 0 : i64, tpu.core_type = #tpu.core_type<tc>, window_params = [{transform_indices = @transform_0, window_bounds = array<i64: 1024, 32>}, {pipeline_mode = #tpu.pipeline_mode<synchronous>, transform_indices = @transform_1, window_bounds = array<i64: 1, 32>}, {pipeline_mode = #tpu.pipeline_mode<synchronous>, transform_indices = @transform_2, window_bounds = array<i64: 1, 32>}, {pipeline_mode = #tpu.pipeline_mode<synchronous>, transform_indices = @transform_3, window_bounds = array<i64: 32, 32>}, {pipeline_mode = #tpu.pipeline_mode<synchronous>, transform_indices = @transform_4, window_bounds = array<i64: 1, 32>}, {transform_indices = @transform_5, window_bounds = array<i64: 1024, 32>}, {pipeline_mode = #tpu.pipeline_mode<synchronous>, transform_indices = @transform_6, window_bounds = array<i64: 8, 32>}]} {
    %get3A = arith.constant 0 : index
    %get3A_0 = arith.constant 0 : index
    %get3A_1 = vector.load %arg1[%get3A, %get3A_0] : memref<1024x32xf32, #tpu.memory_space<vmem>>, vector<1024x32xf32>
    %get3A_2 = arith.constant 0 : index
    %get3A_3 = arith.constant 0 : index
    %get3A_4 = vector.load %arg2[%get3A_2, %get3A_3] : memref<1x32xf32, #tpu.memory_space<vmem>>, vector<1x32xf32>
    %mul3A = vector.broadcast %get3A_4 : vector<1x32xf32> to vector<1024x32xf32>
    %mul3A_5 = arith.mulf %get3A_1, %mul3A : vector<1024x32xf32>
    %get3A_6 = arith.constant 0 : index
    %get3A_7 = arith.constant 0 : index
    %get3A_8 = vector.load %arg3[%get3A_6, %get3A_7] : memref<1x32xf32, #tpu.memory_space<vmem>>, vector<1x32xf32>
    %add3A = vector.broadcast %get3A_8 : vector<1x32xf32> to vector<1024x32xf32>
    %add3A_9 = arith.addf %mul3A_5, %add3A : vector<1024x32xf32>
    %max3A = arith.constant 0.000000e+00 : f32
    %max3A_10 = vector.broadcast %max3A : f32 to vector<1024x32xf32>
    %max3A_11 = arith.maximumf %add3A_9, %max3A_10 : vector<1024x32xf32>
    %get3A_12 = arith.constant 0 : index
    %get3A_13 = arith.constant 0 : index
    %get3A_14 = vector.load %arg4[%get3A_12, %get3A_13] : memref<32x32xf32, #tpu.memory_space<vmem>>, vector<32x32xf32>
    %dot_general3A = arith.constant dense<0.000000e+00> : vector<1024x32xf32>
    %dot_general3A_15 = tpu.matmul %max3A_11, %get3A_14, %dot_general3A {dimension_numbers = #tpu.dot_dimension_numbers<[1], [0], [0], [1], [0, 0, 1, 1], [], []>, transpose_lhs_hint = false} : vector<1024x32xf32>, vector<32x32xf32>, vector<1024x32xf32> -> vector<1024x32xf32>
    %get3A_16 = arith.constant 0 : index
    %get3A_17 = arith.constant 0 : index
    %get3A_18 = vector.load %arg5[%get3A_16, %get3A_17] : memref<1x32xf32, #tpu.memory_space<vmem>>, vector<1x32xf32>
    %add3A_19 = vector.broadcast %get3A_18 : vector<1x32xf32> to vector<1024x32xf32>
    %add3A_20 = arith.addf %dot_general3A_15, %add3A_19 : vector<1024x32xf32>
    %swap3A = arith.constant 0 : index
    %swap3A_21 = arith.constant 0 : index
    %swap3A_22 = vector.load %arg6[%swap3A, %swap3A_21] : memref<1024x32xf32, #tpu.memory_space<vmem>>, vector<1024x32xf32>
    tpu.vector_store %arg6[%swap3A, %swap3A_21], %add3A_20 {strides = array<i32>} : memref<1024x32xf32, #tpu.memory_space<vmem>>, vector<1024x32xf32>,
    %eq3A = arith.constant 0 : i32
    %eq3A_23 = arith.cmpi eq, %arg0, %eq3A : i32
    %convert_element_type3A = arith.extui %eq3A_23 : i1 to i32
    %cond3A = arith.constant 0 : i32
    %cond3A_24 = arith.cmpi ne, %convert_element_type3A, %cond3A : i32
    scf.if %cond3A_24 {
      %broadcast_in_dim3A_44 = arith.constant 0.000000e+00 : f32
      %broadcast_in_dim3A_45 = vector.broadcast %broadcast_in_dim3A_44 : f32 to vector<8x32xf32>
      %swap3A_46 = arith.constant 0 : index
      %swap3A_47 = arith.constant 0 : index
      %swap3A_48 = vector.load %arg7[%swap3A_46, %swap3A_47] : memref<8x32xf32, #tpu.memory_space<vmem>>, vector<8x32xf32>
      tpu.vector_store %arg7[%swap3A_46, %swap3A_47], %broadcast_in_dim3A_45 {strides = array<i32>} : memref<8x32xf32, #tpu.memory_space<vmem>>, vector<8x32xf32>,
    } else {
    }
    %get3A_25 = arith.constant 0 : index
    %get3A_26 = arith.constant 0 : index
    %get3A_27 = vector.load %arg7[%get3A_25, %get3A_26] : memref<8x32xf32, #tpu.memory_space<vmem>>, vector<1x32xf32>
    %reduce_sum3A = arith.constant dense<0.000000e+00> : vector<32xf32>
    %reduce_sum3A_28 = vector.multi_reduction <add>, %add3A_20, %reduce_sum3A [0] : vector<1024x32xf32> to vector<32xf32>
    %broadcast_in_dim3A = vector.shape_cast %reduce_sum3A_28 : vector<32xf32> to vector<1x32xf32>
    %add3A_29 = arith.addf %get3A_27, %broadcast_in_dim3A : vector<1x32xf32>
    %swap3A_30 = arith.constant 0 : index
    %swap3A_31 = arith.constant 0 : index
    %swap3A_32 = vector.load %arg7[%swap3A_30, %swap3A_31] : memref<8x32xf32, #tpu.memory_space<vmem>>, vector<1x32xf32>
    tpu.vector_store %arg7[%swap3A_30, %swap3A_31], %add3A_29 {strides = array<i32>} : memref<8x32xf32, #tpu.memory_space<vmem>>, vector<1x32xf32>,
    %get3A_33 = arith.constant 1 : index
    %get3A_34 = arith.constant 0 : index
    %get3A_35 = vector.load %arg7[%get3A_33, %get3A_34] : memref<8x32xf32, #tpu.memory_space<vmem>>, vector<1x32xf32>
    %mul3A_36 = arith.mulf %add3A_20, %add3A_20 : vector<1024x32xf32>
    %reduce_sum3A_37 = arith.constant dense<0.000000e+00> : vector<32xf32>
    %reduce_sum3A_38 = vector.multi_reduction <add>, %mul3A_36, %reduce_sum3A_37 [0] : vector<1024x32xf32> to vector<32xf32>
    %broadcast_in_dim3A_39 = vector.shape_cast %reduce_sum3A_38 : vector<32xf32> to vector<1x32xf32>
    %add3A_40 = arith.addf %get3A_35, %broadcast_in_dim3A_39 : vector<1x32xf32>
    %swap3A_41 = arith.constant 1 : index
    %swap3A_42 = arith.constant 0 : index
    %swap3A_43 = vector.load %arg7[%swap3A_41, %swap3A_42] : memref<8x32xf32, #tpu.memory_space<vmem>>, vector<1x32xf32>
    tpu.vector_store %arg7[%swap3A_41, %swap3A_42], %add3A_40 {strides = array<i32>} : memref<8x32xf32, #tpu.memory_space<vmem>>, vector<1x32xf32>,
    return
  }
  func.func @transform_0(%arg0: i32) -> (i32, i32) {
    %c0_i32 = arith.constant 0 : i32
    %c0_i32_0 = arith.constant 0 : i32
    return %arg0, %c0_i32 : i32, i32
  }
  func.func @transform_1(%arg0: i32) -> (i32, i32) {
    %c0_i32 = arith.constant 0 : i32
    %c0_i32_0 = arith.constant 0 : i32
    %c0_i32_1 = arith.constant 0 : i32
    return %c0_i32, %c0_i32_0 : i32, i32
  }
  func.func @transform_2(%arg0: i32) -> (i32, i32) {
    %c0_i32 = arith.constant 0 : i32
    %c0_i32_0 = arith.constant 0 : i32
    %c0_i32_1 = arith.constant 0 : i32
    return %c0_i32, %c0_i32_0 : i32, i32
  }
  func.func @transform_3(%arg0: i32) -> (i32, i32) {
    %c0_i32 = arith.constant 0 : i32
    %c0_i32_0 = arith.constant 0 : i32
    %c0_i32_1 = arith.constant 0 : i32
    return %c0_i32, %c0_i32_0 : i32, i32
  }
  func.func @transform_4(%arg0: i32) -> (i32, i32) {
    %c0_i32 = arith.constant 0 : i32
    %c0_i32_0 = arith.constant 0 : i32
    %c0_i32_1 = arith.constant 0 : i32
    return %c0_i32, %c0_i32_0 : i32, i32
  }
  func.func @transform_5(%arg0: i32) -> (i32, i32) {
    %c0_i32 = arith.constant 0 : i32
    %c0_i32_0 = arith.constant 0 : i32
    return %arg0, %c0_i32 : i32, i32
  }
  func.func @transform_6(%arg0: i32) -> (i32, i32) {
    %c0_i32 = arith.constant 0 : i32
    %c0_i32_0 = arith.constant 0 : i32
    %c0_i32_1 = arith.constant 0 : i32
    return %c0_i32, %c0_i32_0 : i32, i32
  }
}

module attributes {stable_mosaic.version = 14 : i64} {
  func.func @_layer_body(%arg0: i32, %arg1: memref<1024x32xf32, #tpu.memory_space<vmem>>, %arg2: memref<1x32xf32, #tpu.memory_space<vmem>>, %arg3: memref<1x32xf32, #tpu.memory_space<vmem>>, %arg4: memref<32x64xf32, #tpu.memory_space<vmem>>, %arg5: memref<1x64xf32, #tpu.memory_space<vmem>>, %arg6: memref<1024x64xf32, #tpu.memory_space<vmem>>, %arg7: memref<8x64xf32, #tpu.memory_space<vmem>>) attributes {dimension_semantics = [#tpu.dimension_semantics<arbitrary>], iteration_bounds = array<i64: 128>, scalar_prefetch = 0 : i64, scratch_operands = 0 : i64, tpu.core_type = #tpu.core_type<tc>, window_params = [{transform_indices = @transform_0, window_bounds = array<i64: 1024, 32>}, {pipeline_mode = #tpu.pipeline_mode<synchronous>, transform_indices = @transform_1, window_bounds = array<i64: 1, 32>}, {pipeline_mode = #tpu.pipeline_mode<synchronous>, transform_indices = @transform_2, window_bounds = array<i64: 1, 32>}, {pipeline_mode = #tpu.pipeline_mode<synchronous>, transform_indices = @transform_3, window_bounds = array<i64: 32, 64>}, {pipeline_mode = #tpu.pipeline_mode<synchronous>, transform_indices = @transform_4, window_bounds = array<i64: 1, 64>}, {transform_indices = @transform_5, window_bounds = array<i64: 1024, 64>}, {pipeline_mode = #tpu.pipeline_mode<synchronous>, transform_indices = @transform_6, window_bounds = array<i64: 8, 64>}]} {
    %get3A = arith.constant 0 : index
    %get3A_0 = arith.constant 0 : index
    %get3A_1 = vector.load %arg1[%get3A, %get3A_0] : memref<1024x32xf32, #tpu.memory_space<vmem>>, vector<1024x32xf32>
    %get3A_2 = arith.constant 0 : index
    %get3A_3 = arith.constant 0 : index
    %get3A_4 = vector.load %arg2[%get3A_2, %get3A_3] : memref<1x32xf32, #tpu.memory_space<vmem>>, vector<1x32xf32>
    %mul3A = vector.broadcast %get3A_4 : vector<1x32xf32> to vector<1024x32xf32>
    %mul3A_5 = arith.mulf %get3A_1, %mul3A : vector<1024x32xf32>
    %get3A_6 = arith.constant 0 : index
    %get3A_7 = arith.constant 0 : index
    %get3A_8 = vector.load %arg3[%get3A_6, %get3A_7] : memref<1x32xf32, #tpu.memory_space<vmem>>, vector<1x32xf32>
    %add3A = vector.broadcast %get3A_8 : vector<1x32xf32> to vector<1024x32xf32>
    %add3A_9 = arith.addf %mul3A_5, %add3A : vector<1024x32xf32>
    %max3A = arith.constant 0.000000e+00 : f32
    %max3A_10 = vector.broadcast %max3A : f32 to vector<1024x32xf32>
    %max3A_11 = arith.maximumf %add3A_9, %max3A_10 : vector<1024x32xf32>
    %get3A_12 = arith.constant 0 : index
    %get3A_13 = arith.constant 0 : index
    %get3A_14 = vector.load %arg4[%get3A_12, %get3A_13] : memref<32x64xf32, #tpu.memory_space<vmem>>, vector<32x64xf32>
    %dot_general3A = arith.constant dense<0.000000e+00> : vector<1024x64xf32>
    %dot_general3A_15 = tpu.matmul %max3A_11, %get3A_14, %dot_general3A {dimension_numbers = #tpu.dot_dimension_numbers<[1], [0], [0], [1], [0, 0, 1, 1], [], []>, transpose_lhs_hint = false} : vector<1024x32xf32>, vector<32x64xf32>, vector<1024x64xf32> -> vector<1024x64xf32>
    %get3A_16 = arith.constant 0 : index
    %get3A_17 = arith.constant 0 : index
    %get3A_18 = vector.load %arg5[%get3A_16, %get3A_17] : memref<1x64xf32, #tpu.memory_space<vmem>>, vector<1x64xf32>
    %add3A_19 = vector.broadcast %get3A_18 : vector<1x64xf32> to vector<1024x64xf32>
    %add3A_20 = arith.addf %dot_general3A_15, %add3A_19 : vector<1024x64xf32>
    %swap3A = arith.constant 0 : index
    %swap3A_21 = arith.constant 0 : index
    %swap3A_22 = vector.load %arg6[%swap3A, %swap3A_21] : memref<1024x64xf32, #tpu.memory_space<vmem>>, vector<1024x64xf32>
    tpu.vector_store %arg6[%swap3A, %swap3A_21], %add3A_20 {strides = array<i32>} : memref<1024x64xf32, #tpu.memory_space<vmem>>, vector<1024x64xf32>,
    %eq3A = arith.constant 0 : i32
    %eq3A_23 = arith.cmpi eq, %arg0, %eq3A : i32
    %convert_element_type3A = arith.extui %eq3A_23 : i1 to i32
    %cond3A = arith.constant 0 : i32
    %cond3A_24 = arith.cmpi ne, %convert_element_type3A, %cond3A : i32
    scf.if %cond3A_24 {
      %broadcast_in_dim3A_44 = arith.constant 0.000000e+00 : f32
      %broadcast_in_dim3A_45 = vector.broadcast %broadcast_in_dim3A_44 : f32 to vector<8x64xf32>
      %swap3A_46 = arith.constant 0 : index
      %swap3A_47 = arith.constant 0 : index
      %swap3A_48 = vector.load %arg7[%swap3A_46, %swap3A_47] : memref<8x64xf32, #tpu.memory_space<vmem>>, vector<8x64xf32>
      tpu.vector_store %arg7[%swap3A_46, %swap3A_47], %broadcast_in_dim3A_45 {strides = array<i32>} : memref<8x64xf32, #tpu.memory_space<vmem>>, vector<8x64xf32>,
    } else {
    }
    %get3A_25 = arith.constant 0 : index
    %get3A_26 = arith.constant 0 : index
    %get3A_27 = vector.load %arg7[%get3A_25, %get3A_26] : memref<8x64xf32, #tpu.memory_space<vmem>>, vector<1x64xf32>
    %reduce_sum3A = arith.constant dense<0.000000e+00> : vector<64xf32>
    %reduce_sum3A_28 = vector.multi_reduction <add>, %add3A_20, %reduce_sum3A [0] : vector<1024x64xf32> to vector<64xf32>
    %broadcast_in_dim3A = vector.shape_cast %reduce_sum3A_28 : vector<64xf32> to vector<1x64xf32>
    %add3A_29 = arith.addf %get3A_27, %broadcast_in_dim3A : vector<1x64xf32>
    %swap3A_30 = arith.constant 0 : index
    %swap3A_31 = arith.constant 0 : index
    %swap3A_32 = vector.load %arg7[%swap3A_30, %swap3A_31] : memref<8x64xf32, #tpu.memory_space<vmem>>, vector<1x64xf32>
    tpu.vector_store %arg7[%swap3A_30, %swap3A_31], %add3A_29 {strides = array<i32>} : memref<8x64xf32, #tpu.memory_space<vmem>>, vector<1x64xf32>,
    %get3A_33 = arith.constant 1 : index
    %get3A_34 = arith.constant 0 : index
    %get3A_35 = vector.load %arg7[%get3A_33, %get3A_34] : memref<8x64xf32, #tpu.memory_space<vmem>>, vector<1x64xf32>
    %mul3A_36 = arith.mulf %add3A_20, %add3A_20 : vector<1024x64xf32>
    %reduce_sum3A_37 = arith.constant dense<0.000000e+00> : vector<64xf32>
    %reduce_sum3A_38 = vector.multi_reduction <add>, %mul3A_36, %reduce_sum3A_37 [0] : vector<1024x64xf32> to vector<64xf32>
    %broadcast_in_dim3A_39 = vector.shape_cast %reduce_sum3A_38 : vector<64xf32> to vector<1x64xf32>
    %add3A_40 = arith.addf %get3A_35, %broadcast_in_dim3A_39 : vector<1x64xf32>
    %swap3A_41 = arith.constant 1 : index
    %swap3A_42 = arith.constant 0 : index
    %swap3A_43 = vector.load %arg7[%swap3A_41, %swap3A_42] : memref<8x64xf32, #tpu.memory_space<vmem>>, vector<1x64xf32>
    tpu.vector_store %arg7[%swap3A_41, %swap3A_42], %add3A_40 {strides = array<i32>} : memref<8x64xf32, #tpu.memory_space<vmem>>, vector<1x64xf32>,
    return
  }
  func.func @transform_0(%arg0: i32) -> (i32, i32) {
    %c0_i32 = arith.constant 0 : i32
    %c0_i32_0 = arith.constant 0 : i32
    return %arg0, %c0_i32 : i32, i32
  }
  func.func @transform_1(%arg0: i32) -> (i32, i32) {
    %c0_i32 = arith.constant 0 : i32
    %c0_i32_0 = arith.constant 0 : i32
    %c0_i32_1 = arith.constant 0 : i32
    return %c0_i32, %c0_i32_0 : i32, i32
  }
  func.func @transform_2(%arg0: i32) -> (i32, i32) {
    %c0_i32 = arith.constant 0 : i32
    %c0_i32_0 = arith.constant 0 : i32
    %c0_i32_1 = arith.constant 0 : i32
    return %c0_i32, %c0_i32_0 : i32, i32
  }
  func.func @transform_3(%arg0: i32) -> (i32, i32) {
    %c0_i32 = arith.constant 0 : i32
    %c0_i32_0 = arith.constant 0 : i32
    %c0_i32_1 = arith.constant 0 : i32
    return %c0_i32, %c0_i32_0 : i32, i32
  }
  func.func @transform_4(%arg0: i32) -> (i32, i32) {
    %c0_i32 = arith.constant 0 : i32
    %c0_i32_0 = arith.constant 0 : i32
    %c0_i32_1 = arith.constant 0 : i32
    return %c0_i32, %c0_i32_0 : i32, i32
  }
  func.func @transform_5(%arg0: i32) -> (i32, i32) {
    %c0_i32 = arith.constant 0 : i32
    %c0_i32_0 = arith.constant 0 : i32
    return %arg0, %c0_i32 : i32, i32
  }
  func.func @transform_6(%arg0: i32) -> (i32, i32) {
    %c0_i32 = arith.constant 0 : i32
    %c0_i32_0 = arith.constant 0 : i32
    %c0_i32_1 = arith.constant 0 : i32
    return %c0_i32, %c0_i32_0 : i32, i32
  }
}

module attributes {stable_mosaic.version = 14 : i64} {
  func.func @_pool_relu_body(%arg0: i32, %arg1: memref<128x16x64xf32, #tpu.memory_space<vmem>>, %arg2: memref<1x64xf32, #tpu.memory_space<vmem>>, %arg3: memref<1x64xf32, #tpu.memory_space<vmem>>, %arg4: memref<128x64xf32, #tpu.memory_space<vmem>>) attributes {dimension_semantics = [#tpu.dimension_semantics<arbitrary>], iteration_bounds = array<i64: 64>, scalar_prefetch = 0 : i64, scratch_operands = 0 : i64, tpu.core_type = #tpu.core_type<tc>, window_params = [{transform_indices = @transform_0, window_bounds = array<i64: 128, 16, 64>}, {pipeline_mode = #tpu.pipeline_mode<synchronous>, transform_indices = @transform_1, window_bounds = array<i64: 1, 64>}, {pipeline_mode = #tpu.pipeline_mode<synchronous>, transform_indices = @transform_2, window_bounds = array<i64: 1, 64>}, {transform_indices = @transform_3, window_bounds = array<i64: 128, 64>}]} {
    %get3A = arith.constant 0 : index
    %get3A_0 = arith.constant 0 : index
    %get3A_1 = arith.constant 0 : index
    %get3A_2 = vector.load %arg1[%get3A, %get3A_0, %get3A_1] : memref<128x16x64xf32, #tpu.memory_space<vmem>>, vector<128x16x64xf32>
    %get3A_3 = arith.constant 0 : index
    %get3A_4 = arith.constant 0 : index
    %get3A_5 = vector.load %arg2[%get3A_3, %get3A_4] : memref<1x64xf32, #tpu.memory_space<vmem>>, vector<1x64xf32>
    %broadcast_in_dim3A = vector.shape_cast %get3A_5 : vector<1x64xf32> to vector<1x1x64xf32>
    %get3A_6 = arith.constant 0 : index
    %get3A_7 = arith.constant 0 : index
    %get3A_8 = vector.load %arg3[%get3A_6, %get3A_7] : memref<1x64xf32, #tpu.memory_space<vmem>>, vector<1x64xf32>
    %broadcast_in_dim3A_9 = vector.shape_cast %get3A_8 : vector<1x64xf32> to vector<1x1x64xf32>
    %mul3A = vector.broadcast %broadcast_in_dim3A : vector<1x1x64xf32> to vector<128x16x64xf32>
    %mul3A_10 = arith.mulf %get3A_2, %mul3A : vector<128x16x64xf32>
    %add3A = vector.broadcast %broadcast_in_dim3A_9 : vector<1x1x64xf32> to vector<128x16x64xf32>
    %add3A_11 = arith.addf %mul3A_10, %add3A : vector<128x16x64xf32>
    %max3A = arith.constant 0.000000e+00 : f32
    %max3A_12 = vector.broadcast %max3A : f32 to vector<128x16x64xf32>
    %max3A_13 = arith.maximumf %add3A_11, %max3A_12 : vector<128x16x64xf32>
    %reduce_max3A = arith.constant dense<0xFF800000> : vector<128x64xf32>
    %reduce_max3A_14 = vector.multi_reduction <maximumf>, %max3A_13, %reduce_max3A [1] : vector<128x16x64xf32> to vector<128x64xf32>
    %swap3A = arith.constant 0 : index
    %swap3A_15 = arith.constant 0 : index
    %swap3A_16 = vector.load %arg4[%swap3A, %swap3A_15] : memref<128x64xf32, #tpu.memory_space<vmem>>, vector<128x64xf32>
    tpu.vector_store %arg4[%swap3A, %swap3A_15], %reduce_max3A_14 {strides = array<i32>} : memref<128x64xf32, #tpu.memory_space<vmem>>, vector<128x64xf32>,
    return
  }
  func.func @transform_0(%arg0: i32) -> (i32, i32, i32) {
    %c0_i32 = arith.constant 0 : i32
    %c0_i32_0 = arith.constant 0 : i32
    %c0_i32_1 = arith.constant 0 : i32
    return %arg0, %c0_i32, %c0_i32_0 : i32, i32, i32
  }
  func.func @transform_1(%arg0: i32) -> (i32, i32) {
    %c0_i32 = arith.constant 0 : i32
    %c0_i32_0 = arith.constant 0 : i32
    %c0_i32_1 = arith.constant 0 : i32
    return %c0_i32, %c0_i32_0 : i32, i32
  }
  func.func @transform_2(%arg0: i32) -> (i32, i32) {
    %c0_i32 = arith.constant 0 : i32
    %c0_i32_0 = arith.constant 0 : i32
    %c0_i32_1 = arith.constant 0 : i32
    return %c0_i32, %c0_i32_0 : i32, i32
  }
  func.func @transform_3(%arg0: i32) -> (i32, i32) {
    %c0_i32 = arith.constant 0 : i32
    %c0_i32_0 = arith.constant 0 : i32
    return %arg0, %c0_i32 : i32, i32
  }
}

module attributes {stable_mosaic.version = 14 : i64} {
  func.func @_layer_first_body(%arg0: i32, %arg1: memref<1024x128xf32, #tpu.memory_space<vmem>>, %arg2: memref<1024x3xf32, #tpu.memory_space<vmem>>, %arg3: memref<128x64xf32, #tpu.memory_space<vmem>>, %arg4: memref<3x64xf32, #tpu.memory_space<vmem>>, %arg5: memref<1x64xf32, #tpu.memory_space<vmem>>, %arg6: memref<1024x64xf32, #tpu.memory_space<vmem>>, %arg7: memref<8x64xf32, #tpu.memory_space<vmem>>) attributes {dimension_semantics = [#tpu.dimension_semantics<arbitrary>], iteration_bounds = array<i64: 256>, scalar_prefetch = 0 : i64, scratch_operands = 0 : i64, tpu.core_type = #tpu.core_type<tc>, window_params = [{transform_indices = @transform_0, window_bounds = array<i64: 1024, 128>}, {transform_indices = @transform_1, window_bounds = array<i64: 1024, 3>}, {pipeline_mode = #tpu.pipeline_mode<synchronous>, transform_indices = @transform_2, window_bounds = array<i64: 128, 64>}, {pipeline_mode = #tpu.pipeline_mode<synchronous>, transform_indices = @transform_3, window_bounds = array<i64: 3, 64>}, {pipeline_mode = #tpu.pipeline_mode<synchronous>, transform_indices = @transform_4, window_bounds = array<i64: 1, 64>}, {transform_indices = @transform_5, window_bounds = array<i64: 1024, 64>}, {pipeline_mode = #tpu.pipeline_mode<synchronous>, transform_indices = @transform_6, window_bounds = array<i64: 8, 64>}]} {
    %get3A = arith.constant 0 : index
    %get3A_0 = arith.constant 0 : index
    %get3A_1 = vector.load %arg1[%get3A, %get3A_0] : memref<1024x128xf32, #tpu.memory_space<vmem>>, vector<1024x128xf32>
    %get3A_2 = arith.constant 0 : index
    %get3A_3 = arith.constant 0 : index
    %get3A_4 = vector.load %arg3[%get3A_2, %get3A_3] : memref<128x64xf32, #tpu.memory_space<vmem>>, vector<128x64xf32>
    %dot_general3A = arith.constant dense<0.000000e+00> : vector<1024x64xf32>
    %dot_general3A_5 = tpu.matmul %get3A_1, %get3A_4, %dot_general3A {dimension_numbers = #tpu.dot_dimension_numbers<[1], [0], [0], [1], [0, 0, 1, 1], [], []>, transpose_lhs_hint = false} : vector<1024x128xf32>, vector<128x64xf32>, vector<1024x64xf32> -> vector<1024x64xf32>
    %get3A_6 = arith.constant 0 : index
    %get3A_7 = arith.constant 0 : index
    %get3A_8 = vector.load %arg5[%get3A_6, %get3A_7] : memref<1x64xf32, #tpu.memory_space<vmem>>, vector<1x64xf32>
    %add3A = vector.broadcast %get3A_8 : vector<1x64xf32> to vector<1024x64xf32>
    %add3A_9 = arith.addf %dot_general3A_5, %add3A : vector<1024x64xf32>
    %get3A_10 = arith.constant 0 : index
    %get3A_11 = arith.constant 0 : index
    %get3A_12 = vector.load %arg2[%get3A_10, %get3A_11] : memref<1024x3xf32, #tpu.memory_space<vmem>>, vector<1024x3xf32>
    %get3A_13 = arith.constant 0 : index
    %get3A_14 = arith.constant 0 : index
    %get3A_15 = vector.load %arg4[%get3A_13, %get3A_14] : memref<3x64xf32, #tpu.memory_space<vmem>>, vector<3x64xf32>
    %dot_general3A_16 = arith.constant dense<0.000000e+00> : vector<1024x64xf32>
    %dot_general3A_17 = tpu.matmul %get3A_12, %get3A_15, %dot_general3A_16 {dimension_numbers = #tpu.dot_dimension_numbers<[1], [0], [0], [1], [0, 0, 1, 1], [], []>, transpose_lhs_hint = false} : vector<1024x3xf32>, vector<3x64xf32>, vector<1024x64xf32> -> vector<1024x64xf32>
    %sub3A = arith.subf %add3A_9, %dot_general3A_17 : vector<1024x64xf32>
    %swap3A = arith.constant 0 : index
    %swap3A_18 = arith.constant 0 : index
    %swap3A_19 = vector.load %arg6[%swap3A, %swap3A_18] : memref<1024x64xf32, #tpu.memory_space<vmem>>, vector<1024x64xf32>
    tpu.vector_store %arg6[%swap3A, %swap3A_18], %sub3A {strides = array<i32>} : memref<1024x64xf32, #tpu.memory_space<vmem>>, vector<1024x64xf32>,
    %eq3A = arith.constant 0 : i32
    %eq3A_20 = arith.cmpi eq, %arg0, %eq3A : i32
    %convert_element_type3A = arith.extui %eq3A_20 : i1 to i32
    %cond3A = arith.constant 0 : i32
    %cond3A_21 = arith.cmpi ne, %convert_element_type3A, %cond3A : i32
    scf.if %cond3A_21 {
      %broadcast_in_dim3A_40 = arith.constant 0.000000e+00 : f32
      %broadcast_in_dim3A_41 = vector.broadcast %broadcast_in_dim3A_40 : f32 to vector<8x64xf32>
      %swap3A_42 = arith.constant 0 : index
      %swap3A_43 = arith.constant 0 : index
      %swap3A_44 = vector.load %arg7[%swap3A_42, %swap3A_43] : memref<8x64xf32, #tpu.memory_space<vmem>>, vector<8x64xf32>
      tpu.vector_store %arg7[%swap3A_42, %swap3A_43], %broadcast_in_dim3A_41 {strides = array<i32>} : memref<8x64xf32, #tpu.memory_space<vmem>>, vector<8x64xf32>,
    } else {
    }
    %get3A_22 = arith.constant 0 : index
    %get3A_23 = arith.constant 0 : index
    %get3A_24 = vector.load %arg7[%get3A_22, %get3A_23] : memref<8x64xf32, #tpu.memory_space<vmem>>, vector<1x64xf32>
    %reduce_sum3A = arith.constant dense<0.000000e+00> : vector<64xf32>
    %reduce_sum3A_25 = vector.multi_reduction <add>, %sub3A, %reduce_sum3A [0] : vector<1024x64xf32> to vector<64xf32>
    %broadcast_in_dim3A = vector.shape_cast %reduce_sum3A_25 : vector<64xf32> to vector<1x64xf32>
    %add3A_26 = arith.addf %get3A_24, %broadcast_in_dim3A : vector<1x64xf32>
    %swap3A_27 = arith.constant 0 : index
    %swap3A_28 = arith.constant 0 : index
    %swap3A_29 = vector.load %arg7[%swap3A_27, %swap3A_28] : memref<8x64xf32, #tpu.memory_space<vmem>>, vector<1x64xf32>
    tpu.vector_store %arg7[%swap3A_27, %swap3A_28], %add3A_26 {strides = array<i32>} : memref<8x64xf32, #tpu.memory_space<vmem>>, vector<1x64xf32>,
    %get3A_30 = arith.constant 1 : index
    %get3A_31 = arith.constant 0 : index
    %get3A_32 = vector.load %arg7[%get3A_30, %get3A_31] : memref<8x64xf32, #tpu.memory_space<vmem>>, vector<1x64xf32>
    %mul3A = arith.mulf %sub3A, %sub3A : vector<1024x64xf32>
    %reduce_sum3A_33 = arith.constant dense<0.000000e+00> : vector<64xf32>
    %reduce_sum3A_34 = vector.multi_reduction <add>, %mul3A, %reduce_sum3A_33 [0] : vector<1024x64xf32> to vector<64xf32>
    %broadcast_in_dim3A_35 = vector.shape_cast %reduce_sum3A_34 : vector<64xf32> to vector<1x64xf32>
    %add3A_36 = arith.addf %get3A_32, %broadcast_in_dim3A_35 : vector<1x64xf32>
    %swap3A_37 = arith.constant 1 : index
    %swap3A_38 = arith.constant 0 : index
    %swap3A_39 = vector.load %arg7[%swap3A_37, %swap3A_38] : memref<8x64xf32, #tpu.memory_space<vmem>>, vector<1x64xf32>
    tpu.vector_store %arg7[%swap3A_37, %swap3A_38], %add3A_36 {strides = array<i32>} : memref<8x64xf32, #tpu.memory_space<vmem>>, vector<1x64xf32>,
    return
  }
  func.func @transform_0(%arg0: i32) -> (i32, i32) {
    %c0_i32 = arith.constant 0 : i32
    %c0_i32_0 = arith.constant 0 : i32
    return %arg0, %c0_i32 : i32, i32
  }
  func.func @transform_1(%arg0: i32) -> (i32, i32) {
    %c0_i32 = arith.constant 0 : i32
    %c0_i32_0 = arith.constant 0 : i32
    return %arg0, %c0_i32 : i32, i32
  }
  func.func @transform_2(%arg0: i32) -> (i32, i32) {
    %c0_i32 = arith.constant 0 : i32
    %c0_i32_0 = arith.constant 0 : i32
    %c0_i32_1 = arith.constant 0 : i32
    return %c0_i32, %c0_i32_0 : i32, i32
  }
  func.func @transform_3(%arg0: i32) -> (i32, i32) {
    %c0_i32 = arith.constant 0 : i32
    %c0_i32_0 = arith.constant 0 : i32
    %c0_i32_1 = arith.constant 0 : i32
    return %c0_i32, %c0_i32_0 : i32, i32
  }
  func.func @transform_4(%arg0: i32) -> (i32, i32) {
    %c0_i32 = arith.constant 0 : i32
    %c0_i32_0 = arith.constant 0 : i32
    %c0_i32_1 = arith.constant 0 : i32
    return %c0_i32, %c0_i32_0 : i32, i32
  }
  func.func @transform_5(%arg0: i32) -> (i32, i32) {
    %c0_i32 = arith.constant 0 : i32
    %c0_i32_0 = arith.constant 0 : i32
    return %arg0, %c0_i32 : i32, i32
  }
  func.func @transform_6(%arg0: i32) -> (i32, i32) {
    %c0_i32 = arith.constant 0 : i32
    %c0_i32_0 = arith.constant 0 : i32
    %c0_i32_1 = arith.constant 0 : i32
    return %c0_i32, %c0_i32_0 : i32, i32
  }
}

module attributes {stable_mosaic.version = 14 : i64} {
  func.func @_layer_body(%arg0: i32, %arg1: memref<1024x64xf32, #tpu.memory_space<vmem>>, %arg2: memref<1x64xf32, #tpu.memory_space<vmem>>, %arg3: memref<1x64xf32, #tpu.memory_space<vmem>>, %arg4: memref<64x64xf32, #tpu.memory_space<vmem>>, %arg5: memref<1x64xf32, #tpu.memory_space<vmem>>, %arg6: memref<1024x64xf32, #tpu.memory_space<vmem>>, %arg7: memref<8x64xf32, #tpu.memory_space<vmem>>) attributes {dimension_semantics = [#tpu.dimension_semantics<arbitrary>], iteration_bounds = array<i64: 256>, scalar_prefetch = 0 : i64, scratch_operands = 0 : i64, tpu.core_type = #tpu.core_type<tc>, window_params = [{transform_indices = @transform_0, window_bounds = array<i64: 1024, 64>}, {pipeline_mode = #tpu.pipeline_mode<synchronous>, transform_indices = @transform_1, window_bounds = array<i64: 1, 64>}, {pipeline_mode = #tpu.pipeline_mode<synchronous>, transform_indices = @transform_2, window_bounds = array<i64: 1, 64>}, {pipeline_mode = #tpu.pipeline_mode<synchronous>, transform_indices = @transform_3, window_bounds = array<i64: 64, 64>}, {pipeline_mode = #tpu.pipeline_mode<synchronous>, transform_indices = @transform_4, window_bounds = array<i64: 1, 64>}, {transform_indices = @transform_5, window_bounds = array<i64: 1024, 64>}, {pipeline_mode = #tpu.pipeline_mode<synchronous>, transform_indices = @transform_6, window_bounds = array<i64: 8, 64>}]} {
    %get3A = arith.constant 0 : index
    %get3A_0 = arith.constant 0 : index
    %get3A_1 = vector.load %arg1[%get3A, %get3A_0] : memref<1024x64xf32, #tpu.memory_space<vmem>>, vector<1024x64xf32>
    %get3A_2 = arith.constant 0 : index
    %get3A_3 = arith.constant 0 : index
    %get3A_4 = vector.load %arg2[%get3A_2, %get3A_3] : memref<1x64xf32, #tpu.memory_space<vmem>>, vector<1x64xf32>
    %mul3A = vector.broadcast %get3A_4 : vector<1x64xf32> to vector<1024x64xf32>
    %mul3A_5 = arith.mulf %get3A_1, %mul3A : vector<1024x64xf32>
    %get3A_6 = arith.constant 0 : index
    %get3A_7 = arith.constant 0 : index
    %get3A_8 = vector.load %arg3[%get3A_6, %get3A_7] : memref<1x64xf32, #tpu.memory_space<vmem>>, vector<1x64xf32>
    %add3A = vector.broadcast %get3A_8 : vector<1x64xf32> to vector<1024x64xf32>
    %add3A_9 = arith.addf %mul3A_5, %add3A : vector<1024x64xf32>
    %max3A = arith.constant 0.000000e+00 : f32
    %max3A_10 = vector.broadcast %max3A : f32 to vector<1024x64xf32>
    %max3A_11 = arith.maximumf %add3A_9, %max3A_10 : vector<1024x64xf32>
    %get3A_12 = arith.constant 0 : index
    %get3A_13 = arith.constant 0 : index
    %get3A_14 = vector.load %arg4[%get3A_12, %get3A_13] : memref<64x64xf32, #tpu.memory_space<vmem>>, vector<64x64xf32>
    %dot_general3A = arith.constant dense<0.000000e+00> : vector<1024x64xf32>
    %dot_general3A_15 = tpu.matmul %max3A_11, %get3A_14, %dot_general3A {dimension_numbers = #tpu.dot_dimension_numbers<[1], [0], [0], [1], [0, 0, 1, 1], [], []>, transpose_lhs_hint = false} : vector<1024x64xf32>, vector<64x64xf32>, vector<1024x64xf32> -> vector<1024x64xf32>
    %get3A_16 = arith.constant 0 : index
    %get3A_17 = arith.constant 0 : index
    %get3A_18 = vector.load %arg5[%get3A_16, %get3A_17] : memref<1x64xf32, #tpu.memory_space<vmem>>, vector<1x64xf32>
    %add3A_19 = vector.broadcast %get3A_18 : vector<1x64xf32> to vector<1024x64xf32>
    %add3A_20 = arith.addf %dot_general3A_15, %add3A_19 : vector<1024x64xf32>
    %swap3A = arith.constant 0 : index
    %swap3A_21 = arith.constant 0 : index
    %swap3A_22 = vector.load %arg6[%swap3A, %swap3A_21] : memref<1024x64xf32, #tpu.memory_space<vmem>>, vector<1024x64xf32>
    tpu.vector_store %arg6[%swap3A, %swap3A_21], %add3A_20 {strides = array<i32>} : memref<1024x64xf32, #tpu.memory_space<vmem>>, vector<1024x64xf32>,
    %eq3A = arith.constant 0 : i32
    %eq3A_23 = arith.cmpi eq, %arg0, %eq3A : i32
    %convert_element_type3A = arith.extui %eq3A_23 : i1 to i32
    %cond3A = arith.constant 0 : i32
    %cond3A_24 = arith.cmpi ne, %convert_element_type3A, %cond3A : i32
    scf.if %cond3A_24 {
      %broadcast_in_dim3A_44 = arith.constant 0.000000e+00 : f32
      %broadcast_in_dim3A_45 = vector.broadcast %broadcast_in_dim3A_44 : f32 to vector<8x64xf32>
      %swap3A_46 = arith.constant 0 : index
      %swap3A_47 = arith.constant 0 : index
      %swap3A_48 = vector.load %arg7[%swap3A_46, %swap3A_47] : memref<8x64xf32, #tpu.memory_space<vmem>>, vector<8x64xf32>
      tpu.vector_store %arg7[%swap3A_46, %swap3A_47], %broadcast_in_dim3A_45 {strides = array<i32>} : memref<8x64xf32, #tpu.memory_space<vmem>>, vector<8x64xf32>,
    } else {
    }
    %get3A_25 = arith.constant 0 : index
    %get3A_26 = arith.constant 0 : index
    %get3A_27 = vector.load %arg7[%get3A_25, %get3A_26] : memref<8x64xf32, #tpu.memory_space<vmem>>, vector<1x64xf32>
    %reduce_sum3A = arith.constant dense<0.000000e+00> : vector<64xf32>
    %reduce_sum3A_28 = vector.multi_reduction <add>, %add3A_20, %reduce_sum3A [0] : vector<1024x64xf32> to vector<64xf32>
    %broadcast_in_dim3A = vector.shape_cast %reduce_sum3A_28 : vector<64xf32> to vector<1x64xf32>
    %add3A_29 = arith.addf %get3A_27, %broadcast_in_dim3A : vector<1x64xf32>
    %swap3A_30 = arith.constant 0 : index
    %swap3A_31 = arith.constant 0 : index
    %swap3A_32 = vector.load %arg7[%swap3A_30, %swap3A_31] : memref<8x64xf32, #tpu.memory_space<vmem>>, vector<1x64xf32>
    tpu.vector_store %arg7[%swap3A_30, %swap3A_31], %add3A_29 {strides = array<i32>} : memref<8x64xf32, #tpu.memory_space<vmem>>, vector<1x64xf32>,
    %get3A_33 = arith.constant 1 : index
    %get3A_34 = arith.constant 0 : index
    %get3A_35 = vector.load %arg7[%get3A_33, %get3A_34] : memref<8x64xf32, #tpu.memory_space<vmem>>, vector<1x64xf32>
    %mul3A_36 = arith.mulf %add3A_20, %add3A_20 : vector<1024x64xf32>
    %reduce_sum3A_37 = arith.constant dense<0.000000e+00> : vector<64xf32>
    %reduce_sum3A_38 = vector.multi_reduction <add>, %mul3A_36, %reduce_sum3A_37 [0] : vector<1024x64xf32> to vector<64xf32>
    %broadcast_in_dim3A_39 = vector.shape_cast %reduce_sum3A_38 : vector<64xf32> to vector<1x64xf32>
    %add3A_40 = arith.addf %get3A_35, %broadcast_in_dim3A_39 : vector<1x64xf32>
    %swap3A_41 = arith.constant 1 : index
    %swap3A_42 = arith.constant 0 : index
    %swap3A_43 = vector.load %arg7[%swap3A_41, %swap3A_42] : memref<8x64xf32, #tpu.memory_space<vmem>>, vector<1x64xf32>
    tpu.vector_store %arg7[%swap3A_41, %swap3A_42], %add3A_40 {strides = array<i32>} : memref<8x64xf32, #tpu.memory_space<vmem>>, vector<1x64xf32>,
    return
  }
  func.func @transform_0(%arg0: i32) -> (i32, i32) {
    %c0_i32 = arith.constant 0 : i32
    %c0_i32_0 = arith.constant 0 : i32
    return %arg0, %c0_i32 : i32, i32
  }
  func.func @transform_1(%arg0: i32) -> (i32, i32) {
    %c0_i32 = arith.constant 0 : i32
    %c0_i32_0 = arith.constant 0 : i32
    %c0_i32_1 = arith.constant 0 : i32
    return %c0_i32, %c0_i32_0 : i32, i32
  }
  func.func @transform_2(%arg0: i32) -> (i32, i32) {
    %c0_i32 = arith.constant 0 : i32
    %c0_i32_0 = arith.constant 0 : i32
    %c0_i32_1 = arith.constant 0 : i32
    return %c0_i32, %c0_i32_0 : i32, i32
  }
  func.func @transform_3(%arg0: i32) -> (i32, i32) {
    %c0_i32 = arith.constant 0 : i32
    %c0_i32_0 = arith.constant 0 : i32
    %c0_i32_1 = arith.constant 0 : i32
    return %c0_i32, %c0_i32_0 : i32, i32
  }
  func.func @transform_4(%arg0: i32) -> (i32, i32) {
    %c0_i32 = arith.constant 0 : i32
    %c0_i32_0 = arith.constant 0 : i32
    %c0_i32_1 = arith.constant 0 : i32
    return %c0_i32, %c0_i32_0 : i32, i32
  }
  func.func @transform_5(%arg0: i32) -> (i32, i32) {
    %c0_i32 = arith.constant 0 : i32
    %c0_i32_0 = arith.constant 0 : i32
    return %arg0, %c0_i32 : i32, i32
  }
  func.func @transform_6(%arg0: i32) -> (i32, i32) {
    %c0_i32 = arith.constant 0 : i32
    %c0_i32_0 = arith.constant 0 : i32
    %c0_i32_1 = arith.constant 0 : i32
    return %c0_i32, %c0_i32_0 : i32, i32
  }
}

module attributes {stable_mosaic.version = 14 : i64} {
  func.func @_layer_body(%arg0: i32, %arg1: memref<1024x64xf32, #tpu.memory_space<vmem>>, %arg2: memref<1x64xf32, #tpu.memory_space<vmem>>, %arg3: memref<1x64xf32, #tpu.memory_space<vmem>>, %arg4: memref<64x128xf32, #tpu.memory_space<vmem>>, %arg5: memref<1x128xf32, #tpu.memory_space<vmem>>, %arg6: memref<1024x128xf32, #tpu.memory_space<vmem>>, %arg7: memref<8x128xf32, #tpu.memory_space<vmem>>) attributes {dimension_semantics = [#tpu.dimension_semantics<arbitrary>], iteration_bounds = array<i64: 256>, scalar_prefetch = 0 : i64, scratch_operands = 0 : i64, tpu.core_type = #tpu.core_type<tc>, window_params = [{transform_indices = @transform_0, window_bounds = array<i64: 1024, 64>}, {pipeline_mode = #tpu.pipeline_mode<synchronous>, transform_indices = @transform_1, window_bounds = array<i64: 1, 64>}, {pipeline_mode = #tpu.pipeline_mode<synchronous>, transform_indices = @transform_2, window_bounds = array<i64: 1, 64>}, {pipeline_mode = #tpu.pipeline_mode<synchronous>, transform_indices = @transform_3, window_bounds = array<i64: 64, 128>}, {pipeline_mode = #tpu.pipeline_mode<synchronous>, transform_indices = @transform_4, window_bounds = array<i64: 1, 128>}, {transform_indices = @transform_5, window_bounds = array<i64: 1024, 128>}, {pipeline_mode = #tpu.pipeline_mode<synchronous>, transform_indices = @transform_6, window_bounds = array<i64: 8, 128>}]} {
    %get3A = arith.constant 0 : index
    %get3A_0 = arith.constant 0 : index
    %get3A_1 = vector.load %arg1[%get3A, %get3A_0] : memref<1024x64xf32, #tpu.memory_space<vmem>>, vector<1024x64xf32>
    %get3A_2 = arith.constant 0 : index
    %get3A_3 = arith.constant 0 : index
    %get3A_4 = vector.load %arg2[%get3A_2, %get3A_3] : memref<1x64xf32, #tpu.memory_space<vmem>>, vector<1x64xf32>
    %mul3A = vector.broadcast %get3A_4 : vector<1x64xf32> to vector<1024x64xf32>
    %mul3A_5 = arith.mulf %get3A_1, %mul3A : vector<1024x64xf32>
    %get3A_6 = arith.constant 0 : index
    %get3A_7 = arith.constant 0 : index
    %get3A_8 = vector.load %arg3[%get3A_6, %get3A_7] : memref<1x64xf32, #tpu.memory_space<vmem>>, vector<1x64xf32>
    %add3A = vector.broadcast %get3A_8 : vector<1x64xf32> to vector<1024x64xf32>
    %add3A_9 = arith.addf %mul3A_5, %add3A : vector<1024x64xf32>
    %max3A = arith.constant 0.000000e+00 : f32
    %max3A_10 = vector.broadcast %max3A : f32 to vector<1024x64xf32>
    %max3A_11 = arith.maximumf %add3A_9, %max3A_10 : vector<1024x64xf32>
    %get3A_12 = arith.constant 0 : index
    %get3A_13 = arith.constant 0 : index
    %get3A_14 = vector.load %arg4[%get3A_12, %get3A_13] : memref<64x128xf32, #tpu.memory_space<vmem>>, vector<64x128xf32>
    %dot_general3A = arith.constant dense<0.000000e+00> : vector<1024x128xf32>
    %dot_general3A_15 = tpu.matmul %max3A_11, %get3A_14, %dot_general3A {dimension_numbers = #tpu.dot_dimension_numbers<[1], [0], [0], [1], [0, 0, 1, 1], [], []>, transpose_lhs_hint = false} : vector<1024x64xf32>, vector<64x128xf32>, vector<1024x128xf32> -> vector<1024x128xf32>
    %get3A_16 = arith.constant 0 : index
    %get3A_17 = arith.constant 0 : index
    %get3A_18 = vector.load %arg5[%get3A_16, %get3A_17] : memref<1x128xf32, #tpu.memory_space<vmem>>, vector<1x128xf32>
    %add3A_19 = vector.broadcast %get3A_18 : vector<1x128xf32> to vector<1024x128xf32>
    %add3A_20 = arith.addf %dot_general3A_15, %add3A_19 : vector<1024x128xf32>
    %swap3A = arith.constant 0 : index
    %swap3A_21 = arith.constant 0 : index
    %swap3A_22 = vector.load %arg6[%swap3A, %swap3A_21] : memref<1024x128xf32, #tpu.memory_space<vmem>>, vector<1024x128xf32>
    tpu.vector_store %arg6[%swap3A, %swap3A_21], %add3A_20 {strides = array<i32>} : memref<1024x128xf32, #tpu.memory_space<vmem>>, vector<1024x128xf32>,
    %eq3A = arith.constant 0 : i32
    %eq3A_23 = arith.cmpi eq, %arg0, %eq3A : i32
    %convert_element_type3A = arith.extui %eq3A_23 : i1 to i32
    %cond3A = arith.constant 0 : i32
    %cond3A_24 = arith.cmpi ne, %convert_element_type3A, %cond3A : i32
    scf.if %cond3A_24 {
      %broadcast_in_dim3A_44 = arith.constant 0.000000e+00 : f32
      %broadcast_in_dim3A_45 = vector.broadcast %broadcast_in_dim3A_44 : f32 to vector<8x128xf32>
      %swap3A_46 = arith.constant 0 : index
      %swap3A_47 = arith.constant 0 : index
      %swap3A_48 = vector.load %arg7[%swap3A_46, %swap3A_47] : memref<8x128xf32, #tpu.memory_space<vmem>>, vector<8x128xf32>
      tpu.vector_store %arg7[%swap3A_46, %swap3A_47], %broadcast_in_dim3A_45 {strides = array<i32>} : memref<8x128xf32, #tpu.memory_space<vmem>>, vector<8x128xf32>,
    } else {
    }
    %get3A_25 = arith.constant 0 : index
    %get3A_26 = arith.constant 0 : index
    %get3A_27 = vector.load %arg7[%get3A_25, %get3A_26] : memref<8x128xf32, #tpu.memory_space<vmem>>, vector<1x128xf32>
    %reduce_sum3A = arith.constant dense<0.000000e+00> : vector<128xf32>
    %reduce_sum3A_28 = vector.multi_reduction <add>, %add3A_20, %reduce_sum3A [0] : vector<1024x128xf32> to vector<128xf32>
    %broadcast_in_dim3A = vector.shape_cast %reduce_sum3A_28 : vector<128xf32> to vector<1x128xf32>
    %add3A_29 = arith.addf %get3A_27, %broadcast_in_dim3A : vector<1x128xf32>
    %swap3A_30 = arith.constant 0 : index
    %swap3A_31 = arith.constant 0 : index
    %swap3A_32 = vector.load %arg7[%swap3A_30, %swap3A_31] : memref<8x128xf32, #tpu.memory_space<vmem>>, vector<1x128xf32>
    tpu.vector_store %arg7[%swap3A_30, %swap3A_31], %add3A_29 {strides = array<i32>} : memref<8x128xf32, #tpu.memory_space<vmem>>, vector<1x128xf32>,
    %get3A_33 = arith.constant 1 : index
    %get3A_34 = arith.constant 0 : index
    %get3A_35 = vector.load %arg7[%get3A_33, %get3A_34] : memref<8x128xf32, #tpu.memory_space<vmem>>, vector<1x128xf32>
    %mul3A_36 = arith.mulf %add3A_20, %add3A_20 : vector<1024x128xf32>
    %reduce_sum3A_37 = arith.constant dense<0.000000e+00> : vector<128xf32>
    %reduce_sum3A_38 = vector.multi_reduction <add>, %mul3A_36, %reduce_sum3A_37 [0] : vector<1024x128xf32> to vector<128xf32>
    %broadcast_in_dim3A_39 = vector.shape_cast %reduce_sum3A_38 : vector<128xf32> to vector<1x128xf32>
    %add3A_40 = arith.addf %get3A_35, %broadcast_in_dim3A_39 : vector<1x128xf32>
    %swap3A_41 = arith.constant 1 : index
    %swap3A_42 = arith.constant 0 : index
    %swap3A_43 = vector.load %arg7[%swap3A_41, %swap3A_42] : memref<8x128xf32, #tpu.memory_space<vmem>>, vector<1x128xf32>
    tpu.vector_store %arg7[%swap3A_41, %swap3A_42], %add3A_40 {strides = array<i32>} : memref<8x128xf32, #tpu.memory_space<vmem>>, vector<1x128xf32>,
    return
  }
  func.func @transform_0(%arg0: i32) -> (i32, i32) {
    %c0_i32 = arith.constant 0 : i32
    %c0_i32_0 = arith.constant 0 : i32
    return %arg0, %c0_i32 : i32, i32
  }
  func.func @transform_1(%arg0: i32) -> (i32, i32) {
    %c0_i32 = arith.constant 0 : i32
    %c0_i32_0 = arith.constant 0 : i32
    %c0_i32_1 = arith.constant 0 : i32
    return %c0_i32, %c0_i32_0 : i32, i32
  }
  func.func @transform_2(%arg0: i32) -> (i32, i32) {
    %c0_i32 = arith.constant 0 : i32
    %c0_i32_0 = arith.constant 0 : i32
    %c0_i32_1 = arith.constant 0 : i32
    return %c0_i32, %c0_i32_0 : i32, i32
  }
  func.func @transform_3(%arg0: i32) -> (i32, i32) {
    %c0_i32 = arith.constant 0 : i32
    %c0_i32_0 = arith.constant 0 : i32
    %c0_i32_1 = arith.constant 0 : i32
    return %c0_i32, %c0_i32_0 : i32, i32
  }
  func.func @transform_4(%arg0: i32) -> (i32, i32) {
    %c0_i32 = arith.constant 0 : i32
    %c0_i32_0 = arith.constant 0 : i32
    %c0_i32_1 = arith.constant 0 : i32
    return %c0_i32, %c0_i32_0 : i32, i32
  }
  func.func @transform_5(%arg0: i32) -> (i32, i32) {
    %c0_i32 = arith.constant 0 : i32
    %c0_i32_0 = arith.constant 0 : i32
    return %arg0, %c0_i32 : i32, i32
  }
  func.func @transform_6(%arg0: i32) -> (i32, i32) {
    %c0_i32 = arith.constant 0 : i32
    %c0_i32_0 = arith.constant 0 : i32
    %c0_i32_1 = arith.constant 0 : i32
    return %c0_i32, %c0_i32_0 : i32, i32
  }
}

module attributes {stable_mosaic.version = 14 : i64} {
  func.func @_pool_relu_body(%arg0: i32, %arg1: memref<128x32x128xf32, #tpu.memory_space<vmem>>, %arg2: memref<1x128xf32, #tpu.memory_space<vmem>>, %arg3: memref<1x128xf32, #tpu.memory_space<vmem>>, %arg4: memref<128x128xf32, #tpu.memory_space<vmem>>) attributes {dimension_semantics = [#tpu.dimension_semantics<arbitrary>], iteration_bounds = array<i64: 64>, scalar_prefetch = 0 : i64, scratch_operands = 0 : i64, tpu.core_type = #tpu.core_type<tc>, window_params = [{transform_indices = @transform_0, window_bounds = array<i64: 128, 32, 128>}, {pipeline_mode = #tpu.pipeline_mode<synchronous>, transform_indices = @transform_1, window_bounds = array<i64: 1, 128>}, {pipeline_mode = #tpu.pipeline_mode<synchronous>, transform_indices = @transform_2, window_bounds = array<i64: 1, 128>}, {transform_indices = @transform_3, window_bounds = array<i64: 128, 128>}]} {
    %get3A = arith.constant 0 : index
    %get3A_0 = arith.constant 0 : index
    %get3A_1 = arith.constant 0 : index
    %get3A_2 = vector.load %arg1[%get3A, %get3A_0, %get3A_1] : memref<128x32x128xf32, #tpu.memory_space<vmem>>, vector<128x32x128xf32>
    %get3A_3 = arith.constant 0 : index
    %get3A_4 = arith.constant 0 : index
    %get3A_5 = vector.load %arg2[%get3A_3, %get3A_4] : memref<1x128xf32, #tpu.memory_space<vmem>>, vector<1x128xf32>
    %broadcast_in_dim3A = vector.shape_cast %get3A_5 : vector<1x128xf32> to vector<1x1x128xf32>
    %get3A_6 = arith.constant 0 : index
    %get3A_7 = arith.constant 0 : index
    %get3A_8 = vector.load %arg3[%get3A_6, %get3A_7] : memref<1x128xf32, #tpu.memory_space<vmem>>, vector<1x128xf32>
    %broadcast_in_dim3A_9 = vector.shape_cast %get3A_8 : vector<1x128xf32> to vector<1x1x128xf32>
    %mul3A = vector.broadcast %broadcast_in_dim3A : vector<1x1x128xf32> to vector<128x32x128xf32>
    %mul3A_10 = arith.mulf %get3A_2, %mul3A : vector<128x32x128xf32>
    %add3A = vector.broadcast %broadcast_in_dim3A_9 : vector<1x1x128xf32> to vector<128x32x128xf32>
    %add3A_11 = arith.addf %mul3A_10, %add3A : vector<128x32x128xf32>
    %max3A = arith.constant 0.000000e+00 : f32
    %max3A_12 = vector.broadcast %max3A : f32 to vector<128x32x128xf32>
    %max3A_13 = arith.maximumf %add3A_11, %max3A_12 : vector<128x32x128xf32>
    %reduce_max3A = arith.constant dense<0xFF800000> : vector<128x128xf32>
    %reduce_max3A_14 = vector.multi_reduction <maximumf>, %max3A_13, %reduce_max3A [1] : vector<128x32x128xf32> to vector<128x128xf32>
    %swap3A = arith.constant 0 : index
    %swap3A_15 = arith.constant 0 : index
    %swap3A_16 = vector.load %arg4[%swap3A, %swap3A_15] : memref<128x128xf32, #tpu.memory_space<vmem>>, vector<128x128xf32>
    tpu.vector_store %arg4[%swap3A, %swap3A_15], %reduce_max3A_14 {strides = array<i32>} : memref<128x128xf32, #tpu.memory_space<vmem>>, vector<128x128xf32>,
    return
  }
  func.func @transform_0(%arg0: i32) -> (i32, i32, i32) {
    %c0_i32 = arith.constant 0 : i32
    %c0_i32_0 = arith.constant 0 : i32
    %c0_i32_1 = arith.constant 0 : i32
    return %arg0, %c0_i32, %c0_i32_0 : i32, i32, i32
  }
  func.func @transform_1(%arg0: i32) -> (i32, i32) {
    %c0_i32 = arith.constant 0 : i32
    %c0_i32_0 = arith.constant 0 : i32
    %c0_i32_1 = arith.constant 0 : i32
    return %c0_i32, %c0_i32_0 : i32, i32
  }
  func.func @transform_2(%arg0: i32) -> (i32, i32) {
    %c0_i32 = arith.constant 0 : i32
    %c0_i32_0 = arith.constant 0 : i32
    %c0_i32_1 = arith.constant 0 : i32
    return %c0_i32, %c0_i32_0 : i32, i32
  }
  func.func @transform_3(%arg0: i32) -> (i32, i32) {
    %c0_i32 = arith.constant 0 : i32
    %c0_i32_0 = arith.constant 0 : i32
    return %arg0, %c0_i32 : i32, i32
  }
}

module attributes {stable_mosaic.version = 14 : i64} {
  func.func @_layer_first_body(%arg0: i32, %arg1: memref<1024x128xf32, #tpu.memory_space<vmem>>, %arg2: memref<1024x3xf32, #tpu.memory_space<vmem>>, %arg3: memref<128x64xf32, #tpu.memory_space<vmem>>, %arg4: memref<3x64xf32, #tpu.memory_space<vmem>>, %arg5: memref<1x64xf32, #tpu.memory_space<vmem>>, %arg6: memref<1024x64xf32, #tpu.memory_space<vmem>>, %arg7: memref<8x64xf32, #tpu.memory_space<vmem>>) attributes {dimension_semantics = [#tpu.dimension_semantics<arbitrary>], iteration_bounds = array<i64: 512>, scalar_prefetch = 0 : i64, scratch_operands = 0 : i64, tpu.core_type = #tpu.core_type<tc>, window_params = [{transform_indices = @transform_0, window_bounds = array<i64: 1024, 128>}, {transform_indices = @transform_1, window_bounds = array<i64: 1024, 3>}, {pipeline_mode = #tpu.pipeline_mode<synchronous>, transform_indices = @transform_2, window_bounds = array<i64: 128, 64>}, {pipeline_mode = #tpu.pipeline_mode<synchronous>, transform_indices = @transform_3, window_bounds = array<i64: 3, 64>}, {pipeline_mode = #tpu.pipeline_mode<synchronous>, transform_indices = @transform_4, window_bounds = array<i64: 1, 64>}, {transform_indices = @transform_5, window_bounds = array<i64: 1024, 64>}, {pipeline_mode = #tpu.pipeline_mode<synchronous>, transform_indices = @transform_6, window_bounds = array<i64: 8, 64>}]} {
    %get3A = arith.constant 0 : index
    %get3A_0 = arith.constant 0 : index
    %get3A_1 = vector.load %arg1[%get3A, %get3A_0] : memref<1024x128xf32, #tpu.memory_space<vmem>>, vector<1024x128xf32>
    %get3A_2 = arith.constant 0 : index
    %get3A_3 = arith.constant 0 : index
    %get3A_4 = vector.load %arg3[%get3A_2, %get3A_3] : memref<128x64xf32, #tpu.memory_space<vmem>>, vector<128x64xf32>
    %dot_general3A = arith.constant dense<0.000000e+00> : vector<1024x64xf32>
    %dot_general3A_5 = tpu.matmul %get3A_1, %get3A_4, %dot_general3A {dimension_numbers = #tpu.dot_dimension_numbers<[1], [0], [0], [1], [0, 0, 1, 1], [], []>, transpose_lhs_hint = false} : vector<1024x128xf32>, vector<128x64xf32>, vector<1024x64xf32> -> vector<1024x64xf32>
    %get3A_6 = arith.constant 0 : index
    %get3A_7 = arith.constant 0 : index
    %get3A_8 = vector.load %arg5[%get3A_6, %get3A_7] : memref<1x64xf32, #tpu.memory_space<vmem>>, vector<1x64xf32>
    %add3A = vector.broadcast %get3A_8 : vector<1x64xf32> to vector<1024x64xf32>
    %add3A_9 = arith.addf %dot_general3A_5, %add3A : vector<1024x64xf32>
    %get3A_10 = arith.constant 0 : index
    %get3A_11 = arith.constant 0 : index
    %get3A_12 = vector.load %arg2[%get3A_10, %get3A_11] : memref<1024x3xf32, #tpu.memory_space<vmem>>, vector<1024x3xf32>
    %get3A_13 = arith.constant 0 : index
    %get3A_14 = arith.constant 0 : index
    %get3A_15 = vector.load %arg4[%get3A_13, %get3A_14] : memref<3x64xf32, #tpu.memory_space<vmem>>, vector<3x64xf32>
    %dot_general3A_16 = arith.constant dense<0.000000e+00> : vector<1024x64xf32>
    %dot_general3A_17 = tpu.matmul %get3A_12, %get3A_15, %dot_general3A_16 {dimension_numbers = #tpu.dot_dimension_numbers<[1], [0], [0], [1], [0, 0, 1, 1], [], []>, transpose_lhs_hint = false} : vector<1024x3xf32>, vector<3x64xf32>, vector<1024x64xf32> -> vector<1024x64xf32>
    %sub3A = arith.subf %add3A_9, %dot_general3A_17 : vector<1024x64xf32>
    %swap3A = arith.constant 0 : index
    %swap3A_18 = arith.constant 0 : index
    %swap3A_19 = vector.load %arg6[%swap3A, %swap3A_18] : memref<1024x64xf32, #tpu.memory_space<vmem>>, vector<1024x64xf32>
    tpu.vector_store %arg6[%swap3A, %swap3A_18], %sub3A {strides = array<i32>} : memref<1024x64xf32, #tpu.memory_space<vmem>>, vector<1024x64xf32>,
    %eq3A = arith.constant 0 : i32
    %eq3A_20 = arith.cmpi eq, %arg0, %eq3A : i32
    %convert_element_type3A = arith.extui %eq3A_20 : i1 to i32
    %cond3A = arith.constant 0 : i32
    %cond3A_21 = arith.cmpi ne, %convert_element_type3A, %cond3A : i32
    scf.if %cond3A_21 {
      %broadcast_in_dim3A_40 = arith.constant 0.000000e+00 : f32
      %broadcast_in_dim3A_41 = vector.broadcast %broadcast_in_dim3A_40 : f32 to vector<8x64xf32>
      %swap3A_42 = arith.constant 0 : index
      %swap3A_43 = arith.constant 0 : index
      %swap3A_44 = vector.load %arg7[%swap3A_42, %swap3A_43] : memref<8x64xf32, #tpu.memory_space<vmem>>, vector<8x64xf32>
      tpu.vector_store %arg7[%swap3A_42, %swap3A_43], %broadcast_in_dim3A_41 {strides = array<i32>} : memref<8x64xf32, #tpu.memory_space<vmem>>, vector<8x64xf32>,
    } else {
    }
    %get3A_22 = arith.constant 0 : index
    %get3A_23 = arith.constant 0 : index
    %get3A_24 = vector.load %arg7[%get3A_22, %get3A_23] : memref<8x64xf32, #tpu.memory_space<vmem>>, vector<1x64xf32>
    %reduce_sum3A = arith.constant dense<0.000000e+00> : vector<64xf32>
    %reduce_sum3A_25 = vector.multi_reduction <add>, %sub3A, %reduce_sum3A [0] : vector<1024x64xf32> to vector<64xf32>
    %broadcast_in_dim3A = vector.shape_cast %reduce_sum3A_25 : vector<64xf32> to vector<1x64xf32>
    %add3A_26 = arith.addf %get3A_24, %broadcast_in_dim3A : vector<1x64xf32>
    %swap3A_27 = arith.constant 0 : index
    %swap3A_28 = arith.constant 0 : index
    %swap3A_29 = vector.load %arg7[%swap3A_27, %swap3A_28] : memref<8x64xf32, #tpu.memory_space<vmem>>, vector<1x64xf32>
    tpu.vector_store %arg7[%swap3A_27, %swap3A_28], %add3A_26 {strides = array<i32>} : memref<8x64xf32, #tpu.memory_space<vmem>>, vector<1x64xf32>,
    %get3A_30 = arith.constant 1 : index
    %get3A_31 = arith.constant 0 : index
    %get3A_32 = vector.load %arg7[%get3A_30, %get3A_31] : memref<8x64xf32, #tpu.memory_space<vmem>>, vector<1x64xf32>
    %mul3A = arith.mulf %sub3A, %sub3A : vector<1024x64xf32>
    %reduce_sum3A_33 = arith.constant dense<0.000000e+00> : vector<64xf32>
    %reduce_sum3A_34 = vector.multi_reduction <add>, %mul3A, %reduce_sum3A_33 [0] : vector<1024x64xf32> to vector<64xf32>
    %broadcast_in_dim3A_35 = vector.shape_cast %reduce_sum3A_34 : vector<64xf32> to vector<1x64xf32>
    %add3A_36 = arith.addf %get3A_32, %broadcast_in_dim3A_35 : vector<1x64xf32>
    %swap3A_37 = arith.constant 1 : index
    %swap3A_38 = arith.constant 0 : index
    %swap3A_39 = vector.load %arg7[%swap3A_37, %swap3A_38] : memref<8x64xf32, #tpu.memory_space<vmem>>, vector<1x64xf32>
    tpu.vector_store %arg7[%swap3A_37, %swap3A_38], %add3A_36 {strides = array<i32>} : memref<8x64xf32, #tpu.memory_space<vmem>>, vector<1x64xf32>,
    return
  }
  func.func @transform_0(%arg0: i32) -> (i32, i32) {
    %c0_i32 = arith.constant 0 : i32
    %c0_i32_0 = arith.constant 0 : i32
    return %arg0, %c0_i32 : i32, i32
  }
  func.func @transform_1(%arg0: i32) -> (i32, i32) {
    %c0_i32 = arith.constant 0 : i32
    %c0_i32_0 = arith.constant 0 : i32
    return %arg0, %c0_i32 : i32, i32
  }
  func.func @transform_2(%arg0: i32) -> (i32, i32) {
    %c0_i32 = arith.constant 0 : i32
    %c0_i32_0 = arith.constant 0 : i32
    %c0_i32_1 = arith.constant 0 : i32
    return %c0_i32, %c0_i32_0 : i32, i32
  }
  func.func @transform_3(%arg0: i32) -> (i32, i32) {
    %c0_i32 = arith.constant 0 : i32
    %c0_i32_0 = arith.constant 0 : i32
    %c0_i32_1 = arith.constant 0 : i32
    return %c0_i32, %c0_i32_0 : i32, i32
  }
  func.func @transform_4(%arg0: i32) -> (i32, i32) {
    %c0_i32 = arith.constant 0 : i32
    %c0_i32_0 = arith.constant 0 : i32
    %c0_i32_1 = arith.constant 0 : i32
    return %c0_i32, %c0_i32_0 : i32, i32
  }
  func.func @transform_5(%arg0: i32) -> (i32, i32) {
    %c0_i32 = arith.constant 0 : i32
    %c0_i32_0 = arith.constant 0 : i32
    return %arg0, %c0_i32 : i32, i32
  }
  func.func @transform_6(%arg0: i32) -> (i32, i32) {
    %c0_i32 = arith.constant 0 : i32
    %c0_i32_0 = arith.constant 0 : i32
    %c0_i32_1 = arith.constant 0 : i32
    return %c0_i32, %c0_i32_0 : i32, i32
  }
}

module attributes {stable_mosaic.version = 14 : i64} {
  func.func @_layer_body(%arg0: i32, %arg1: memref<1024x64xf32, #tpu.memory_space<vmem>>, %arg2: memref<1x64xf32, #tpu.memory_space<vmem>>, %arg3: memref<1x64xf32, #tpu.memory_space<vmem>>, %arg4: memref<64x96xf32, #tpu.memory_space<vmem>>, %arg5: memref<1x96xf32, #tpu.memory_space<vmem>>, %arg6: memref<1024x96xf32, #tpu.memory_space<vmem>>, %arg7: memref<8x96xf32, #tpu.memory_space<vmem>>) attributes {dimension_semantics = [#tpu.dimension_semantics<arbitrary>], iteration_bounds = array<i64: 512>, scalar_prefetch = 0 : i64, scratch_operands = 0 : i64, tpu.core_type = #tpu.core_type<tc>, window_params = [{transform_indices = @transform_0, window_bounds = array<i64: 1024, 64>}, {pipeline_mode = #tpu.pipeline_mode<synchronous>, transform_indices = @transform_1, window_bounds = array<i64: 1, 64>}, {pipeline_mode = #tpu.pipeline_mode<synchronous>, transform_indices = @transform_2, window_bounds = array<i64: 1, 64>}, {pipeline_mode = #tpu.pipeline_mode<synchronous>, transform_indices = @transform_3, window_bounds = array<i64: 64, 96>}, {pipeline_mode = #tpu.pipeline_mode<synchronous>, transform_indices = @transform_4, window_bounds = array<i64: 1, 96>}, {transform_indices = @transform_5, window_bounds = array<i64: 1024, 96>}, {pipeline_mode = #tpu.pipeline_mode<synchronous>, transform_indices = @transform_6, window_bounds = array<i64: 8, 96>}]} {
    %get3A = arith.constant 0 : index
    %get3A_0 = arith.constant 0 : index
    %get3A_1 = vector.load %arg1[%get3A, %get3A_0] : memref<1024x64xf32, #tpu.memory_space<vmem>>, vector<1024x64xf32>
    %get3A_2 = arith.constant 0 : index
    %get3A_3 = arith.constant 0 : index
    %get3A_4 = vector.load %arg2[%get3A_2, %get3A_3] : memref<1x64xf32, #tpu.memory_space<vmem>>, vector<1x64xf32>
    %mul3A = vector.broadcast %get3A_4 : vector<1x64xf32> to vector<1024x64xf32>
    %mul3A_5 = arith.mulf %get3A_1, %mul3A : vector<1024x64xf32>
    %get3A_6 = arith.constant 0 : index
    %get3A_7 = arith.constant 0 : index
    %get3A_8 = vector.load %arg3[%get3A_6, %get3A_7] : memref<1x64xf32, #tpu.memory_space<vmem>>, vector<1x64xf32>
    %add3A = vector.broadcast %get3A_8 : vector<1x64xf32> to vector<1024x64xf32>
    %add3A_9 = arith.addf %mul3A_5, %add3A : vector<1024x64xf32>
    %max3A = arith.constant 0.000000e+00 : f32
    %max3A_10 = vector.broadcast %max3A : f32 to vector<1024x64xf32>
    %max3A_11 = arith.maximumf %add3A_9, %max3A_10 : vector<1024x64xf32>
    %get3A_12 = arith.constant 0 : index
    %get3A_13 = arith.constant 0 : index
    %get3A_14 = vector.load %arg4[%get3A_12, %get3A_13] : memref<64x96xf32, #tpu.memory_space<vmem>>, vector<64x96xf32>
    %dot_general3A = arith.constant dense<0.000000e+00> : vector<1024x96xf32>
    %dot_general3A_15 = tpu.matmul %max3A_11, %get3A_14, %dot_general3A {dimension_numbers = #tpu.dot_dimension_numbers<[1], [0], [0], [1], [0, 0, 1, 1], [], []>, transpose_lhs_hint = false} : vector<1024x64xf32>, vector<64x96xf32>, vector<1024x96xf32> -> vector<1024x96xf32>
    %get3A_16 = arith.constant 0 : index
    %get3A_17 = arith.constant 0 : index
    %get3A_18 = vector.load %arg5[%get3A_16, %get3A_17] : memref<1x96xf32, #tpu.memory_space<vmem>>, vector<1x96xf32>
    %add3A_19 = vector.broadcast %get3A_18 : vector<1x96xf32> to vector<1024x96xf32>
    %add3A_20 = arith.addf %dot_general3A_15, %add3A_19 : vector<1024x96xf32>
    %swap3A = arith.constant 0 : index
    %swap3A_21 = arith.constant 0 : index
    %swap3A_22 = vector.load %arg6[%swap3A, %swap3A_21] : memref<1024x96xf32, #tpu.memory_space<vmem>>, vector<1024x96xf32>
    tpu.vector_store %arg6[%swap3A, %swap3A_21], %add3A_20 {strides = array<i32>} : memref<1024x96xf32, #tpu.memory_space<vmem>>, vector<1024x96xf32>,
    %eq3A = arith.constant 0 : i32
    %eq3A_23 = arith.cmpi eq, %arg0, %eq3A : i32
    %convert_element_type3A = arith.extui %eq3A_23 : i1 to i32
    %cond3A = arith.constant 0 : i32
    %cond3A_24 = arith.cmpi ne, %convert_element_type3A, %cond3A : i32
    scf.if %cond3A_24 {
      %broadcast_in_dim3A_44 = arith.constant 0.000000e+00 : f32
      %broadcast_in_dim3A_45 = vector.broadcast %broadcast_in_dim3A_44 : f32 to vector<8x96xf32>
      %swap3A_46 = arith.constant 0 : index
      %swap3A_47 = arith.constant 0 : index
      %swap3A_48 = vector.load %arg7[%swap3A_46, %swap3A_47] : memref<8x96xf32, #tpu.memory_space<vmem>>, vector<8x96xf32>
      tpu.vector_store %arg7[%swap3A_46, %swap3A_47], %broadcast_in_dim3A_45 {strides = array<i32>} : memref<8x96xf32, #tpu.memory_space<vmem>>, vector<8x96xf32>,
    } else {
    }
    %get3A_25 = arith.constant 0 : index
    %get3A_26 = arith.constant 0 : index
    %get3A_27 = vector.load %arg7[%get3A_25, %get3A_26] : memref<8x96xf32, #tpu.memory_space<vmem>>, vector<1x96xf32>
    %reduce_sum3A = arith.constant dense<0.000000e+00> : vector<96xf32>
    %reduce_sum3A_28 = vector.multi_reduction <add>, %add3A_20, %reduce_sum3A [0] : vector<1024x96xf32> to vector<96xf32>
    %broadcast_in_dim3A = vector.shape_cast %reduce_sum3A_28 : vector<96xf32> to vector<1x96xf32>
    %add3A_29 = arith.addf %get3A_27, %broadcast_in_dim3A : vector<1x96xf32>
    %swap3A_30 = arith.constant 0 : index
    %swap3A_31 = arith.constant 0 : index
    %swap3A_32 = vector.load %arg7[%swap3A_30, %swap3A_31] : memref<8x96xf32, #tpu.memory_space<vmem>>, vector<1x96xf32>
    tpu.vector_store %arg7[%swap3A_30, %swap3A_31], %add3A_29 {strides = array<i32>} : memref<8x96xf32, #tpu.memory_space<vmem>>, vector<1x96xf32>,
    %get3A_33 = arith.constant 1 : index
    %get3A_34 = arith.constant 0 : index
    %get3A_35 = vector.load %arg7[%get3A_33, %get3A_34] : memref<8x96xf32, #tpu.memory_space<vmem>>, vector<1x96xf32>
    %mul3A_36 = arith.mulf %add3A_20, %add3A_20 : vector<1024x96xf32>
    %reduce_sum3A_37 = arith.constant dense<0.000000e+00> : vector<96xf32>
    %reduce_sum3A_38 = vector.multi_reduction <add>, %mul3A_36, %reduce_sum3A_37 [0] : vector<1024x96xf32> to vector<96xf32>
    %broadcast_in_dim3A_39 = vector.shape_cast %reduce_sum3A_38 : vector<96xf32> to vector<1x96xf32>
    %add3A_40 = arith.addf %get3A_35, %broadcast_in_dim3A_39 : vector<1x96xf32>
    %swap3A_41 = arith.constant 1 : index
    %swap3A_42 = arith.constant 0 : index
    %swap3A_43 = vector.load %arg7[%swap3A_41, %swap3A_42] : memref<8x96xf32, #tpu.memory_space<vmem>>, vector<1x96xf32>
    tpu.vector_store %arg7[%swap3A_41, %swap3A_42], %add3A_40 {strides = array<i32>} : memref<8x96xf32, #tpu.memory_space<vmem>>, vector<1x96xf32>,
    return
  }
  func.func @transform_0(%arg0: i32) -> (i32, i32) {
    %c0_i32 = arith.constant 0 : i32
    %c0_i32_0 = arith.constant 0 : i32
    return %arg0, %c0_i32 : i32, i32
  }
  func.func @transform_1(%arg0: i32) -> (i32, i32) {
    %c0_i32 = arith.constant 0 : i32
    %c0_i32_0 = arith.constant 0 : i32
    %c0_i32_1 = arith.constant 0 : i32
    return %c0_i32, %c0_i32_0 : i32, i32
  }
  func.func @transform_2(%arg0: i32) -> (i32, i32) {
    %c0_i32 = arith.constant 0 : i32
    %c0_i32_0 = arith.constant 0 : i32
    %c0_i32_1 = arith.constant 0 : i32
    return %c0_i32, %c0_i32_0 : i32, i32
  }
  func.func @transform_3(%arg0: i32) -> (i32, i32) {
    %c0_i32 = arith.constant 0 : i32
    %c0_i32_0 = arith.constant 0 : i32
    %c0_i32_1 = arith.constant 0 : i32
    return %c0_i32, %c0_i32_0 : i32, i32
  }
  func.func @transform_4(%arg0: i32) -> (i32, i32) {
    %c0_i32 = arith.constant 0 : i32
    %c0_i32_0 = arith.constant 0 : i32
    %c0_i32_1 = arith.constant 0 : i32
    return %c0_i32, %c0_i32_0 : i32, i32
  }
  func.func @transform_5(%arg0: i32) -> (i32, i32) {
    %c0_i32 = arith.constant 0 : i32
    %c0_i32_0 = arith.constant 0 : i32
    return %arg0, %c0_i32 : i32, i32
  }
  func.func @transform_6(%arg0: i32) -> (i32, i32) {
    %c0_i32 = arith.constant 0 : i32
    %c0_i32_0 = arith.constant 0 : i32
    %c0_i32_1 = arith.constant 0 : i32
    return %c0_i32, %c0_i32_0 : i32, i32
  }
}

module attributes {stable_mosaic.version = 14 : i64} {
  func.func @_layer_body(%arg0: i32, %arg1: memref<1024x96xf32, #tpu.memory_space<vmem>>, %arg2: memref<1x96xf32, #tpu.memory_space<vmem>>, %arg3: memref<1x96xf32, #tpu.memory_space<vmem>>, %arg4: memref<96x128xf32, #tpu.memory_space<vmem>>, %arg5: memref<1x128xf32, #tpu.memory_space<vmem>>, %arg6: memref<1024x128xf32, #tpu.memory_space<vmem>>, %arg7: memref<8x128xf32, #tpu.memory_space<vmem>>) attributes {dimension_semantics = [#tpu.dimension_semantics<arbitrary>], iteration_bounds = array<i64: 512>, scalar_prefetch = 0 : i64, scratch_operands = 0 : i64, tpu.core_type = #tpu.core_type<tc>, window_params = [{transform_indices = @transform_0, window_bounds = array<i64: 1024, 96>}, {pipeline_mode = #tpu.pipeline_mode<synchronous>, transform_indices = @transform_1, window_bounds = array<i64: 1, 96>}, {pipeline_mode = #tpu.pipeline_mode<synchronous>, transform_indices = @transform_2, window_bounds = array<i64: 1, 96>}, {pipeline_mode = #tpu.pipeline_mode<synchronous>, transform_indices = @transform_3, window_bounds = array<i64: 96, 128>}, {pipeline_mode = #tpu.pipeline_mode<synchronous>, transform_indices = @transform_4, window_bounds = array<i64: 1, 128>}, {transform_indices = @transform_5, window_bounds = array<i64: 1024, 128>}, {pipeline_mode = #tpu.pipeline_mode<synchronous>, transform_indices = @transform_6, window_bounds = array<i64: 8, 128>}]} {
    %get3A = arith.constant 0 : index
    %get3A_0 = arith.constant 0 : index
    %get3A_1 = vector.load %arg1[%get3A, %get3A_0] : memref<1024x96xf32, #tpu.memory_space<vmem>>, vector<1024x96xf32>
    %get3A_2 = arith.constant 0 : index
    %get3A_3 = arith.constant 0 : index
    %get3A_4 = vector.load %arg2[%get3A_2, %get3A_3] : memref<1x96xf32, #tpu.memory_space<vmem>>, vector<1x96xf32>
    %mul3A = vector.broadcast %get3A_4 : vector<1x96xf32> to vector<1024x96xf32>
    %mul3A_5 = arith.mulf %get3A_1, %mul3A : vector<1024x96xf32>
    %get3A_6 = arith.constant 0 : index
    %get3A_7 = arith.constant 0 : index
    %get3A_8 = vector.load %arg3[%get3A_6, %get3A_7] : memref<1x96xf32, #tpu.memory_space<vmem>>, vector<1x96xf32>
    %add3A = vector.broadcast %get3A_8 : vector<1x96xf32> to vector<1024x96xf32>
    %add3A_9 = arith.addf %mul3A_5, %add3A : vector<1024x96xf32>
    %max3A = arith.constant 0.000000e+00 : f32
    %max3A_10 = vector.broadcast %max3A : f32 to vector<1024x96xf32>
    %max3A_11 = arith.maximumf %add3A_9, %max3A_10 : vector<1024x96xf32>
    %get3A_12 = arith.constant 0 : index
    %get3A_13 = arith.constant 0 : index
    %get3A_14 = vector.load %arg4[%get3A_12, %get3A_13] : memref<96x128xf32, #tpu.memory_space<vmem>>, vector<96x128xf32>
    %dot_general3A = arith.constant dense<0.000000e+00> : vector<1024x128xf32>
    %dot_general3A_15 = tpu.matmul %max3A_11, %get3A_14, %dot_general3A {dimension_numbers = #tpu.dot_dimension_numbers<[1], [0], [0], [1], [0, 0, 1, 1], [], []>, transpose_lhs_hint = false} : vector<1024x96xf32>, vector<96x128xf32>, vector<1024x128xf32> -> vector<1024x128xf32>
    %get3A_16 = arith.constant 0 : index
    %get3A_17 = arith.constant 0 : index
    %get3A_18 = vector.load %arg5[%get3A_16, %get3A_17] : memref<1x128xf32, #tpu.memory_space<vmem>>, vector<1x128xf32>
    %add3A_19 = vector.broadcast %get3A_18 : vector<1x128xf32> to vector<1024x128xf32>
    %add3A_20 = arith.addf %dot_general3A_15, %add3A_19 : vector<1024x128xf32>
    %swap3A = arith.constant 0 : index
    %swap3A_21 = arith.constant 0 : index
    %swap3A_22 = vector.load %arg6[%swap3A, %swap3A_21] : memref<1024x128xf32, #tpu.memory_space<vmem>>, vector<1024x128xf32>
    tpu.vector_store %arg6[%swap3A, %swap3A_21], %add3A_20 {strides = array<i32>} : memref<1024x128xf32, #tpu.memory_space<vmem>>, vector<1024x128xf32>,
    %eq3A = arith.constant 0 : i32
    %eq3A_23 = arith.cmpi eq, %arg0, %eq3A : i32
    %convert_element_type3A = arith.extui %eq3A_23 : i1 to i32
    %cond3A = arith.constant 0 : i32
    %cond3A_24 = arith.cmpi ne, %convert_element_type3A, %cond3A : i32
    scf.if %cond3A_24 {
      %broadcast_in_dim3A_44 = arith.constant 0.000000e+00 : f32
      %broadcast_in_dim3A_45 = vector.broadcast %broadcast_in_dim3A_44 : f32 to vector<8x128xf32>
      %swap3A_46 = arith.constant 0 : index
      %swap3A_47 = arith.constant 0 : index
      %swap3A_48 = vector.load %arg7[%swap3A_46, %swap3A_47] : memref<8x128xf32, #tpu.memory_space<vmem>>, vector<8x128xf32>
      tpu.vector_store %arg7[%swap3A_46, %swap3A_47], %broadcast_in_dim3A_45 {strides = array<i32>} : memref<8x128xf32, #tpu.memory_space<vmem>>, vector<8x128xf32>,
    } else {
    }
    %get3A_25 = arith.constant 0 : index
    %get3A_26 = arith.constant 0 : index
    %get3A_27 = vector.load %arg7[%get3A_25, %get3A_26] : memref<8x128xf32, #tpu.memory_space<vmem>>, vector<1x128xf32>
    %reduce_sum3A = arith.constant dense<0.000000e+00> : vector<128xf32>
    %reduce_sum3A_28 = vector.multi_reduction <add>, %add3A_20, %reduce_sum3A [0] : vector<1024x128xf32> to vector<128xf32>
    %broadcast_in_dim3A = vector.shape_cast %reduce_sum3A_28 : vector<128xf32> to vector<1x128xf32>
    %add3A_29 = arith.addf %get3A_27, %broadcast_in_dim3A : vector<1x128xf32>
    %swap3A_30 = arith.constant 0 : index
    %swap3A_31 = arith.constant 0 : index
    %swap3A_32 = vector.load %arg7[%swap3A_30, %swap3A_31] : memref<8x128xf32, #tpu.memory_space<vmem>>, vector<1x128xf32>
    tpu.vector_store %arg7[%swap3A_30, %swap3A_31], %add3A_29 {strides = array<i32>} : memref<8x128xf32, #tpu.memory_space<vmem>>, vector<1x128xf32>,
    %get3A_33 = arith.constant 1 : index
    %get3A_34 = arith.constant 0 : index
    %get3A_35 = vector.load %arg7[%get3A_33, %get3A_34] : memref<8x128xf32, #tpu.memory_space<vmem>>, vector<1x128xf32>
    %mul3A_36 = arith.mulf %add3A_20, %add3A_20 : vector<1024x128xf32>
    %reduce_sum3A_37 = arith.constant dense<0.000000e+00> : vector<128xf32>
    %reduce_sum3A_38 = vector.multi_reduction <add>, %mul3A_36, %reduce_sum3A_37 [0] : vector<1024x128xf32> to vector<128xf32>
    %broadcast_in_dim3A_39 = vector.shape_cast %reduce_sum3A_38 : vector<128xf32> to vector<1x128xf32>
    %add3A_40 = arith.addf %get3A_35, %broadcast_in_dim3A_39 : vector<1x128xf32>
    %swap3A_41 = arith.constant 1 : index
    %swap3A_42 = arith.constant 0 : index
    %swap3A_43 = vector.load %arg7[%swap3A_41, %swap3A_42] : memref<8x128xf32, #tpu.memory_space<vmem>>, vector<1x128xf32>
    tpu.vector_store %arg7[%swap3A_41, %swap3A_42], %add3A_40 {strides = array<i32>} : memref<8x128xf32, #tpu.memory_space<vmem>>, vector<1x128xf32>,
    return
  }
  func.func @transform_0(%arg0: i32) -> (i32, i32) {
    %c0_i32 = arith.constant 0 : i32
    %c0_i32_0 = arith.constant 0 : i32
    return %arg0, %c0_i32 : i32, i32
  }
  func.func @transform_1(%arg0: i32) -> (i32, i32) {
    %c0_i32 = arith.constant 0 : i32
    %c0_i32_0 = arith.constant 0 : i32
    %c0_i32_1 = arith.constant 0 : i32
    return %c0_i32, %c0_i32_0 : i32, i32
  }
  func.func @transform_2(%arg0: i32) -> (i32, i32) {
    %c0_i32 = arith.constant 0 : i32
    %c0_i32_0 = arith.constant 0 : i32
    %c0_i32_1 = arith.constant 0 : i32
    return %c0_i32, %c0_i32_0 : i32, i32
  }
  func.func @transform_3(%arg0: i32) -> (i32, i32) {
    %c0_i32 = arith.constant 0 : i32
    %c0_i32_0 = arith.constant 0 : i32
    %c0_i32_1 = arith.constant 0 : i32
    return %c0_i32, %c0_i32_0 : i32, i32
  }
  func.func @transform_4(%arg0: i32) -> (i32, i32) {
    %c0_i32 = arith.constant 0 : i32
    %c0_i32_0 = arith.constant 0 : i32
    %c0_i32_1 = arith.constant 0 : i32
    return %c0_i32, %c0_i32_0 : i32, i32
  }
  func.func @transform_5(%arg0: i32) -> (i32, i32) {
    %c0_i32 = arith.constant 0 : i32
    %c0_i32_0 = arith.constant 0 : i32
    return %arg0, %c0_i32 : i32, i32
  }
  func.func @transform_6(%arg0: i32) -> (i32, i32) {
    %c0_i32 = arith.constant 0 : i32
    %c0_i32_0 = arith.constant 0 : i32
    %c0_i32_1 = arith.constant 0 : i32
    return %c0_i32, %c0_i32_0 : i32, i32
  }
}

module attributes {stable_mosaic.version = 14 : i64} {
  func.func @_pool_relu_body(%arg0: i32, %arg1: memref<128x64x128xf32, #tpu.memory_space<vmem>>, %arg2: memref<1x128xf32, #tpu.memory_space<vmem>>, %arg3: memref<1x128xf32, #tpu.memory_space<vmem>>, %arg4: memref<128x128xf32, #tpu.memory_space<vmem>>) attributes {dimension_semantics = [#tpu.dimension_semantics<arbitrary>], iteration_bounds = array<i64: 64>, scalar_prefetch = 0 : i64, scratch_operands = 0 : i64, tpu.core_type = #tpu.core_type<tc>, window_params = [{transform_indices = @transform_0, window_bounds = array<i64: 128, 64, 128>}, {pipeline_mode = #tpu.pipeline_mode<synchronous>, transform_indices = @transform_1, window_bounds = array<i64: 1, 128>}, {pipeline_mode = #tpu.pipeline_mode<synchronous>, transform_indices = @transform_2, window_bounds = array<i64: 1, 128>}, {transform_indices = @transform_3, window_bounds = array<i64: 128, 128>}]} {
    %get3A = arith.constant 0 : index
    %get3A_0 = arith.constant 0 : index
    %get3A_1 = arith.constant 0 : index
    %get3A_2 = vector.load %arg1[%get3A, %get3A_0, %get3A_1] : memref<128x64x128xf32, #tpu.memory_space<vmem>>, vector<128x64x128xf32>
    %get3A_3 = arith.constant 0 : index
    %get3A_4 = arith.constant 0 : index
    %get3A_5 = vector.load %arg2[%get3A_3, %get3A_4] : memref<1x128xf32, #tpu.memory_space<vmem>>, vector<1x128xf32>
    %broadcast_in_dim3A = vector.shape_cast %get3A_5 : vector<1x128xf32> to vector<1x1x128xf32>
    %get3A_6 = arith.constant 0 : index
    %get3A_7 = arith.constant 0 : index
    %get3A_8 = vector.load %arg3[%get3A_6, %get3A_7] : memref<1x128xf32, #tpu.memory_space<vmem>>, vector<1x128xf32>
    %broadcast_in_dim3A_9 = vector.shape_cast %get3A_8 : vector<1x128xf32> to vector<1x1x128xf32>
    %mul3A = vector.broadcast %broadcast_in_dim3A : vector<1x1x128xf32> to vector<128x64x128xf32>
    %mul3A_10 = arith.mulf %get3A_2, %mul3A : vector<128x64x128xf32>
    %add3A = vector.broadcast %broadcast_in_dim3A_9 : vector<1x1x128xf32> to vector<128x64x128xf32>
    %add3A_11 = arith.addf %mul3A_10, %add3A : vector<128x64x128xf32>
    %max3A = arith.constant 0.000000e+00 : f32
    %max3A_12 = vector.broadcast %max3A : f32 to vector<128x64x128xf32>
    %max3A_13 = arith.maximumf %add3A_11, %max3A_12 : vector<128x64x128xf32>
    %reduce_max3A = arith.constant dense<0xFF800000> : vector<128x128xf32>
    %reduce_max3A_14 = vector.multi_reduction <maximumf>, %max3A_13, %reduce_max3A [1] : vector<128x64x128xf32> to vector<128x128xf32>
    %swap3A = arith.constant 0 : index
    %swap3A_15 = arith.constant 0 : index
    %swap3A_16 = vector.load %arg4[%swap3A, %swap3A_15] : memref<128x128xf32, #tpu.memory_space<vmem>>, vector<128x128xf32>
    tpu.vector_store %arg4[%swap3A, %swap3A_15], %reduce_max3A_14 {strides = array<i32>} : memref<128x128xf32, #tpu.memory_space<vmem>>, vector<128x128xf32>,
    return
  }
  func.func @transform_0(%arg0: i32) -> (i32, i32, i32) {
    %c0_i32 = arith.constant 0 : i32
    %c0_i32_0 = arith.constant 0 : i32
    %c0_i32_1 = arith.constant 0 : i32
    return %arg0, %c0_i32, %c0_i32_0 : i32, i32, i32
  }
  func.func @transform_1(%arg0: i32) -> (i32, i32) {
    %c0_i32 = arith.constant 0 : i32
    %c0_i32_0 = arith.constant 0 : i32
    %c0_i32_1 = arith.constant 0 : i32
    return %c0_i32, %c0_i32_0 : i32, i32
  }
  func.func @transform_2(%arg0: i32) -> (i32, i32) {
    %c0_i32 = arith.constant 0 : i32
    %c0_i32_0 = arith.constant 0 : i32
    %c0_i32_1 = arith.constant 0 : i32
    return %c0_i32, %c0_i32_0 : i32, i32
  }
  func.func @transform_3(%arg0: i32) -> (i32, i32) {
    %c0_i32 = arith.constant 0 : i32
    %c0_i32_0 = arith.constant 0 : i32
    return %arg0, %c0_i32 : i32, i32
  }
}

module attributes {stable_mosaic.version = 14 : i64} {
  func.func @_cbam_body(%arg0: i32, %arg1: memref<1x1024x320xf32, #tpu.memory_space<vmem>>, %arg2: memref<3x320x20xf32, #tpu.memory_space<vmem>>, %arg3: memref<3x20x320xf32, #tpu.memory_space<vmem>>, %arg4: memref<3x320x20xf32, #tpu.memory_space<vmem>>, %arg5: memref<3x20x320xf32, #tpu.memory_space<vmem>>, %arg6: memref<3x3xf32, #tpu.memory_space<vmem>>, %arg7: memref<1x1024x320xf32, #tpu.memory_space<vmem>>) attributes {dimension_semantics = [#tpu.dimension_semantics<arbitrary>], iteration_bounds = array<i64: 8>, scalar_prefetch = 0 : i64, scratch_operands = 0 : i64, tpu.core_type = #tpu.core_type<tc>, window_params = [{transform_indices = @transform_0, window_bounds = array<i64: 1, 1024, 320>}, {pipeline_mode = #tpu.pipeline_mode<synchronous>, transform_indices = @transform_1, window_bounds = array<i64: 3, 320, 20>}, {pipeline_mode = #tpu.pipeline_mode<synchronous>, transform_indices = @transform_2, window_bounds = array<i64: 3, 20, 320>}, {pipeline_mode = #tpu.pipeline_mode<synchronous>, transform_indices = @transform_3, window_bounds = array<i64: 3, 320, 20>}, {pipeline_mode = #tpu.pipeline_mode<synchronous>, transform_indices = @transform_4, window_bounds = array<i64: 3, 20, 320>}, {pipeline_mode = #tpu.pipeline_mode<synchronous>, transform_indices = @transform_5, window_bounds = array<i64: 3, 3>}, {transform_indices = @transform_6, window_bounds = array<i64: 1, 1024, 320>}]} {
    %get3A = arith.constant 0 : index
    %get3A_0 = arith.constant 0 : index
    %get3A_1 = arith.constant 0 : index
    %get3A_2 = vector.load %arg1[%get3A, %get3A_0, %get3A_1] : memref<1x1024x320xf32, #tpu.memory_space<vmem>>, vector<1x1024x320xf32>
    %get3A_3 = vector.shape_cast %get3A_2 : vector<1x1024x320xf32> to vector<1024x320xf32>
    %reduce_sum3A = arith.constant dense<0.000000e+00> : vector<320xf32>
    %reduce_sum3A_4 = vector.multi_reduction <add>, %get3A_3, %reduce_sum3A [0] : vector<1024x320xf32> to vector<320xf32>
    %broadcast_in_dim3A = vector.shape_cast %reduce_sum3A_4 : vector<320xf32> to vector<1x320xf32>
    %div3A = arith.constant 1.024000e+03 : f32
    %div3A_5 = vector.broadcast %div3A : f32 to vector<1x320xf32>
    %div3A_6 = arith.divf %broadcast_in_dim3A, %div3A_5 : vector<1x320xf32>
    %reduce_max3A = arith.constant dense<0xFF800000> : vector<320xf32>
    %reduce_max3A_7 = vector.multi_reduction <maximumf>, %get3A_3, %reduce_max3A [0] : vector<1024x320xf32> to vector<320xf32>
    %broadcast_in_dim3A_8 = vector.shape_cast %reduce_max3A_7 : vector<320xf32> to vector<1x320xf32>
    %broadcast_in_dim3A_9 = arith.constant 0.000000e+00 : f32
    %broadcast_in_dim3A_10 = vector.broadcast %broadcast_in_dim3A_9 : f32 to vector<1x320xf32>
    %get3A_11 = arith.constant 0 : index
    %get3A_12 = arith.constant 0 : index
    %get3A_13 = arith.constant 0 : index
    %get3A_14 = vector.load %arg2[%get3A_11, %get3A_12, %get3A_13] : memref<3x320x20xf32, #tpu.memory_space<vmem>>, vector<1x320x20xf32>
    %get3A_15 = vector.shape_cast %get3A_14 : vector<1x320x20xf32> to vector<320x20xf32>
    %dot_general3A = arith.constant dense<0.000000e+00> : vector<1x20xf32>
    %dot_general3A_16 = tpu.matmul %div3A_6, %get3A_15, %dot_general3A {dimension_numbers = #tpu.dot_dimension_numbers<[1], [0], [0], [1], [0, 0, 1, 1], [], []>, transpose_lhs_hint = false} : vector<1x320xf32>, vector<320x20xf32>, vector<1x20xf32> -> vector<1x20xf32>
    %max3A = arith.constant 0.000000e+00 : f32
    %max3A_17 = vector.broadcast %max3A : f32 to vector<1x20xf32>
    %max3A_18 = arith.maximumf %dot_general3A_16, %max3A_17 : vector<1x20xf32>
    %get3A_19 = arith.constant 0 : index
    %get3A_20 = arith.constant 0 : index
    %get3A_21 = arith.constant 0 : index
    %get3A_22 = vector.load %arg3[%get3A_19, %get3A_20, %get3A_21] : memref<3x20x320xf32, #tpu.memory_space<vmem>>, vector<1x20x320xf32>
    %get3A_23 = vector.shape_cast %get3A_22 : vector<1x20x320xf32> to vector<20x320xf32>
    %dot_general3A_24 = arith.constant dense<0.000000e+00> : vector<1x320xf32>
    %dot_general3A_25 = tpu.matmul %max3A_18, %get3A_23, %dot_general3A_24 {dimension_numbers = #tpu.dot_dimension_numbers<[1], [0], [0], [1], [0, 0, 1, 1], [], []>, transpose_lhs_hint = false} : vector<1x20xf32>, vector<20x320xf32>, vector<1x320xf32> -> vector<1x320xf32>
    %add3A = arith.addf %broadcast_in_dim3A_10, %dot_general3A_25 : vector<1x320xf32>
    %get3A_26 = arith.constant 1 : index
    %get3A_27 = arith.constant 0 : index
    %get3A_28 = arith.constant 0 : index
    %get3A_29 = vector.load %arg2[%get3A_26, %get3A_27, %get3A_28] : memref<3x320x20xf32, #tpu.memory_space<vmem>>, vector<1x320x20xf32>
    %get3A_30 = vector.shape_cast %get3A_29 : vector<1x320x20xf32> to vector<320x20xf32>
    %dot_general3A_31 = arith.constant dense<0.000000e+00> : vector<1x20xf32>
    %dot_general3A_32 = tpu.matmul %div3A_6, %get3A_30, %dot_general3A_31 {dimension_numbers = #tpu.dot_dimension_numbers<[1], [0], [0], [1], [0, 0, 1, 1], [], []>, transpose_lhs_hint = false} : vector<1x320xf32>, vector<320x20xf32>, vector<1x20xf32> -> vector<1x20xf32>
    %max3A_33 = arith.constant 0.000000e+00 : f32
    %max3A_34 = vector.broadcast %max3A_33 : f32 to vector<1x20xf32>
    %max3A_35 = arith.maximumf %dot_general3A_32, %max3A_34 : vector<1x20xf32>
    %get3A_36 = arith.constant 1 : index
    %get3A_37 = arith.constant 0 : index
    %get3A_38 = arith.constant 0 : index
    %get3A_39 = vector.load %arg3[%get3A_36, %get3A_37, %get3A_38] : memref<3x20x320xf32, #tpu.memory_space<vmem>>, vector<1x20x320xf32>
    %get3A_40 = vector.shape_cast %get3A_39 : vector<1x20x320xf32> to vector<20x320xf32>
    %dot_general3A_41 = arith.constant dense<0.000000e+00> : vector<1x320xf32>
    %dot_general3A_42 = tpu.matmul %max3A_35, %get3A_40, %dot_general3A_41 {dimension_numbers = #tpu.dot_dimension_numbers<[1], [0], [0], [1], [0, 0, 1, 1], [], []>, transpose_lhs_hint = false} : vector<1x20xf32>, vector<20x320xf32>, vector<1x320xf32> -> vector<1x320xf32>
    %add3A_43 = arith.addf %add3A, %dot_general3A_42 : vector<1x320xf32>
    %get3A_44 = arith.constant 2 : index
    %get3A_45 = arith.constant 0 : index
    %get3A_46 = arith.constant 0 : index
    %get3A_47 = vector.load %arg2[%get3A_44, %get3A_45, %get3A_46] : memref<3x320x20xf32, #tpu.memory_space<vmem>>, vector<1x320x20xf32>
    %get3A_48 = vector.shape_cast %get3A_47 : vector<1x320x20xf32> to vector<320x20xf32>
    %dot_general3A_49 = arith.constant dense<0.000000e+00> : vector<1x20xf32>
    %dot_general3A_50 = tpu.matmul %div3A_6, %get3A_48, %dot_general3A_49 {dimension_numbers = #tpu.dot_dimension_numbers<[1], [0], [0], [1], [0, 0, 1, 1], [], []>, transpose_lhs_hint = false} : vector<1x320xf32>, vector<320x20xf32>, vector<1x20xf32> -> vector<1x20xf32>
    %max3A_51 = arith.constant 0.000000e+00 : f32
    %max3A_52 = vector.broadcast %max3A_51 : f32 to vector<1x20xf32>
    %max3A_53 = arith.maximumf %dot_general3A_50, %max3A_52 : vector<1x20xf32>
    %get3A_54 = arith.constant 2 : index
    %get3A_55 = arith.constant 0 : index
    %get3A_56 = arith.constant 0 : index
    %get3A_57 = vector.load %arg3[%get3A_54, %get3A_55, %get3A_56] : memref<3x20x320xf32, #tpu.memory_space<vmem>>, vector<1x20x320xf32>
    %get3A_58 = vector.shape_cast %get3A_57 : vector<1x20x320xf32> to vector<20x320xf32>
    %dot_general3A_59 = arith.constant dense<0.000000e+00> : vector<1x320xf32>
    %dot_general3A_60 = tpu.matmul %max3A_53, %get3A_58, %dot_general3A_59 {dimension_numbers = #tpu.dot_dimension_numbers<[1], [0], [0], [1], [0, 0, 1, 1], [], []>, transpose_lhs_hint = false} : vector<1x20xf32>, vector<20x320xf32>, vector<1x320xf32> -> vector<1x320xf32>
    %add3A_61 = arith.addf %add3A_43, %dot_general3A_60 : vector<1x320xf32>
    %broadcast_in_dim3A_62 = arith.constant 0.000000e+00 : f32
    %broadcast_in_dim3A_63 = vector.broadcast %broadcast_in_dim3A_62 : f32 to vector<1x320xf32>
    %get3A_64 = arith.constant 0 : index
    %get3A_65 = arith.constant 0 : index
    %get3A_66 = arith.constant 0 : index
    %get3A_67 = vector.load %arg4[%get3A_64, %get3A_65, %get3A_66] : memref<3x320x20xf32, #tpu.memory_space<vmem>>, vector<1x320x20xf32>
    %get3A_68 = vector.shape_cast %get3A_67 : vector<1x320x20xf32> to vector<320x20xf32>
    %dot_general3A_69 = arith.constant dense<0.000000e+00> : vector<1x20xf32>
    %dot_general3A_70 = tpu.matmul %broadcast_in_dim3A_8, %get3A_68, %dot_general3A_69 {dimension_numbers = #tpu.dot_dimension_numbers<[1], [0], [0], [1], [0, 0, 1, 1], [], []>, transpose_lhs_hint = false} : vector<1x320xf32>, vector<320x20xf32>, vector<1x20xf32> -> vector<1x20xf32>
    %max3A_71 = arith.constant 0.000000e+00 : f32
    %max3A_72 = vector.broadcast %max3A_71 : f32 to vector<1x20xf32>
    %max3A_73 = arith.maximumf %dot_general3A_70, %max3A_72 : vector<1x20xf32>
    %get3A_74 = arith.constant 0 : index
    %get3A_75 = arith.constant 0 : index
    %get3A_76 = arith.constant 0 : index
    %get3A_77 = vector.load %arg5[%get3A_74, %get3A_75, %get3A_76] : memref<3x20x320xf32, #tpu.memory_space<vmem>>, vector<1x20x320xf32>
    %get3A_78 = vector.shape_cast %get3A_77 : vector<1x20x320xf32> to vector<20x320xf32>
    %dot_general3A_79 = arith.constant dense<0.000000e+00> : vector<1x320xf32>
    %dot_general3A_80 = tpu.matmul %max3A_73, %get3A_78, %dot_general3A_79 {dimension_numbers = #tpu.dot_dimension_numbers<[1], [0], [0], [1], [0, 0, 1, 1], [], []>, transpose_lhs_hint = false} : vector<1x20xf32>, vector<20x320xf32>, vector<1x320xf32> -> vector<1x320xf32>
    %add3A_81 = arith.addf %broadcast_in_dim3A_63, %dot_general3A_80 : vector<1x320xf32>
    %get3A_82 = arith.constant 1 : index
    %get3A_83 = arith.constant 0 : index
    %get3A_84 = arith.constant 0 : index
    %get3A_85 = vector.load %arg4[%get3A_82, %get3A_83, %get3A_84] : memref<3x320x20xf32, #tpu.memory_space<vmem>>, vector<1x320x20xf32>
    %get3A_86 = vector.shape_cast %get3A_85 : vector<1x320x20xf32> to vector<320x20xf32>
    %dot_general3A_87 = arith.constant dense<0.000000e+00> : vector<1x20xf32>
    %dot_general3A_88 = tpu.matmul %broadcast_in_dim3A_8, %get3A_86, %dot_general3A_87 {dimension_numbers = #tpu.dot_dimension_numbers<[1], [0], [0], [1], [0, 0, 1, 1], [], []>, transpose_lhs_hint = false} : vector<1x320xf32>, vector<320x20xf32>, vector<1x20xf32> -> vector<1x20xf32>
    %max3A_89 = arith.constant 0.000000e+00 : f32
    %max3A_90 = vector.broadcast %max3A_89 : f32 to vector<1x20xf32>
    %max3A_91 = arith.maximumf %dot_general3A_88, %max3A_90 : vector<1x20xf32>
    %get3A_92 = arith.constant 1 : index
    %get3A_93 = arith.constant 0 : index
    %get3A_94 = arith.constant 0 : index
    %get3A_95 = vector.load %arg5[%get3A_92, %get3A_93, %get3A_94] : memref<3x20x320xf32, #tpu.memory_space<vmem>>, vector<1x20x320xf32>
    %get3A_96 = vector.shape_cast %get3A_95 : vector<1x20x320xf32> to vector<20x320xf32>
    %dot_general3A_97 = arith.constant dense<0.000000e+00> : vector<1x320xf32>
    %dot_general3A_98 = tpu.matmul %max3A_91, %get3A_96, %dot_general3A_97 {dimension_numbers = #tpu.dot_dimension_numbers<[1], [0], [0], [1], [0, 0, 1, 1], [], []>, transpose_lhs_hint = false} : vector<1x20xf32>, vector<20x320xf32>, vector<1x320xf32> -> vector<1x320xf32>
    %add3A_99 = arith.addf %add3A_81, %dot_general3A_98 : vector<1x320xf32>
    %get3A_100 = arith.constant 2 : index
    %get3A_101 = arith.constant 0 : index
    %get3A_102 = arith.constant 0 : index
    %get3A_103 = vector.load %arg4[%get3A_100, %get3A_101, %get3A_102] : memref<3x320x20xf32, #tpu.memory_space<vmem>>, vector<1x320x20xf32>
    %get3A_104 = vector.shape_cast %get3A_103 : vector<1x320x20xf32> to vector<320x20xf32>
    %dot_general3A_105 = arith.constant dense<0.000000e+00> : vector<1x20xf32>
    %dot_general3A_106 = tpu.matmul %broadcast_in_dim3A_8, %get3A_104, %dot_general3A_105 {dimension_numbers = #tpu.dot_dimension_numbers<[1], [0], [0], [1], [0, 0, 1, 1], [], []>, transpose_lhs_hint = false} : vector<1x320xf32>, vector<320x20xf32>, vector<1x20xf32> -> vector<1x20xf32>
    %max3A_107 = arith.constant 0.000000e+00 : f32
    %max3A_108 = vector.broadcast %max3A_107 : f32 to vector<1x20xf32>
    %max3A_109 = arith.maximumf %dot_general3A_106, %max3A_108 : vector<1x20xf32>
    %get3A_110 = arith.constant 2 : index
    %get3A_111 = arith.constant 0 : index
    %get3A_112 = arith.constant 0 : index
    %get3A_113 = vector.load %arg5[%get3A_110, %get3A_111, %get3A_112] : memref<3x20x320xf32, #tpu.memory_space<vmem>>, vector<1x20x320xf32>
    %get3A_114 = vector.shape_cast %get3A_113 : vector<1x20x320xf32> to vector<20x320xf32>
    %dot_general3A_115 = arith.constant dense<0.000000e+00> : vector<1x320xf32>
    %dot_general3A_116 = tpu.matmul %max3A_109, %get3A_114, %dot_general3A_115 {dimension_numbers = #tpu.dot_dimension_numbers<[1], [0], [0], [1], [0, 0, 1, 1], [], []>, transpose_lhs_hint = false} : vector<1x20xf32>, vector<20x320xf32>, vector<1x320xf32> -> vector<1x320xf32>
    %add3A_117 = arith.addf %add3A_99, %dot_general3A_116 : vector<1x320xf32>
    %add3A_118 = arith.addf %add3A_61, %add3A_117 : vector<1x320xf32>
    %logistic3A = arith.negf %add3A_118 : vector<1x320xf32>
    %logistic3A_119 = math.exp %logistic3A : vector<1x320xf32>
    %logistic3A_120 = arith.constant 1.000000e+00 : f32
    %logistic3A_121 = vector.broadcast %logistic3A_120 : f32 to vector<1x320xf32>
    %logistic3A_122 = arith.addf %logistic3A_121, %logistic3A_119 : vector<1x320xf32>
    %logistic3A_123 = arith.divf %logistic3A_121, %logistic3A_122 : vector<1x320xf32>
    %mul3A = vector.broadcast %logistic3A_123 : vector<1x320xf32> to vector<1024x320xf32>
    %mul3A_124 = arith.mulf %get3A_3, %mul3A : vector<1024x320xf32>
    %reduce_max3A_125 = arith.constant dense<0xFF800000> : vector<1024xf32>
    %reduce_max3A_126 = vector.multi_reduction <maximumf>, %mul3A_124, %reduce_max3A_125 [1] : vector<1024x320xf32> to vector<1024xf32>
    %broadcast_in_dim3A_127 = vector.shape_cast %reduce_max3A_126 : vector<1024xf32> to vector<1024x1xf32>
    %reduce_sum3A_128 = arith.constant dense<0.000000e+00> : vector<1024xf32>
    %reduce_sum3A_129 = vector.multi_reduction <add>, %mul3A_124, %reduce_sum3A_128 [1] : vector<1024x320xf32> to vector<1024xf32>
    %broadcast_in_dim3A_130 = vector.shape_cast %reduce_sum3A_129 : vector<1024xf32> to vector<1024x1xf32>
    %div3A_131 = arith.constant 3.200000e+02 : f32
    %div3A_132 = vector.broadcast %div3A_131 : f32 to vector<1024x1xf32>
    %div3A_133 = arith.divf %broadcast_in_dim3A_130, %div3A_132 : vector<1024x1xf32>
    %reduce_min3A = arith.constant dense<0x7F800000> : vector<1024xf32>
    %reduce_min3A_134 = vector.multi_reduction <minimumf>, %mul3A_124, %reduce_min3A [1] : vector<1024x320xf32> to vector<1024xf32>
    %broadcast_in_dim3A_135 = vector.shape_cast %reduce_min3A_134 : vector<1024xf32> to vector<1024x1xf32>
    %concatenate3A = tpu.concatenate %broadcast_in_dim3A_127, %div3A_133, %broadcast_in_dim3A_135 in 1 : vector<1024x1xf32>, vector<1024x1xf32>, vector<1024x1xf32> -> vector<1024x3xf32>
    %get3A_136 = arith.constant 0 : index
    %get3A_137 = arith.constant 0 : index
    %get3A_138 = vector.load %arg6[%get3A_136, %get3A_137] : memref<3x3xf32, #tpu.memory_space<vmem>>, vector<3x3xf32>
    %broadcast_in_dim3A_139 = arith.constant 0.000000e+00 : f32
    %broadcast_in_dim3A_140 = vector.broadcast %broadcast_in_dim3A_139 : f32 to vector<1x3xf32>
    %slice3A = vector.extract_strided_slice %concatenate3A {offsets = [0, 0], sizes = [1023, 3], strides = [1, 1]} : vector<1024x3xf32> to vector<1023x3xf32>
    %concatenate3A_141 = tpu.concatenate %broadcast_in_dim3A_140, %slice3A in 0 : vector<1x3xf32>, vector<1023x3xf32> -> vector<1024x3xf32>
    %slice3A_142 = vector.extract_strided_slice %concatenate3A {offsets = [1, 0], sizes = [1023, 3], strides = [1, 1]} : vector<1024x3xf32> to vector<1023x3xf32>
    %concatenate3A_143 = tpu.concatenate %slice3A_142, %broadcast_in_dim3A_140 in 0 : vector<1023x3xf32>, vector<1x3xf32> -> vector<1024x3xf32>
    %slice3A_144 = vector.extract_strided_slice %get3A_138 {offsets = [0, 0], sizes = [3, 1], strides = [1, 1]} : vector<3x3xf32> to vector<3x1xf32>
    %squeeze3A = vector.shape_cast %slice3A_144 : vector<3x1xf32> to vector<3xf32>
    %broadcast_in_dim3A_145 = vector.shape_cast %squeeze3A : vector<3xf32> to vector<1x3xf32>
    %mul3A_146 = vector.broadcast %broadcast_in_dim3A_145 : vector<1x3xf32> to vector<1024x3xf32>
    %mul3A_147 = arith.mulf %concatenate3A_141, %mul3A_146 : vector<1024x3xf32>
    %reduce_sum3A_148 = arith.constant dense<0.000000e+00> : vector<1024xf32>
    %reduce_sum3A_149 = vector.multi_reduction <add>, %mul3A_147, %reduce_sum3A_148 [1] : vector<1024x3xf32> to vector<1024xf32>
    %broadcast_in_dim3A_150 = vector.shape_cast %reduce_sum3A_149 : vector<1024xf32> to vector<1024x1xf32>
    %slice3A_151 = vector.extract_strided_slice %get3A_138 {offsets = [0, 1], sizes = [3, 1], strides = [1, 1]} : vector<3x3xf32> to vector<3x1xf32>
    %squeeze3A_152 = vector.shape_cast %slice3A_151 : vector<3x1xf32> to vector<3xf32>
    %broadcast_in_dim3A_153 = vector.shape_cast %squeeze3A_152 : vector<3xf32> to vector<1x3xf32>
    %mul3A_154 = vector.broadcast %broadcast_in_dim3A_153 : vector<1x3xf32> to vector<1024x3xf32>
    %mul3A_155 = arith.mulf %concatenate3A, %mul3A_154 : vector<1024x3xf32>
    %reduce_sum3A_156 = arith.constant dense<0.000000e+00> : vector<1024xf32>
    %reduce_sum3A_157 = vector.multi_reduction <add>, %mul3A_155, %reduce_sum3A_156 [1] : vector<1024x3xf32> to vector<1024xf32>
    %broadcast_in_dim3A_158 = vector.shape_cast %reduce_sum3A_157 : vector<1024xf32> to vector<1024x1xf32>
    %add3A_159 = arith.addf %broadcast_in_dim3A_150, %broadcast_in_dim3A_158 : vector<1024x1xf32>
    %slice3A_160 = vector.extract_strided_slice %get3A_138 {offsets = [0, 2], sizes = [3, 1], strides = [1, 1]} : vector<3x3xf32> to vector<3x1xf32>
    %squeeze3A_161 = vector.shape_cast %slice3A_160 : vector<3x1xf32> to vector<3xf32>
    %broadcast_in_dim3A_162 = vector.shape_cast %squeeze3A_161 : vector<3xf32> to vector<1x3xf32>
    %mul3A_163 = vector.broadcast %broadcast_in_dim3A_162 : vector<1x3xf32> to vector<1024x3xf32>
    %mul3A_164 = arith.mulf %concatenate3A_143, %mul3A_163 : vector<1024x3xf32>
    %reduce_sum3A_165 = arith.constant dense<0.000000e+00> : vector<1024xf32>
    %reduce_sum3A_166 = vector.multi_reduction <add>, %mul3A_164, %reduce_sum3A_165 [1] : vector<1024x3xf32> to vector<1024xf32>
    %broadcast_in_dim3A_167 = vector.shape_cast %reduce_sum3A_166 : vector<1024xf32> to vector<1024x1xf32>
    %add3A_168 = arith.addf %add3A_159, %broadcast_in_dim3A_167 : vector<1024x1xf32>
    %logistic3A_169 = arith.negf %add3A_168 : vector<1024x1xf32>
    %logistic3A_170 = math.exp %logistic3A_169 : vector<1024x1xf32>
    %logistic3A_171 = arith.constant 1.000000e+00 : f32
    %logistic3A_172 = vector.broadcast %logistic3A_171 : f32 to vector<1024x1xf32>
    %logistic3A_173 = arith.addf %logistic3A_172, %logistic3A_170 : vector<1024x1xf32>
    %logistic3A_174 = arith.divf %logistic3A_172, %logistic3A_173 : vector<1024x1xf32>
    %mul3A_175 = vector.broadcast %logistic3A_174 : vector<1024x1xf32> to vector<1024x320xf32>
    %mul3A_176 = arith.mulf %mul3A_124, %mul3A_175 : vector<1024x320xf32>
    %swap3A = arith.constant 0 : index
    %swap3A_177 = arith.constant 0 : index
    %swap3A_178 = arith.constant 0 : index
    %swap3A_179 = vector.load %arg7[%swap3A, %swap3A_177, %swap3A_178] : memref<1x1024x320xf32, #tpu.memory_space<vmem>>, vector<1x1024x320xf32>
    %swap3A_180 = vector.shape_cast %swap3A_179 : vector<1x1024x320xf32> to vector<1024x320xf32>
    %swap3A_181 = vector.shape_cast %mul3A_176 : vector<1024x320xf32> to vector<1x1024x320xf32>
    tpu.vector_store %arg7[%swap3A, %swap3A_177, %swap3A_178], %swap3A_181 {strides = array<i32>} : memref<1x1024x320xf32, #tpu.memory_space<vmem>>, vector<1x1024x320xf32>,
    return
  }
  func.func @transform_0(%arg0: i32) -> (i32, i32, i32) {
    %c0_i32 = arith.constant 0 : i32
    %c0_i32_0 = arith.constant 0 : i32
    %c0_i32_1 = arith.constant 0 : i32
    return %arg0, %c0_i32, %c0_i32_0 : i32, i32, i32
  }
  func.func @transform_1(%arg0: i32) -> (i32, i32, i32) {
    %c0_i32 = arith.constant 0 : i32
    %c0_i32_0 = arith.constant 0 : i32
    %c0_i32_1 = arith.constant 0 : i32
    %c0_i32_2 = arith.constant 0 : i32
    return %c0_i32, %c0_i32_0, %c0_i32_1 : i32, i32, i32
  }
  func.func @transform_2(%arg0: i32) -> (i32, i32, i32) {
    %c0_i32 = arith.constant 0 : i32
    %c0_i32_0 = arith.constant 0 : i32
    %c0_i32_1 = arith.constant 0 : i32
    %c0_i32_2 = arith.constant 0 : i32
    return %c0_i32, %c0_i32_0, %c0_i32_1 : i32, i32, i32
  }
  func.func @transform_3(%arg0: i32) -> (i32, i32, i32) {
    %c0_i32 = arith.constant 0 : i32
    %c0_i32_0 = arith.constant 0 : i32
    %c0_i32_1 = arith.constant 0 : i32
    %c0_i32_2 = arith.constant 0 : i32
    return %c0_i32, %c0_i32_0, %c0_i32_1 : i32, i32, i32
  }
  func.func @transform_4(%arg0: i32) -> (i32, i32, i32) {
    %c0_i32 = arith.constant 0 : i32
    %c0_i32_0 = arith.constant 0 : i32
    %c0_i32_1 = arith.constant 0 : i32
    %c0_i32_2 = arith.constant 0 : i32
    return %c0_i32, %c0_i32_0, %c0_i32_1 : i32, i32, i32
  }
  func.func @transform_5(%arg0: i32) -> (i32, i32) {
    %c0_i32 = arith.constant 0 : i32
    %c0_i32_0 = arith.constant 0 : i32
    %c0_i32_1 = arith.constant 0 : i32
    return %c0_i32, %c0_i32_0 : i32, i32
  }
  func.func @transform_6(%arg0: i32) -> (i32, i32, i32) {
    %c0_i32 = arith.constant 0 : i32
    %c0_i32_0 = arith.constant 0 : i32
    %c0_i32_1 = arith.constant 0 : i32
    return %arg0, %c0_i32, %c0_i32_0 : i32, i32, i32
  }
}

</mosaic_0001>

<sc_bundles>
// kernel: gather_offload_async_start
scs
__scs_entry_jumppad:
0x0: {  	(pc) =	sbr.rel $0x88, $3  }
0x1: {  	(tag) =	ssettag $0x0;
	lr =	simm.s32 $0x1  }
0x2: {  	[smem:$0x3F6E] =	sst lr;
	_ =	strace $0xD0000000  }
0x3: {  	_ = 	snop  }
0x4: {  	_ = 	snop  }
0x5: {  	_ = 	snop  }
0x6: {  	_ = 	snop  }
0x7: {  	_ = 	snop  }
__scs_overlays_trampoline_lowered:
0x8: {  	[smem:$0x3F7D] =	sst s0  }
0x9: {  	[smem:$0x3F7E] =	sst s1  }
0xa: {  	[smem:$0x3F7F] =	sst s2  }
0xb: {  	[smem:$0x3F80] =	sst s3  }
0xc: {  	[smem:$0x3F81] =	sst s4  }
0xd: {  	[smem:$0x3F82] =	sst s5  }
0xe: {  	[smem:$0x3F83] =	sst s6  }
0xf: {  	[smem:$0x3F84] =	sst s7  }
0x10: {  	[smem:$0x3F85] =	sst s8  }
0x11: {  	[smem:$0x3F86] =	sst s9;
	s0 =	simm.s32 @!p0 $0x0  }
0x12: {  	s1 =	sld [smem:$0x3F6C];
	s0 =	simm.s32 @p0 $0x1  }
0x13: {  	[smem:$0x3F87] =	sst s0;
	s0 =	simm.s32 @!p1 $0x0  }
0x14: {  	s2 =	sld [smem:$0x3F6B];
	s0 =	simm.s32 @p1 $0x1  }
0x15: {  	[smem:$0x3F88] =	sst s0;
	s0 =	simm.s32 @!p2 $0x0  }
0x16: {  	s3 =	sld [smem:$0x3FDB];
	s0 =	simm.s32 @p2 $0x1  }
0x17: {  	s4 =	simm.s32 $0x1BF5;
	[smem:$0x3F8A] =	sst s0  }
0x18: {  	s0 =	sld [smem:$0x3F6D];
	_ =	swait.ge [sflag:s4], $0x0  }
0x19: {  	s7 =	sld [smem:$0x3F6E]  }
0x1a: {  	s8 =	sadd.s32 $0xFFFFE003, lr  }
0x1b: {  	s9 =	sadd.s32 $0xFFFFFEF7, lr;
	s5 =	simm.s32 $0xFFFFFFFF;
	p2 =	slt.u32 s8, $0xFFFFF086  }
0x1c: {  	p1 =	slt.u32 s9, $0xF7A;
	s5 =	simm.s32 @!p2 $0x0  }
0x1d: {  	s5 =	simm.s32 @p1 $0x1;
	p0 =	seq.s32 s7, s2  }
0x1e: {  	s7 =	smul.u32 @!p0 $0xF7A, s2;
	p2 =	seq.s32 @!p0 s5, $0x0  }
0x1f: {  	s9 =	smul.u32 $0xF7A, s1;
	s8 =	simm.s32 @!p0 $0x1BF5;
	p2 =	por !p2, p0  }
0x20: {  	[sflag:s8] =	ssyncset.s32 @!p0 $0xFFFFF086;
	s6 =	sadd.s32 @!p0 s3, s7;
	s7 =	simm.s32 @!p0 $0x108  }
0x21: {  	s3 =	sadd.s32 s3, s9;
	s6 =	sadd.s32 @!p0 $0x88, s6;
	s7 =	simm.s32 @p2 $0x1082  }
0x22: {  	[simem:s7], [sflag:s8] =	dma.local @!p0 [hbm:s6], $0xF7A  }
0x23: {  	s9 =	sor.u32 $0xD0000000, s2;
	s6 =	simm.s32 $0x108;
	_ =	swait.ge @!p0 [sflag:s8], $0x0  }
0x24: {  	s3 =	sadd.s32 $0x88, s3;
	s6 =	simm.s32 @!p1 $0x1082;
	[sflag:s4] =	ssyncset.s32 $0xFFFFF086  }
0x25: {  	[simem:s6], [sflag:s4] =	dma.local [hbm:s3], $0xF7A  }
0x26: {  	[smem:$0x3F6E] =	sst s1;
	(tag) =	ssettag s2;
	_ =	strace s9  }
0x27: {  	s1 =	sld [smem:$0x3F7E]  }
0x28: {  	s2 =	sld [smem:$0x3F7F]  }
0x29: {  	s4 =	sld [smem:$0x3F81]  }
0x2a: {  	p0 =	seq.s32 s5, $0x0;
	s5 =	sld [smem:$0x3F82]  }
0x2b: {  	s6 =	sld [smem:$0x3F83]  }
0x2c: {  	s7 =	sld [smem:$0x3F84]  }
0x2d: {  	s3 =	simm.s32 $0x108;
	s8 =	sld [smem:$0x3F85]  }
0x2e: {  	s3 =	simm.s32 @!p0 $0x1082;
	s9 =	sld [smem:$0x3F86]  }
0x2f: {  	lr =	sadd.s32 s0, s3;
	s0 =	sld [smem:$0x3F7D]  }
0x30: {  	s3 =	sld [smem:$0x3F80]  }
0x31: {  	[smem:$0x3F89] =	sst s10  }
0x32: {  	s10 =	sld [smem:$0x3F87];
	_ =	sdelay $0x3  }
0x33: {  	p0 =	seq.s32 s10, $0x1;
	s10 =	sld [smem:$0x3F89];
	_ =	sdelay $0x3  }
0x34: {  	[smem:$0x3F89] =	sst s10  }
0x35: {  	s10 =	sld [smem:$0x3F88];
	_ =	sdelay $0x3  }
0x36: {  	p1 =	seq.s32 s10, $0x1;
	s10 =	sld [smem:$0x3F89];
	_ =	sdelay $0x3  }
0x37: {  	[smem:$0x3F89] =	sst s10  }
0x38: {  	s10 =	sld [smem:$0x3F8A]  }
0x39: {  	_ = 	snop;
	(pc) =	sbr.ind lr, $3  }
0x3a: {  	_ = 	snop  }
0x3b: {  	_ = 	snop  }
0x3c: {  	p2 =	seq.s32 s10, $0x1;
	s10 =	sld [smem:$0x3F89]  }
0x3d: {  	_ =	shalt  }
0x3e: {  	_ =	shalt  }
0x3f: {  	_ =	shalt  }
0x40: {  	_ =	shalt  }
0x41: {  	_ =	shalt  }
0x42: {  	_ =	shalt  }
0x43: {  	_ =	shalt  }
0x44: {  	_ =	shalt  }
0x45: {  	_ =	shalt  }
0x46: {  	_ =	shalt  }
0x47: {  	_ =	shalt  }
0x48: {  	_ =	shalt  }
0x49: {  	_ =	shalt  }
0x4a: {  	_ =	shalt  }
0x4b: {  	_ =	shalt  }
0x4c: {  	_ =	shalt  }
0x4d: {  	_ =	shalt  }
0x4e: {  	_ =	shalt  }
0x4f: {  	_ =	shalt  }
0x50: {  	_ =	shalt  }
0x51: {  	_ =	shalt  }
0x52: {  	_ =	shalt  }
0x53: {  	_ =	shalt  }
0x54: {  	_ =	shalt  }
0x55: {  	_ =	shalt  }
0x56: {  	_ =	shalt  }
0x57: {  	_ =	shalt  }
0x58: {  	_ =	shalt  }
0x59: {  	_ =	shalt  }
0x5a: {  	_ =	shalt  }
0x5b: {  	_ =	shalt  }
0x5c: {  	_ =	shalt  }
0x5d: {  	_ =	shalt  }
0x5e: {  	_ =	shalt  }
0x5f: {  	_ =	shalt  }
0x60: {  	_ =	shalt  }
0x61: {  	_ =	shalt  }
0x62: {  	_ =	shalt  }
0x63: {  	_ =	shalt  }
0x64: {  	_ =	shalt  }
0x65: {  	_ =	shalt  }
0x66: {  	_ =	shalt  }
0x67: {  	_ =	shalt  }
0x68: {  	_ =	shalt  }
0x69: {  	_ =	shalt  }
0x6a: {  	_ =	shalt  }
0x6b: {  	_ =	shalt  }
0x6c: {  	_ =	shalt  }
0x6d: {  	_ =	shalt  }
0x6e: {  	_ =	shalt  }
0x6f: {  	_ =	shalt  }
0x70: {  	_ =	shalt  }
0x71: {  	_ =	shalt  }
0x72: {  	_ =	shalt  }
0x73: {  	_ =	shalt  }
0x74: {  	_ =	shalt  }
0x75: {  	_ =	shalt  }
0x76: {  	_ =	shalt  }
0x77: {  	_ =	shalt  }
0x78: {  	_ =	shalt  }
0x79: {  	_ =	shalt  }
0x7a: {  	_ =	shalt  }
0x7b: {  	_ =	shalt  }
0x7c: {  	_ =	shalt  }
0x7d: {  	_ =	shalt  }
0x7e: {  	_ =	shalt  }
0x7f: {  	_ =	shalt  }
0x80: {  	_ =	shalt  }
0x81: {  	_ =	shalt  }
0x82: {  	_ =	shalt  }
0x83: {  	_ =	shalt  }
0x84: {  	_ =	shalt  }
0x85: {  	_ =	shalt  }
0x86: {  	_ =	shalt  }
0x87: {  	_ =	shalt  }
.Lfunc_end0:
.L_simem_size_0:
called_computation_lowered:
.L_overlay_start_0:
0x88: {  	s2 =	sld [smem:$0x3FD9]  }
0x89: {  	s3 =	sld [smem:$0x3FFE];
	_ =	sdelay $0x1  }
0x8a: {  	s1 =	srdreg.scid  }
0x8b: {  	s0 =	sand.u32 $0x1, s1  }
0x8c: {  	s14 =	sshll.u32 s0, $0xA;
	s2 =	sadd.s32 s3, s2  }
0x8d: {  	s2 =	sadd.s32 s2, s14  }
0x8e: {  	[smem:$0x3F95] =	sst s2  }
0x8f: {  	_ = 	snop  }
0x90: {  	s2 =	sld [smem:$0x3FD0];
	_ =	sdelay $0x2  }
0x91: {  	s15 =	simm.s32 $0xA;
	s4 =	simm.s32 $0x10  }
0x92: {  	[smem:s4], [sflag:s15] =	dma.local [hbm:s2], $0x1  }
0x93: {  	_ =	swait.eq [sflag:s15], $0x1  }
0x94: {  	[sflag:s15] =	ssyncset.done $0x0  }
0x95: {  	[sflag:s15] =	ssyncadd.s32 $0xFFFFFFFF  }
0x96: {  	s16 =	sld [smem:$0x10];
	(tm) =	ssettm $0x1  }
0x97: {  	s17 =	sld [smem:$0x3FFB];
	_ =	sdelay $0x3  }
0x98: {  	_ =	strace s17  }
0x99: {  	s3 =	sld [smem:$0x3FFC];
	_ =	sdelay $0x3  }
0x9a: {  	_ =	strace s3  }
0x9b: {  	s3 =	sld [smem:$0x3FFD];
	_ =	sdelay $0x3  }
0x9c: {  	_ =	strace s3  }
0x9d: {  	_ =	strace $0x8FFFFFFF  }
0x9e: {  	s18 =	sld [smem:$0x3FDB];
	_ =	sdelay $0x1  }
0x9f: {  	s19 =	simm.s32 $_scs_section_size  }
0xa0: {  	s5 =	simm.s32 $_size__tile_overlayer_lowered;
	s6 =	simm.s32 $_tile_overlayer_lowered  }
0xa1: {  	s22 =	simm.s32 $0x1BFF;
	s21 =	sshll.u32 s6, $0x1;
	s3 =	sadd.s32 s19, s18  }
0xa2: {  	s7 =	simm.s32 $0x0;
	s20 =	sshll.u32 s5, $0x1;
	s5 =	sadd.s32 s21, s3  }
0xa3: {  	[timem:s7], [sflag:s22] =	dma.local [hbm:s5], s20  }
0xa4: {  	_ =	swait.ge [sflag:s22], s20  }
0xa5: {  	s4 =	ssub.s32 $0x0, s20;
	[sflag:s22] =	ssyncset.done $0x0  }
0xa6: {  	[sflag:s22] =	ssyncadd.s32 s4;
	_ =	sdelay $0x1  }
0xa7: {  	s23 =	simm.s32 $0x1B8B  }
0xa8: {  	_ =	swait.ge [sflag:s23], $0x1  }
0xa9: {  	[sflag:s23] =	ssyncset.done $0x0  }
0xaa: {  	s25 =	simm.s32 $0x1B8E;
	s24 =	sld [smem:$0x3FFE];
	[sflag:s23] =	ssyncadd.s32 $0xFFFFFFFF  }
0xab: {  	s26 =	simm.s32 $execute0_lowered;
	[smem:$0x3FD2] =	sst s25  }
0xac: {  	s5 =	sshll.u32 s26, $0x1;
	_ =	strace $0x80000046;
	[dreg:$0x1] =	wrdreg $0xFFFFFFFF  }
0xad: {  	s28 =	simm.s32 $_size_execute0_lowered;
	s3 =	sadd.s32 s3, s5;
	[dreg:$0x0] =	wrdreg $0x0  }
0xae: {  	s5 =	sshll.u32 s28, $0x1;
	[dreg:$0x2] =	wrdreg s3  }
0xaf: {  	[dreg:$0x3] =	wrdreg s5  }
0xb0: {  	[dreg:$0x4] =	wrdreg $0xC0  }
0xb1: {  	_ =	task [dreg:s7], $0x5FFFF  }
0xb2: {  	[dreg:$0x1] =	wrdreg $0xFFFFFFFF  }
0xb3: {  	[dreg:$0x0] =	wrdreg $0x60  }
0xb4: {  	[dreg:$0x2] =	wrdreg s24  }
0xb5: {  	[dreg:$0x3] =	wrdreg s16  }
0xb6: {  	[dreg:$0x4] =	wrdreg $0x9  }
0xb7: {  	_ =	task.clear_ibuf [dreg:s7], $0x5FFFF;
	_ =	strace $0x90000046  }
0xb8: {  	s29 =	simm.s32 $0x9;
	_ =	strace $0x80000048  }
0xb9: {  	_ =	swait.ge [sflag:s29], $0x1  }
0xba: {  	[sflag:s29] =	ssyncadd.s32 $0xFFFFFFFF  }
0xbb: {  	_ =	strace $0x90000048  }
0xbc: {  	_ =	sfence  }
0xbd: {  	s30 =	sld [smem:$0x0];
	_ =	sdelay $0x2  }
0xbe: {  	s31 =	sshll.u32 s1, $0xD;
	s1 =	sshrl.u32 s1, $0x2  }
0xbf: {  	s3 =	sand.u32 $0x4000, s31;
	s1 =	sadd.s32 s1, s30  }
0xc0: {  	s0 =	sor.u32 s3, s0;
	s1 =	sshll.u32 s1, $0x11  }
0xc1: {  	s0 =	sor.u32 s1, s0  }
0xc2: {  	s0 =	sadd.s32 $0x8F2B, s0  }
0xc3: {  	[sflag:s0] =	ssyncadd.remote.s32 $0x1  }
0xc4: {  	_ =	sfence.sel $0xFFFF  }
0xc5: {  	[dreg:$0x0] =	wrdreg $0xFFFFFFFF;
	(pc) =	sbr.abs _section_cstart, $3  }
0xc6: {  	[dreg:$0x1] =	wrdreg $0xFFFFFFFF  }
0xc7: {  	_ =	task.clear_ibuf [dreg:s7], $0x2FFFF;
	_ =	strace $0x9FFFFFFF  }
0xc8: {  	(tm) =	ssettm $0x7FFFFFFF  }
0xc9: {  	_ =	shalt  }
tec
execute0_lowered:
.L_overlay_start_1:
0x0: {  	(tag) =	ssettag $0x1  }
0x1: {  	s7 =	rddreg [dreg:$0x0]  }
0x2: {  	s2 =	rddreg [dreg:$0x1]  }
0x3: {  	s0 =	rddreg [dreg:$0x2]  }
0x4: {  	s1 =	srdreg.scid;
	_ =	strace $0x80000047;
	s4 =	simm.s32 $0x1  }
0x5: {  	s9 =	simm.s32 $0x3;
	s12 =	simm.s32 $0x0;
	s5 =	sshll.u32 s1, $0x4  }
.Ltmp0:
0x6: {  	s1 =	stileid.u32;
	s5 =	sand.u32 $0x10, s5;
	(pc) =	sbr.rel .LBB2_1-.Ltmp0, $4  }
0x7: {  	s10 =	simm.s32 $0x0;
	s3 =	sadd.s32 $0x5200, s7;
	s6 =	sor.u32 s1, s5  }
0x8: {  	[sflag:s4] =	ssyncpa.u1 $0x0;
	s5 =	simm.s32 $0x2;
	s6 =	sshll.u32 s6, $0x8  }
0x9: {  	s7 =	sadd.s32 $0x85200, s7;
	[sflag:s5] =	ssyncpa.u1 $0x0;
	s8 =	sadd.s32 $0x100, s6  }
0xa: {  	vm0 =	vmmov $0xff;
	vm1 =	vcmask $0x3F20;
	[sflag:s9] =	ssyncpa.u1 $0x0;
	s9 =	simm.s32 $0x100;
	s11 =	smov.u32 s6  }
.LBB2_9:
0xb: {  	p0 =	seq.s32 s10, $0x2  }
.Ltmp1:
0xc: {  	_ = 	snop;
	(pc) =	sbr.rel @p0 .LBB2_11-.Ltmp1, $1  }
0xd: {  	_ =	sdelay $0x3  }
.LBB2_10:
0xe: {  	s12 =	sadd.s32 $0x100, s11  }
0xf: {  	s13 =	smov.u32 s6;
	p0 =	slt.s32 s12, s8  }
0x10: {  	s13 =	smov.u32 @p0 s12  }
0x11: {  	s10 =	sadd.s32 $0x1, s10;
	s12 =	smov.u32 s11;
	s11 =	smov.u32 s13  }
.LBB2_1:
0x12: {  	p0 =	sne.s32 s10, $0x0  }
.Ltmp2:
0x13: {  	_ = 	snop;
	(pc) =	sbr.rel @!p0 .LBB2_2-.Ltmp2, $1  }
0x14: {  	_ =	sdelay $0x3  }
0x15: {  	s13 =	sand.u32 $0x1, s10  }
0x16: {  	p0 =	seq.s32 s13, $0x0  }
.Ltmp3:
0x17: {  	_ = 	snop;
	(pc) =	sbr.rel @p0 .LBB2_9-.Ltmp3, $1  }
0x18: {  	_ =	sdelay $0x3  }
0x19: {  	_ =	swait.ge [sflag:s5], $0x100  }
0x1a: {  	[sflag:s5] =	ssyncset.done $0x0  }
0x1b: {  	s13 =	simm.s32 $0x0;
	[sflag:s5] =	ssyncadd.s32 $0xFFFFFF00  }
0x1c: {  	v0 =	vld.msk [tilespmem:s13+$0x100 ss:$0x1], $0xffff;
	_ =	sdelay $0x4  }
0x1d: {  	v1 =	vshll.u32 v0, $0x4  }
0x1e: {  	vm2 =	veq.s32 v0, $0x80000000;
	v0 =	vshll.u32 v0, $0x13;
	v1 =	vand.u32 $0x7FF80, v1  }
0x1f: {  	v0 =	vand.u32 $0x380000, v0;
	v1 =	vsel vm2, $0xFFFFFF80, v1  }
0x20: {  	v0 =	vsel vm2, $0xFFF80000, v0;
	v2 =	vand.u32 $0xFFFFFC00, v1  }
0x21: {  	v1 =	vand.u32 $0x380, v1;
	v0 =	vadd.s32 v0, v2  }
0x22: {  	v0 =	vor.u32 v1, v0  }
0x23: {  	v0 =	vshrl.u32 v0, $0x3;
	_ =	sdelay $0x3  }
0x24: {  	s13 =	simm.s32 $0x8200  }
0x25: {  	[tilespmem:s13], [sflag:$0x1] =	stream.indirect_vreg.gather [hbm:s3], $0x80, v0, vm0, $0x38;
	[tilespmem:$0x10200] =	vst v63  }
0x26: {  	s14 =	simm.s32 $0x8600;
	s31 =	simm.s32 $0x10  }
0x27: {  	[tilespmem:s14], [sflag:$0x1] =	stream.indirect_vreg.gather [hbm:s3], $0x80, v0, vm1, $0x38;
	[tilespmem:$0x10200] =	vst v63  }
0x28: {  	s14 =	simm.s32 $0x80;
	v0 =	vld.msk [tilespmem:s31+$0x100 ss:$0x1], $0xffff  }
.LBB2_5:
0x29: {  	p0 =	sne.s32 s14, $0x3C0;
	_ =	sdelay $0x4  }
0x2a: {  	v1 =	vshll.u32 v0, $0x4  }
0x2b: {  	vm2 =	veq.s32 v0, $0x80000000;
	v0 =	vshll.u32 v0, $0x13;
	v1 =	vand.u32 $0x7FF80, v1  }
0x2c: {  	v0 =	vand.u32 $0x380000, v0;
	v1 =	vsel vm2, $0xFFFFFF80, v1  }
0x2d: {  	v0 =	vsel vm2, $0xFFF80000, v0;
	v2 =	vand.u32 $0xFFFFFC00, v1  }
0x2e: {  	v1 =	vand.u32 $0x380, v1;
	v0 =	vadd.s32 v0, v2  }
0x2f: {  	v0 =	vor.u32 v1, v0  }
0x30: {  	v0 =	vshrl.u32 v0, $0x3;
	_ =	sdelay $0x3  }
.Ltmp4:
0x31: {  	s13 =	sadd.s32 $0x800, s13;
	(pc) =	sbr.rel @p0 .LBB2_5-.Ltmp4, $4  }
0x32: {  	[tilespmem:s13], [sflag:$0x1] =	stream.indirect_vreg.gather [hbm:s3], $0x80, v0, vm0, $0x38;
	[tilespmem:$0x10200] =	vst v63  }
0x33: {  	s15 =	sshra.s32 s14, $0x2;
	s16 =	sadd.s32 $0x400, s13  }
0x34: {  	[tilespmem:s16], [sflag:$0x1] =	stream.indirect_vreg.gather [hbm:s3], $0x80, v0, vm1, $0x38;
	[tilespmem:$0x10200] =	vst v63  }
0x35: {  	s14 =	sadd.s32 $0x40, s14;
	v0 =	vld.msk [tilespmem:s15+$0x100 ss:$0x1], $0xffff  }
0x36: {  	_ =	sdelay $0x3  }
0x37: {  	v1 =	vshll.u32 v0, $0x4  }
0x38: {  	vm2 =	veq.s32 v0, $0x80000000;
	v63 =	vshll.u32 v0, $0x13;
	v1 =	vand.u32 $0x7FF80, v1  }
0x39: {  	v0 =	vand.u32 $0x380000, v63;
	v1 =	vsel vm2, $0xFFFFFF80, v1  }
0x3a: {  	v0 =	vsel vm2, $0xFFF80000, v0;
	v2 =	vand.u32 $0xFFFFFC00, v1  }
0x3b: {  	v1 =	vand.u32 $0x380, v1;
	v0 =	vadd.s32 v0, v2  }
0x3c: {  	v0 =	vor.u32 v1, v0  }
0x3d: {  	v0 =	vshrl.u32 v0, $0x3;
	_ =	sdelay $0x3  }
0x3e: {  	s13 =	sadd.s32 $0x800, s13  }
0x3f: {  	[tilespmem:s13], [sflag:$0x1] =	stream.indirect_vreg.gather [hbm:s3], $0x80, v0, vm0, $0x38;
	[tilespmem:$0x10200] =	vst v63  }
0x40: {  	s13 =	sadd.s32 $0x400, s13  }
0x41: {  	[tilespmem:s13], [sflag:$0x1] =	stream.indirect_vreg.gather [hbm:s3], $0x80, v0, vm1, $0x38;
	[tilespmem:$0x10200] =	vst v63  }
0x42: {  	s12 =	sshll.u32 s12, $0x4;
	s14 =	simm.s32 $0x80;
	_ =	swait.ge [sflag:s4], $0x8000  }
0x43: {  	s15 =	simm.s32 $0x8600;
	s12 =	sadd.s32 s12, s7;
	[sflag:s4] =	ssyncset.done $0x0  }
0x44: {  	s16 =	sadd.s32 $0x0, s12;
	s13 =	simm.s32 $0x8200;
	[sflag:s4] =	ssyncadd.s32 $0xFFFF8000  }
.LBB2_7:
0x45: {  	[hbm:s16] =	stream.linear.scatter [tilespmem:s13], [sflag:$0x3], $0x400, $0x38;
	[tilespmem:$0x10200] =	vst v63  }
0x46: {  	s16 =	smov.u32 s14;
	s13 =	smov.u32 s15;
	p0 =	sne.s32 s14, $0xF80  }
.Ltmp5:
0x47: {  	s14 =	sadd.s32 $0x80, s14;
	(pc) =	sbr.rel @p0 .LBB2_7-.Ltmp5, $2  }
0x48: {  	_ =	sdelay $0x2  }
0x49: {  	s15 =	sadd.s32 $0x400, s15;
	s16 =	sadd.s32 s16, s12  }
.Ltmp6:
0x4a: {  	(pc) =	sbr.rel .LBB2_9-.Ltmp6, $2  }
0x4b: {  	_ =	sdelay $0x2  }
0x4c: {  	[hbm:s16] =	stream.linear.scatter [tilespmem:s13], [sflag:$0x3], $0x400, $0x38;
	[tilespmem:$0x10200] =	vst v63  }
.LBB2_2:
.Ltmp7:
0x4d: {  	(pc) =	sbr.rel .LBB2_10-.Ltmp7, $4  }
0x4e: {  	_ = 	snop  }
0x4f: {  	s12 =	sshrl.u32 s11, $0x3  }
0x50: {  	s13 =	sand.u32 $0x7, s11;
	s12 =	sadd.s32 s2, s12  }
0x51: {  	[tilespmem:s9], [sflag:$0x2] =	stream.linear.gather [hbm4b:s12+s13], $0x100, $0x38;
	[tilespmem:$0x10200] =	vst v63  }
.LBB2_11:
0x52: {  	s2 =	simm.s32 $0x3  }
0x53: {  	_ =	swait.ge [sflag:s2], $0x8000  }
0x54: {  	[sflag:s2] =	ssyncset.done $0x0  }
0x55: {  	[sflag:s2] =	ssyncadd.s32 $0xFFFF8000  }
0x56: {  	_ =	sfence.sel $0x180000  }
0x57: {  	s3 =	simm.s32 $0x2;
	[bflag:$0x0] =	sbarrier.arrive $0xFFFF  }
0x58: {  	[sflag:s3] =	ssyncpa.u1 $0x1  }
0x59: {  	s31 =	simm.s32 $0x1;
	[sflag:s2] =	ssyncpa.u1 $0x1  }
0x5a: {  	[sflag:s31] =	ssyncpa.u1 $0x1  }
0x5b: {  	p0 =	sne.s32 s1, $0x0;
	_ =	strace $0x90000047  }
0x5c: {  	s0 =	sadd.s32 @!p0 $0x100000, s0;
	[bflag:$0x2] =	sbarrier.arrive $0xFFFF  }
0x5d: {  	[sflag:s0] =	ssyncadd.tile.s32 @!p0 $0x1;
	_ =	shalt  }
.Lfunc_end2:
_tile_overlayer_lowered:
.L_overlay_start_2:
0x5e: {  	(tag) =	ssettag $0x2  }
0x5f: {  	s0 =	rddreg [dreg:$0x0];
	s2 =	stileid.u32  }
0x60: {  	s1 =	rddreg [dreg:$0x1];
	p0 =	sne.s32 s2, $0x0  }
0x61: {  	s3 =	rddreg [dreg:$0x2];
	[bflag:$0x3] =	sbarrier.arrive $0xFFFF;
	s2 =	simm.s32 @!p0 $0x1C01  }
0x62: {  	[timem:s3], [sflag:s2] =	dma.local @!p0 [hbm:s0], s1  }
0x63: {  	s0 =	simm.s32 @!p0 $0x1  }
0x64: {  	_ =	swait.ge @!p0 [sflag:s0], s1  }
0x65: {  	s1 =	ssub.s32 @!p0 $0x0, s1;
	[sflag:s0] =	ssyncset.done @!p0 $0x0  }
0x66: {  	[sflag:s0] =	ssyncadd.s32 @!p0 s1  }
0x67: {  	[bflag:$0x3] =	sbarrier.arrive $0xFFFF  }
0x68: {  	_ =	shalt  }

// kernel: kernel.18.cloned.1.call-start
scs
__scs_entry_jumppad:
0x0: {  	(pc) =	sbr.rel $0x88, $3  }
0x1: {  	(tag) =	ssettag $0x0;
	lr =	simm.s32 $0x1  }
0x2: {  	[smem:$0x3F6E] =	sst lr;
	_ =	strace $0xD0000000  }
0x3: {  	_ = 	snop  }
0x4: {  	_ = 	snop  }
0x5: {  	_ = 	snop  }
0x6: {  	_ = 	snop  }
0x7: {  	_ = 	snop  }
__scs_overlays_trampoline_lowered:
0x8: {  	[smem:$0x3F7D] =	sst s0  }
0x9: {  	[smem:$0x3F7E] =	sst s1  }
0xa: {  	[smem:$0x3F7F] =	sst s2  }
0xb: {  	[smem:$0x3F80] =	sst s3  }
0xc: {  	[smem:$0x3F81] =	sst s4  }
0xd: {  	[smem:$0x3F82] =	sst s5  }
0xe: {  	[smem:$0x3F83] =	sst s6  }
0xf: {  	[smem:$0x3F84] =	sst s7  }
0x10: {  	[smem:$0x3F85] =	sst s8  }
0x11: {  	[smem:$0x3F86] =	sst s9;
	s0 =	simm.s32 @!p0 $0x0  }
0x12: {  	s1 =	sld [smem:$0x3F6C];
	s0 =	simm.s32 @p0 $0x1  }
0x13: {  	[smem:$0x3F87] =	sst s0;
	s0 =	simm.s32 @!p1 $0x0  }
0x14: {  	s2 =	sld [smem:$0x3F6B];
	s0 =	simm.s32 @p1 $0x1  }
0x15: {  	[smem:$0x3F88] =	sst s0;
	s0 =	simm.s32 @!p2 $0x0  }
0x16: {  	s3 =	sld [smem:$0x3FDB];
	s0 =	simm.s32 @p2 $0x1  }
0x17: {  	s4 =	simm.s32 $0x1BF5;
	[smem:$0x3F8A] =	sst s0  }
0x18: {  	s0 =	sld [smem:$0x3F6D];
	_ =	swait.ge [sflag:s4], $0x0  }
0x19: {  	s7 =	sld [smem:$0x3F6E]  }
0x1a: {  	s8 =	sadd.s32 $0xFFFFE003, lr  }
0x1b: {  	s9 =	sadd.s32 $0xFFFFFEF7, lr;
	s5 =	simm.s32 $0xFFFFFFFF;
	p2 =	slt.u32 s8, $0xFFFFF086  }
0x1c: {  	p1 =	slt.u32 s9, $0xF7A;
	s5 =	simm.s32 @!p2 $0x0  }
0x1d: {  	s5 =	simm.s32 @p1 $0x1;
	p0 =	seq.s32 s7, s2  }
0x1e: {  	s7 =	smul.u32 @!p0 $0xF7A, s2;
	p2 =	seq.s32 @!p0 s5, $0x0  }
0x1f: {  	s9 =	smul.u32 $0xF7A, s1;
	s8 =	simm.s32 @!p0 $0x1BF5;
	p2 =	por !p2, p0  }
0x20: {  	[sflag:s8] =	ssyncset.s32 @!p0 $0xFFFFF086;
	s6 =	sadd.s32 @!p0 s3, s7;
	s7 =	simm.s32 @!p0 $0x108  }
0x21: {  	s3 =	sadd.s32 s3, s9;
	s6 =	sadd.s32 @!p0 $0x88, s6;
	s7 =	simm.s32 @p2 $0x1082  }
0x22: {  	[simem:s7], [sflag:s8] =	dma.local @!p0 [hbm:s6], $0xF7A  }
0x23: {  	s9 =	sor.u32 $0xD0000000, s2;
	s6 =	simm.s32 $0x108;
	_ =	swait.ge @!p0 [sflag:s8], $0x0  }
0x24: {  	s3 =	sadd.s32 $0x88, s3;
	s6 =	simm.s32 @!p1 $0x1082;
	[sflag:s4] =	ssyncset.s32 $0xFFFFF086  }
0x25: {  	[simem:s6], [sflag:s4] =	dma.local [hbm:s3], $0xF7A  }
0x26: {  	[smem:$0x3F6E] =	sst s1;
	(tag) =	ssettag s2;
	_ =	strace s9  }
0x27: {  	s1 =	sld [smem:$0x3F7E]  }
0x28: {  	s2 =	sld [smem:$0x3F7F]  }
0x29: {  	s4 =	sld [smem:$0x3F81]  }
0x2a: {  	p0 =	seq.s32 s5, $0x0;
	s5 =	sld [smem:$0x3F82]  }
0x2b: {  	s6 =	sld [smem:$0x3F83]  }
0x2c: {  	s7 =	sld [smem:$0x3F84]  }
0x2d: {  	s3 =	simm.s32 $0x108;
	s8 =	sld [smem:$0x3F85]  }
0x2e: {  	s3 =	simm.s32 @!p0 $0x1082;
	s9 =	sld [smem:$0x3F86]  }
0x2f: {  	lr =	sadd.s32 s0, s3;
	s0 =	sld [smem:$0x3F7D]  }
0x30: {  	s3 =	sld [smem:$0x3F80]  }
0x31: {  	[smem:$0x3F89] =	sst s10  }
0x32: {  	s10 =	sld [smem:$0x3F87];
	_ =	sdelay $0x3  }
0x33: {  	p0 =	seq.s32 s10, $0x1;
	s10 =	sld [smem:$0x3F89];
	_ =	sdelay $0x3  }
0x34: {  	[smem:$0x3F89] =	sst s10  }
0x35: {  	s10 =	sld [smem:$0x3F88];
	_ =	sdelay $0x3  }
0x36: {  	p1 =	seq.s32 s10, $0x1;
	s10 =	sld [smem:$0x3F89];
	_ =	sdelay $0x3  }
0x37: {  	[smem:$0x3F89] =	sst s10  }
0x38: {  	s10 =	sld [smem:$0x3F8A]  }
0x39: {  	_ = 	snop;
	(pc) =	sbr.ind lr, $3  }
0x3a: {  	_ = 	snop  }
0x3b: {  	_ = 	snop  }
0x3c: {  	p2 =	seq.s32 s10, $0x1;
	s10 =	sld [smem:$0x3F89]  }
0x3d: {  	_ =	shalt  }
0x3e: {  	_ =	shalt  }
0x3f: {  	_ =	shalt  }
0x40: {  	_ =	shalt  }
0x41: {  	_ =	shalt  }
0x42: {  	_ =	shalt  }
0x43: {  	_ =	shalt  }
0x44: {  	_ =	shalt  }
0x45: {  	_ =	shalt  }
0x46: {  	_ =	shalt  }
0x47: {  	_ =	shalt  }
0x48: {  	_ =	shalt  }
0x49: {  	_ =	shalt  }
0x4a: {  	_ =	shalt  }
0x4b: {  	_ =	shalt  }
0x4c: {  	_ =	shalt  }
0x4d: {  	_ =	shalt  }
0x4e: {  	_ =	shalt  }
0x4f: {  	_ =	shalt  }
0x50: {  	_ =	shalt  }
0x51: {  	_ =	shalt  }
0x52: {  	_ =	shalt  }
0x53: {  	_ =	shalt  }
0x54: {  	_ =	shalt  }
0x55: {  	_ =	shalt  }
0x56: {  	_ =	shalt  }
0x57: {  	_ =	shalt  }
0x58: {  	_ =	shalt  }
0x59: {  	_ =	shalt  }
0x5a: {  	_ =	shalt  }
0x5b: {  	_ =	shalt  }
0x5c: {  	_ =	shalt  }
0x5d: {  	_ =	shalt  }
0x5e: {  	_ =	shalt  }
0x5f: {  	_ =	shalt  }
0x60: {  	_ =	shalt  }
0x61: {  	_ =	shalt  }
0x62: {  	_ =	shalt  }
0x63: {  	_ =	shalt  }
0x64: {  	_ =	shalt  }
0x65: {  	_ =	shalt  }
0x66: {  	_ =	shalt  }
0x67: {  	_ =	shalt  }
0x68: {  	_ =	shalt  }
0x69: {  	_ =	shalt  }
0x6a: {  	_ =	shalt  }
0x6b: {  	_ =	shalt  }
0x6c: {  	_ =	shalt  }
0x6d: {  	_ =	shalt  }
0x6e: {  	_ =	shalt  }
0x6f: {  	_ =	shalt  }
0x70: {  	_ =	shalt  }
0x71: {  	_ =	shalt  }
0x72: {  	_ =	shalt  }
0x73: {  	_ =	shalt  }
0x74: {  	_ =	shalt  }
0x75: {  	_ =	shalt  }
0x76: {  	_ =	shalt  }
0x77: {  	_ =	shalt  }
0x78: {  	_ =	shalt  }
0x79: {  	_ =	shalt  }
0x7a: {  	_ =	shalt  }
0x7b: {  	_ =	shalt  }
0x7c: {  	_ =	shalt  }
0x7d: {  	_ =	shalt  }
0x7e: {  	_ =	shalt  }
0x7f: {  	_ =	shalt  }
0x80: {  	_ =	shalt  }
0x81: {  	_ =	shalt  }
0x82: {  	_ =	shalt  }
0x83: {  	_ =	shalt  }
0x84: {  	_ =	shalt  }
0x85: {  	_ =	shalt  }
0x86: {  	_ =	shalt  }
0x87: {  	_ =	shalt  }
.Lfunc_end0:
.L_simem_size_0:
called_computation.1_lowered:
.L_overlay_start_0:
0x88: {  	s2 =	sld [smem:$0x3FD9]  }
0x89: {  	s3 =	sld [smem:$0x3FFE];
	_ =	sdelay $0x1  }
0x8a: {  	s1 =	srdreg.scid  }
0x8b: {  	s0 =	sand.u32 $0x1, s1  }
0x8c: {  	s16 =	sshll.u32 s0, $0xA;
	s2 =	sadd.s32 s3, s2  }
0x8d: {  	s2 =	sadd.s32 s2, s16  }
0x8e: {  	[smem:$0x3F95] =	sst s2  }
0x8f: {  	_ = 	snop  }
0x90: {  	(tm) =	ssettm $0x1  }
0x91: {  	s17 =	sld [smem:$0x3FFB];
	_ =	sdelay $0x3  }
0x92: {  	_ =	strace s17  }
0x93: {  	s2 =	sld [smem:$0x3FFC];
	_ =	sdelay $0x3  }
0x94: {  	_ =	strace s2  }
0x95: {  	s2 =	sld [smem:$0x3FFD];
	_ =	sdelay $0x3  }
0x96: {  	_ =	strace s2  }
0x97: {  	_ =	strace $0x8FFFFFFF  }
0x98: {  	s18 =	sld [smem:$0x3FDB];
	_ =	sdelay $0x1  }
0x99: {  	s19 =	simm.s32 $_scs_section_size  }
0x9a: {  	s4 =	simm.s32 $_size__tile_overlayer_lowered;
	s5 =	simm.s32 $_tile_overlayer_lowered  }
0x9b: {  	s22 =	simm.s32 $0x1BFF;
	s21 =	sshll.u32 s5, $0x1;
	s2 =	sadd.s32 s19, s18  }
0x9c: {  	s6 =	simm.s32 $0x0;
	s20 =	sshll.u32 s4, $0x1;
	s4 =	sadd.s32 s21, s2  }
0x9d: {  	[timem:s6], [sflag:s22] =	dma.local [hbm:s4], s20  }
0x9e: {  	_ =	swait.ge [sflag:s22], s20  }
0x9f: {  	s3 =	ssub.s32 $0x0, s20;
	[sflag:s22] =	ssyncset.done $0x0  }
0xa0: {  	[sflag:s22] =	ssyncadd.s32 s3;
	_ =	sdelay $0x1  }
0xa1: {  	s23 =	simm.s32 $0x1B8B  }
0xa2: {  	_ =	swait.ge [sflag:s23], $0x1  }
0xa3: {  	[sflag:s23] =	ssyncset.done $0x0  }
0xa4: {  	s25 =	simm.s32 $0x1B8E;
	s24 =	sld [smem:$0x3FFE];
	[sflag:s23] =	ssyncadd.s32 $0xFFFFFFFF  }
0xa5: {  	s26 =	simm.s32 $execute0_lowered;
	[smem:$0x3FD2] =	sst s25  }
0xa6: {  	s4 =	sshll.u32 s26, $0x1;
	_ =	strace $0x80000049;
	[dreg:$0x1] =	wrdreg $0xFFFFFFFF  }
0xa7: {  	s28 =	simm.s32 $_size_execute0_lowered;
	s2 =	sadd.s32 s2, s4;
	[dreg:$0x0] =	wrdreg $0x0  }
0xa8: {  	s4 =	sshll.u32 s28, $0x1;
	[dreg:$0x2] =	wrdreg s2  }
0xa9: {  	[dreg:$0x3] =	wrdreg s4  }
0xaa: {  	[dreg:$0x4] =	wrdreg $0xC0  }
0xab: {  	_ =	task [dreg:s6], $0x5FFFF  }
0xac: {  	[dreg:$0x1] =	wrdreg $0xFFFFFFFF  }
0xad: {  	[dreg:$0x0] =	wrdreg $0x60  }
0xae: {  	[dreg:$0x2] =	wrdreg s24  }
0xaf: {  	[dreg:$0x3] =	wrdreg $0x9  }
0xb0: {  	_ =	task.clear_ibuf [dreg:s6], $0x4FFFF;
	_ =	strace $0x90000049  }
0xb1: {  	s29 =	simm.s32 $0x9;
	_ =	strace $0x8000004B  }
0xb2: {  	_ =	swait.ge [sflag:s29], $0x1  }
0xb3: {  	[sflag:s29] =	ssyncadd.s32 $0xFFFFFFFF  }
0xb4: {  	_ =	strace $0x9000004B  }
0xb5: {  	_ =	sfence  }
0xb6: {  	s30 =	sld [smem:$0x0];
	_ =	sdelay $0x2  }
0xb7: {  	s31 =	sshll.u32 s1, $0xD;
	s1 =	sshrl.u32 s1, $0x2  }
0xb8: {  	s3 =	sand.u32 $0x4000, s31;
	s1 =	sadd.s32 s1, s30  }
0xb9: {  	s0 =	sor.u32 s3, s0;
	s1 =	sshll.u32 s1, $0x11  }
0xba: {  	s0 =	sor.u32 s1, s0  }
0xbb: {  	s0 =	sadd.s32 $0x8F2B, s0  }
0xbc: {  	[sflag:s0] =	ssyncadd.remote.s32 $0x1  }
0xbd: {  	_ =	sfence.sel $0xFFFF  }
0xbe: {  	[dreg:$0x0] =	wrdreg $0xFFFFFFFF;
	(pc) =	sbr.abs _section_cstart, $3  }
0xbf: {  	[dreg:$0x1] =	wrdreg $0xFFFFFFFF  }
0xc0: {  	_ =	task.clear_ibuf [dreg:s6], $0x2FFFF;
	_ =	strace $0x9FFFFFFF  }
0xc1: {  	(tm) =	ssettm $0x7FFFFFFF  }
tec
execute0_lowered:
.L_overlay_start_1:
0x0: {  	(tag) =	ssettag $0x1  }
0x1: {  	s4 =	rddreg [dreg:$0x0]  }
0x2: {  	s0 =	rddreg [dreg:$0x1];
	s2 =	simm.s32 $0x0;
	s3 =	srdreg.scid  }
0x3: {  	s1 =	stileid.u32;
	s10 =	simm.s32 $0x5000;
	s11 =	simm.s32 $0x9000  }
0x4: {  	s12 =	simm.s32 $0xD000;
	s13 =	simm.s32 $0x1;
	s14 =	simm.s32 $0x0  }
0x5: {  	[smem:$0x7FF] =	sst s2;
	s5 =	sand.u32 $0x1, s3;
	s6 =	sshll.u32 s1, $0xA  }
0x6: {  	s3 =	sadd.s32 $0xA5400, s4;
	s8 =	sshll.u32 s1, $0x11;
	_ =	strace $0x8000004A  }
0x7: {  	s7 =	sshll.u32 s5, $0x9;
	s29 =	ssub.s32 $0x2, s5;
	s8 =	sadd.s32 s8, s4  }
0x8: {  	s30 =	sshll.u32 s5, $0x10;
	s6 =	sor.u32 s7, s6;
	s9 =	sshrl.u32 s29, $0x1  }
0x9: {  	s31 =	sadd.s32 s30, s8;
	s8 =	simm.s32 $0x80;
	s6 =	sadd.s32 s6, s4  }
0xa: {  	s7 =	ssub.s32 s29, s9;
	s9 =	simm.s32 $0x1000;
	s4 =	sadd.s32 $0x25200, s6  }
0xb: {  	s5 =	smax.u32 s7, $0x1;
	s6 =	sadd.s32 $0x125400, s31;
	s7 =	simm.s32 $0x2  }
.LBB2_1:
0xc: {  	[tilespmem:s2], [sflag:$0x2] =	stream.linear.gather [hbm4b:s4+s2], $0x1000, $0x38;
	[tilespmem:$0x11000] =	vst v63  }
0xd: {  	_ =	swait.ge [sflag:s7], $0x1000  }
0xe: {  	[sflag:s7] =	ssyncset.done $0x0  }
0xf: {  	s15 =	simm.s32 $0x0;
	[sflag:s7] =	ssyncadd.s32 $0xFFFFF000  }
0x10: {  	[tilespmem:s9], [sflag:$0x1] =	stream.indirect.gather [hbm4b:s3+s8], $0x80, s15, s8, $0xb8;
	[tilespmem:$0x11000] =	vst v63  }
0x11: {  	s28 =	simm.s32 $0x80  }
0x12: {  	[tilespmem:s10], [sflag:$0x1] =	stream.indirect.gather [hbm4b:s3+s8], $0x80, s28, s8, $0xb8;
	[tilespmem:$0x11000] =	vst v63  }
0x13: {  	s29 =	simm.s32 $0x100  }
0x14: {  	[tilespmem:s11], [sflag:$0x1] =	stream.indirect.gather [hbm4b:s3+s8], $0x80, s29, s8, $0xb8;
	[tilespmem:$0x11000] =	vst v63  }
0x15: {  	s30 =	simm.s32 $0x180  }
0x16: {  	[tilespmem:s12], [sflag:$0x1] =	stream.indirect.gather [hbm4b:s3+s8], $0x80, s30, s8, $0xb8;
	[tilespmem:$0x11000] =	vst v63  }
0x17: {  	_ =	swait.ge [sflag:s13], $0x4000  }
0x18: {  	[sflag:s13] =	ssyncset.done $0x0  }
0x19: {  	[sflag:s13] =	ssyncadd.s32 $0xFFFFC000  }
0x1a: {  	_ =	swait.ge [sflag:s13], $0x4000  }
0x1b: {  	[sflag:s13] =	ssyncset.done $0x0  }
0x1c: {  	[sflag:s13] =	ssyncadd.s32 $0xFFFFC000  }
0x1d: {  	_ =	swait.ge [sflag:s13], $0x4000  }
0x1e: {  	[sflag:s13] =	ssyncset.done $0x0  }
0x1f: {  	[sflag:s13] =	ssyncadd.s32 $0xFFFFC000  }
0x20: {  	_ =	swait.ge [sflag:s13], $0x4000  }
0x21: {  	[sflag:s13] =	ssyncset.done $0x0  }
0x22: {  	s31 =	sadd.s32 $0x0, s6;
	[sflag:s13] =	ssyncadd.s32 $0xFFFFC000  }
0x23: {  	[hbm4b:s31+s2] =	stream.linear.scatter [tilespmem:s9], [sflag:$0x2], $0x10000, $0x38;
	[tilespmem:$0x11000] =	vst v63  }
0x24: {  	s17 =	simm.s32 $0x4000;
	_ =	swait.ge [sflag:s7], $0x10000  }
0x25: {  	s16 =	simm.s32 $0x380;
	s15 =	simm.s32 $0x2000;
	[sflag:s7] =	ssyncset.done $0x0  }
.LBB2_2:
0x26: {  	p0 =	sne.s32 s17, $0xE000;
	s18 =	sadd.s32 $0xFFFFFE80, s16;
	[sflag:s7] =	ssyncadd.s32 $0xFFFF0000  }
0x27: {  	[tilespmem:s9], [sflag:$0x1] =	stream.indirect.gather [hbm4b:s3+s8], $0x80, s18, s8, $0xb8;
	[tilespmem:$0x11000] =	vst v63  }
0x28: {  	s19 =	smov.u32 s17;
	s17 =	sadd.s32 $0x2000, s17;
	s18 =	sadd.s32 $0xFFFFFF00, s16  }
0x29: {  	[tilespmem:s10], [sflag:$0x1] =	stream.indirect.gather [hbm4b:s3+s8], $0x80, s18, s8, $0xb8;
	[tilespmem:$0x11000] =	vst v63  }
0x2a: {  	s18 =	sadd.s32 $0xFFFFFF80, s16  }
0x2b: {  	[tilespmem:s11], [sflag:$0x1] =	stream.indirect.gather [hbm4b:s3+s8], $0x80, s18, s8, $0xb8;
	[tilespmem:$0x11000] =	vst v63  }
0x2c: {  	_ = 	snop  }
0x2d: {  	[tilespmem:s12], [sflag:$0x1] =	stream.indirect.gather [hbm4b:s3+s8], $0x80, s16, s8, $0xb8;
	[tilespmem:$0x11000] =	vst v63  }
0x2e: {  	_ =	swait.ge [sflag:s13], $0x4000  }
0x2f: {  	[sflag:s13] =	ssyncset.done $0x0  }
0x30: {  	[sflag:s13] =	ssyncadd.s32 $0xFFFFC000  }
0x31: {  	_ =	swait.ge [sflag:s13], $0x4000  }
0x32: {  	[sflag:s13] =	ssyncset.done $0x0  }
0x33: {  	[sflag:s13] =	ssyncadd.s32 $0xFFFFC000  }
0x34: {  	_ =	swait.ge [sflag:s13], $0x4000  }
0x35: {  	[sflag:s13] =	ssyncset.done $0x0  }
0x36: {  	[sflag:s13] =	ssyncadd.s32 $0xFFFFC000  }
0x37: {  	_ =	swait.ge [sflag:s13], $0x4000  }
.Ltmp0:
0x38: {  	[sflag:s13] =	ssyncset.done $0x0;
	(pc) =	sbr.rel @p0 .LBB2_2-.Ltmp0, $4  }
0x39: {  	s18 =	sadd.s32 s15, s6;
	s15 =	smov.u32 s19;
	[sflag:s13] =	ssyncadd.s32 $0xFFFFC000  }
0x3a: {  	[hbm4b:s18+s2] =	stream.linear.scatter [tilespmem:s9], [sflag:$0x2], $0x10000, $0x38;
	[tilespmem:$0x11000] =	vst v63  }
0x3b: {  	_ =	swait.ge [sflag:s7], $0x10000  }
0x3c: {  	s16 =	sadd.s32 $0x200, s16;
	[sflag:s7] =	ssyncset.done $0x0  }
0x3d: {  	s17 =	sadd.s32 $0xFFFFFE80, s16;
	[sflag:s7] =	ssyncadd.s32 $0xFFFF0000  }
0x3e: {  	[tilespmem:s9], [sflag:$0x1] =	stream.indirect.gather [hbm4b:s3+s8], $0x80, s17, s8, $0xb8;
	[tilespmem:$0x11000] =	vst v63  }
0x3f: {  	s30 =	sadd.s32 $0xFFFFFF00, s16  }
0x40: {  	[tilespmem:s10], [sflag:$0x1] =	stream.indirect.gather [hbm4b:s3+s8], $0x80, s30, s8, $0xb8;
	[tilespmem:$0x11000] =	vst v63  }
0x41: {  	s31 =	sadd.s32 $0xFFFFFF80, s16  }
0x42: {  	[tilespmem:s11], [sflag:$0x1] =	stream.indirect.gather [hbm4b:s3+s8], $0x80, s31, s8, $0xb8;
	[tilespmem:$0x11000] =	vst v63  }
0x43: {  	_ = 	snop  }
0x44: {  	[tilespmem:s12], [sflag:$0x1] =	stream.indirect.gather [hbm4b:s3+s8], $0x80, s16, s8, $0xb8;
	[tilespmem:$0x11000] =	vst v63  }
0x45: {  	_ =	swait.ge [sflag:s13], $0x4000  }
0x46: {  	[sflag:s13] =	ssyncset.done $0x0  }
0x47: {  	[sflag:s13] =	ssyncadd.s32 $0xFFFFC000  }
0x48: {  	_ =	swait.ge [sflag:s13], $0x4000  }
0x49: {  	[sflag:s13] =	ssyncset.done $0x0  }
0x4a: {  	[sflag:s13] =	ssyncadd.s32 $0xFFFFC000  }
0x4b: {  	_ =	swait.ge [sflag:s13], $0x4000  }
0x4c: {  	[sflag:s13] =	ssyncset.done $0x0  }
0x4d: {  	[sflag:s13] =	ssyncadd.s32 $0xFFFFC000  }
0x4e: {  	s14 =	sadd.s32 $0x1, s14;
	_ =	swait.ge [sflag:s13], $0x4000  }
0x4f: {  	p0 =	sne.s32 s14, s5;
	[sflag:s13] =	ssyncset.done $0x0  }
.Ltmp1:
0x50: {  	s15 =	sadd.s32 s15, s6;
	[sflag:s13] =	ssyncadd.s32 $0xFFFFC000;
	(pc) =	sbr.rel @p0 .LBB2_1-.Ltmp1, $4  }
0x51: {  	[hbm4b:s15+s2] =	stream.linear.scatter [tilespmem:s9], [sflag:$0x2], $0x10000, $0x38;
	[tilespmem:$0x11000] =	vst v63  }
0x52: {  	_ =	swait.ge [sflag:s7], $0x10000  }
0x53: {  	[sflag:s7] =	ssyncset.done $0x0  }
0x54: {  	[sflag:s7] =	ssyncadd.s32 $0xFFFF0000  }
0x55: {  	_ =	sfence.sel $0x180000  }
0x56: {  	[bflag:$0x0] =	sbarrier.arrive $0xFFFF  }
0x57: {  	p0 =	sne.s32 s1, $0x0;
	_ =	strace $0x9000004A  }
0x58: {  	s0 =	sadd.s32 @!p0 $0x100000, s0;
	[bflag:$0x2] =	sbarrier.arrive $0xFFFF  }
0x59: {  	[sflag:s0] =	ssyncadd.tile.s32 @!p0 $0x1;
	_ =	shalt  }
.Lfunc_end2:
_tile_overlayer_lowered:
.L_overlay_start_2:
0x5a: {  	(tag) =	ssettag $0x2  }
0x5b: {  	s0 =	rddreg [dreg:$0x0];
	s2 =	stileid.u32  }
0x5c: {  	s1 =	rddreg [dreg:$0x1];
	p0 =	sne.s32 s2, $0x0  }
0x5d: {  	s3 =	rddreg [dreg:$0x2];
	[bflag:$0x3] =	sbarrier.arrive $0xFFFF;
	s2 =	simm.s32 @!p0 $0x1C02  }
0x5e: {  	[timem:s3], [sflag:s2] =	dma.local @!p0 [hbm:s0], s1  }
0x5f: {  	s0 =	simm.s32 @!p0 $0x2  }
0x60: {  	_ =	swait.ge @!p0 [sflag:s0], s1  }
0x61: {  	s1 =	ssub.s32 @!p0 $0x0, s1;
	[sflag:s0] =	ssyncset.done @!p0 $0x0  }
0x62: {  	[sflag:s0] =	ssyncadd.s32 @!p0 s1  }
0x63: {  	[bflag:$0x3] =	sbarrier.arrive $0xFFFF  }
0x64: {  	_ =	shalt  }

// kernel: kernel.21.cloned.1.call-start
scs
__scs_entry_jumppad:
0x0: {  	(pc) =	sbr.rel $0x88, $3  }
0x1: {  	(tag) =	ssettag $0x0;
	lr =	simm.s32 $0x1  }
0x2: {  	[smem:$0x3F6E] =	sst lr;
	_ =	strace $0xD0000000  }
0x3: {  	_ = 	snop  }
0x4: {  	_ = 	snop  }
0x5: {  	_ = 	snop  }
0x6: {  	_ = 	snop  }
0x7: {  	_ = 	snop  }
__scs_overlays_trampoline_lowered:
0x8: {  	[smem:$0x3F7D] =	sst s0  }
0x9: {  	[smem:$0x3F7E] =	sst s1  }
0xa: {  	[smem:$0x3F7F] =	sst s2  }
0xb: {  	[smem:$0x3F80] =	sst s3  }
0xc: {  	[smem:$0x3F81] =	sst s4  }
0xd: {  	[smem:$0x3F82] =	sst s5  }
0xe: {  	[smem:$0x3F83] =	sst s6  }
0xf: {  	[smem:$0x3F84] =	sst s7  }
0x10: {  	[smem:$0x3F85] =	sst s8  }
0x11: {  	[smem:$0x3F86] =	sst s9;
	s0 =	simm.s32 @!p0 $0x0  }
0x12: {  	s1 =	sld [smem:$0x3F6C];
	s0 =	simm.s32 @p0 $0x1  }
0x13: {  	[smem:$0x3F87] =	sst s0;
	s0 =	simm.s32 @!p1 $0x0  }
0x14: {  	s2 =	sld [smem:$0x3F6B];
	s0 =	simm.s32 @p1 $0x1  }
0x15: {  	[smem:$0x3F88] =	sst s0;
	s0 =	simm.s32 @!p2 $0x0  }
0x16: {  	s3 =	sld [smem:$0x3FDB];
	s0 =	simm.s32 @p2 $0x1  }
0x17: {  	s4 =	simm.s32 $0x1BF5;
	[smem:$0x3F8A] =	sst s0  }
0x18: {  	s0 =	sld [smem:$0x3F6D];
	_ =	swait.ge [sflag:s4], $0x0  }
0x19: {  	s7 =	sld [smem:$0x3F6E]  }
0x1a: {  	s8 =	sadd.s32 $0xFFFFE003, lr  }
0x1b: {  	s9 =	sadd.s32 $0xFFFFFEF7, lr;
	s5 =	simm.s32 $0xFFFFFFFF;
	p2 =	slt.u32 s8, $0xFFFFF086  }
0x1c: {  	p1 =	slt.u32 s9, $0xF7A;
	s5 =	simm.s32 @!p2 $0x0  }
0x1d: {  	s5 =	simm.s32 @p1 $0x1;
	p0 =	seq.s32 s7, s2  }
0x1e: {  	s7 =	smul.u32 @!p0 $0xF7A, s2;
	p2 =	seq.s32 @!p0 s5, $0x0  }
0x1f: {  	s9 =	smul.u32 $0xF7A, s1;
	s8 =	simm.s32 @!p0 $0x1BF5;
	p2 =	por !p2, p0  }
0x20: {  	[sflag:s8] =	ssyncset.s32 @!p0 $0xFFFFF086;
	s6 =	sadd.s32 @!p0 s3, s7;
	s7 =	simm.s32 @!p0 $0x108  }
0x21: {  	s3 =	sadd.s32 s3, s9;
	s6 =	sadd.s32 @!p0 $0x88, s6;
	s7 =	simm.s32 @p2 $0x1082  }
0x22: {  	[simem:s7], [sflag:s8] =	dma.local @!p0 [hbm:s6], $0xF7A  }
0x23: {  	s9 =	sor.u32 $0xD0000000, s2;
	s6 =	simm.s32 $0x108;
	_ =	swait.ge @!p0 [sflag:s8], $0x0  }
0x24: {  	s3 =	sadd.s32 $0x88, s3;
	s6 =	simm.s32 @!p1 $0x1082;
	[sflag:s4] =	ssyncset.s32 $0xFFFFF086  }
0x25: {  	[simem:s6], [sflag:s4] =	dma.local [hbm:s3], $0xF7A  }
0x26: {  	[smem:$0x3F6E] =	sst s1;
	(tag) =	ssettag s2;
	_ =	strace s9  }
0x27: {  	s1 =	sld [smem:$0x3F7E]  }
0x28: {  	s2 =	sld [smem:$0x3F7F]  }
0x29: {  	s4 =	sld [smem:$0x3F81]  }
0x2a: {  	p0 =	seq.s32 s5, $0x0;
	s5 =	sld [smem:$0x3F82]  }
0x2b: {  	s6 =	sld [smem:$0x3F83]  }
0x2c: {  	s7 =	sld [smem:$0x3F84]  }
0x2d: {  	s3 =	simm.s32 $0x108;
	s8 =	sld [smem:$0x3F85]  }
0x2e: {  	s3 =	simm.s32 @!p0 $0x1082;
	s9 =	sld [smem:$0x3F86]  }
0x2f: {  	lr =	sadd.s32 s0, s3;
	s0 =	sld [smem:$0x3F7D]  }
0x30: {  	s3 =	sld [smem:$0x3F80]  }
0x31: {  	[smem:$0x3F89] =	sst s10  }
0x32: {  	s10 =	sld [smem:$0x3F87];
	_ =	sdelay $0x3  }
0x33: {  	p0 =	seq.s32 s10, $0x1;
	s10 =	sld [smem:$0x3F89];
	_ =	sdelay $0x3  }
0x34: {  	[smem:$0x3F89] =	sst s10  }
0x35: {  	s10 =	sld [smem:$0x3F88];
	_ =	sdelay $0x3  }
0x36: {  	p1 =	seq.s32 s10, $0x1;
	s10 =	sld [smem:$0x3F89];
	_ =	sdelay $0x3  }
0x37: {  	[smem:$0x3F89] =	sst s10  }
0x38: {  	s10 =	sld [smem:$0x3F8A]  }
0x39: {  	_ = 	snop;
	(pc) =	sbr.ind lr, $3  }
0x3a: {  	_ = 	snop  }
0x3b: {  	_ = 	snop  }
0x3c: {  	p2 =	seq.s32 s10, $0x1;
	s10 =	sld [smem:$0x3F89]  }
0x3d: {  	_ =	shalt  }
0x3e: {  	_ =	shalt  }
0x3f: {  	_ =	shalt  }
0x40: {  	_ =	shalt  }
0x41: {  	_ =	shalt  }
0x42: {  	_ =	shalt  }
0x43: {  	_ =	shalt  }
0x44: {  	_ =	shalt  }
0x45: {  	_ =	shalt  }
0x46: {  	_ =	shalt  }
0x47: {  	_ =	shalt  }
0x48: {  	_ =	shalt  }
0x49: {  	_ =	shalt  }
0x4a: {  	_ =	shalt  }
0x4b: {  	_ =	shalt  }
0x4c: {  	_ =	shalt  }
0x4d: {  	_ =	shalt  }
0x4e: {  	_ =	shalt  }
0x4f: {  	_ =	shalt  }
0x50: {  	_ =	shalt  }
0x51: {  	_ =	shalt  }
0x52: {  	_ =	shalt  }
0x53: {  	_ =	shalt  }
0x54: {  	_ =	shalt  }
0x55: {  	_ =	shalt  }
0x56: {  	_ =	shalt  }
0x57: {  	_ =	shalt  }
0x58: {  	_ =	shalt  }
0x59: {  	_ =	shalt  }
0x5a: {  	_ =	shalt  }
0x5b: {  	_ =	shalt  }
0x5c: {  	_ =	shalt  }
0x5d: {  	_ =	shalt  }
0x5e: {  	_ =	shalt  }
0x5f: {  	_ =	shalt  }
0x60: {  	_ =	shalt  }
0x61: {  	_ =	shalt  }
0x62: {  	_ =	shalt  }
0x63: {  	_ =	shalt  }
0x64: {  	_ =	shalt  }
0x65: {  	_ =	shalt  }
0x66: {  	_ =	shalt  }
0x67: {  	_ =	shalt  }
0x68: {  	_ =	shalt  }
0x69: {  	_ =	shalt  }
0x6a: {  	_ =	shalt  }
0x6b: {  	_ =	shalt  }
0x6c: {  	_ =	shalt  }
0x6d: {  	_ =	shalt  }
0x6e: {  	_ =	shalt  }
0x6f: {  	_ =	shalt  }
0x70: {  	_ =	shalt  }
0x71: {  	_ =	shalt  }
0x72: {  	_ =	shalt  }
0x73: {  	_ =	shalt  }
0x74: {  	_ =	shalt  }
0x75: {  	_ =	shalt  }
0x76: {  	_ =	shalt  }
0x77: {  	_ =	shalt  }
0x78: {  	_ =	shalt  }
0x79: {  	_ =	shalt  }
0x7a: {  	_ =	shalt  }
0x7b: {  	_ =	shalt  }
0x7c: {  	_ =	shalt  }
0x7d: {  	_ =	shalt  }
0x7e: {  	_ =	shalt  }
0x7f: {  	_ =	shalt  }
0x80: {  	_ =	shalt  }
0x81: {  	_ =	shalt  }
0x82: {  	_ =	shalt  }
0x83: {  	_ =	shalt  }
0x84: {  	_ =	shalt  }
0x85: {  	_ =	shalt  }
0x86: {  	_ =	shalt  }
0x87: {  	_ =	shalt  }
.Lfunc_end0:
.L_simem_size_0:
called_computation.2_lowered:
.L_overlay_start_0:
0x88: {  	s2 =	sld [smem:$0x3FD9]  }
0x89: {  	s3 =	sld [smem:$0x3FFE];
	_ =	sdelay $0x1  }
0x8a: {  	s1 =	srdreg.scid  }
0x8b: {  	s0 =	sand.u32 $0x1, s1  }
0x8c: {  	s16 =	sshll.u32 s0, $0xA;
	s2 =	sadd.s32 s3, s2  }
0x8d: {  	s2 =	sadd.s32 s2, s16  }
0x8e: {  	[smem:$0x3F95] =	sst s2  }
0x8f: {  	_ = 	snop  }
0x90: {  	(tm) =	ssettm $0x1  }
0x91: {  	s17 =	sld [smem:$0x3FFB];
	_ =	sdelay $0x3  }
0x92: {  	_ =	strace s17  }
0x93: {  	s2 =	sld [smem:$0x3FFC];
	_ =	sdelay $0x3  }
0x94: {  	_ =	strace s2  }
0x95: {  	s2 =	sld [smem:$0x3FFD];
	_ =	sdelay $0x3  }
0x96: {  	_ =	strace s2  }
0x97: {  	_ =	strace $0x8FFFFFFF  }
0x98: {  	s18 =	sld [smem:$0x3FDB];
	_ =	sdelay $0x1  }
0x99: {  	s19 =	simm.s32 $_scs_section_size  }
0x9a: {  	s4 =	simm.s32 $_size__tile_overlayer_lowered;
	s5 =	simm.s32 $_tile_overlayer_lowered  }
0x9b: {  	s22 =	simm.s32 $0x1BFF;
	s21 =	sshll.u32 s5, $0x1;
	s2 =	sadd.s32 s19, s18  }
0x9c: {  	s6 =	simm.s32 $0x0;
	s20 =	sshll.u32 s4, $0x1;
	s4 =	sadd.s32 s21, s2  }
0x9d: {  	[timem:s6], [sflag:s22] =	dma.local [hbm:s4], s20  }
0x9e: {  	_ =	swait.ge [sflag:s22], s20  }
0x9f: {  	s3 =	ssub.s32 $0x0, s20;
	[sflag:s22] =	ssyncset.done $0x0  }
0xa0: {  	[sflag:s22] =	ssyncadd.s32 s3;
	_ =	sdelay $0x1  }
0xa1: {  	s23 =	simm.s32 $0x1B8B  }
0xa2: {  	_ =	swait.ge [sflag:s23], $0x1  }
0xa3: {  	[sflag:s23] =	ssyncset.done $0x0  }
0xa4: {  	s25 =	simm.s32 $0x1B8E;
	s24 =	sld [smem:$0x3FFE];
	[sflag:s23] =	ssyncadd.s32 $0xFFFFFFFF  }
0xa5: {  	s26 =	simm.s32 $execute0_lowered;
	[smem:$0x3FD2] =	sst s25  }
0xa6: {  	s4 =	sshll.u32 s26, $0x1;
	_ =	strace $0x8000004C;
	[dreg:$0x1] =	wrdreg $0xFFFFFFFF  }
0xa7: {  	s28 =	simm.s32 $_size_execute0_lowered;
	s2 =	sadd.s32 s2, s4;
	[dreg:$0x0] =	wrdreg $0x0  }
0xa8: {  	s4 =	sshll.u32 s28, $0x1;
	[dreg:$0x2] =	wrdreg s2  }
0xa9: {  	[dreg:$0x3] =	wrdreg s4  }
0xaa: {  	[dreg:$0x4] =	wrdreg $0xC0  }
0xab: {  	_ =	task [dreg:s6], $0x5FFFF  }
0xac: {  	[dreg:$0x1] =	wrdreg $0xFFFFFFFF  }
0xad: {  	[dreg:$0x0] =	wrdreg $0x60  }
0xae: {  	[dreg:$0x2] =	wrdreg s24  }
0xaf: {  	[dreg:$0x3] =	wrdreg $0x9  }
0xb0: {  	_ =	task.clear_ibuf [dreg:s6], $0x4FFFF;
	_ =	strace $0x9000004C  }
0xb1: {  	s29 =	simm.s32 $0x9;
	_ =	strace $0x8000004E  }
0xb2: {  	_ =	swait.ge [sflag:s29], $0x1  }
0xb3: {  	[sflag:s29] =	ssyncadd.s32 $0xFFFFFFFF  }
0xb4: {  	_ =	strace $0x9000004E  }
0xb5: {  	_ =	sfence  }
0xb6: {  	s30 =	sld [smem:$0x0];
	_ =	sdelay $0x2  }
0xb7: {  	s31 =	sshll.u32 s1, $0xD;
	s1 =	sshrl.u32 s1, $0x2  }
0xb8: {  	s3 =	sand.u32 $0x4000, s31;
	s1 =	sadd.s32 s1, s30  }
0xb9: {  	s0 =	sor.u32 s3, s0;
	s1 =	sshll.u32 s1, $0x11  }
0xba: {  	s0 =	sor.u32 s1, s0  }
0xbb: {  	s0 =	sadd.s32 $0x8F2B, s0  }
0xbc: {  	[sflag:s0] =	ssyncadd.remote.s32 $0x1  }
0xbd: {  	_ =	sfence.sel $0xFFFF  }
0xbe: {  	[dreg:$0x0] =	wrdreg $0xFFFFFFFF;
	(pc) =	sbr.abs _section_cstart, $3  }
0xbf: {  	[dreg:$0x1] =	wrdreg $0xFFFFFFFF  }
0xc0: {  	_ =	task.clear_ibuf [dreg:s6], $0x2FFFF;
	_ =	strace $0x9FFFFFFF  }
0xc1: {  	(tm) =	ssettm $0x7FFFFFFF  }
tec
execute0_lowered:
.L_overlay_start_1:
0x0: {  	(tag) =	ssettag $0x1  }
0x1: {  	s4 =	rddreg [dreg:$0x0]  }
0x2: {  	s0 =	rddreg [dreg:$0x1];
	s2 =	simm.s32 $0x0;
	s3 =	srdreg.scid  }
0x3: {  	s1 =	stileid.u32;
	s10 =	simm.s32 $0x6000;
	s11 =	simm.s32 $0xA000  }
0x4: {  	s12 =	simm.s32 $0xE000;
	s13 =	simm.s32 $0x1;
	s14 =	simm.s32 $0x0  }
0x5: {  	[smem:$0x7FF] =	sst s2;
	s5 =	sand.u32 $0x1, s3;
	s6 =	sshll.u32 s1, $0xB  }
0x6: {  	s3 =	sadd.s32 $0xA5400, s4;
	s8 =	sshll.u32 s1, $0x12;
	_ =	strace $0x8000004D  }
0x7: {  	s7 =	sshll.u32 s5, $0xA;
	s29 =	ssub.s32 $0x2, s5;
	s8 =	sadd.s32 s8, s4  }
0x8: {  	s30 =	sshll.u32 s5, $0x11;
	s6 =	sor.u32 s7, s6;
	s9 =	sshrl.u32 s29, $0x1  }
0x9: {  	s31 =	sadd.s32 s30, s8;
	s8 =	simm.s32 $0x80;
	s6 =	sadd.s32 s6, s4  }
0xa: {  	s7 =	ssub.s32 s29, s9;
	s9 =	simm.s32 $0x2000;
	s4 =	sadd.s32 $0x5200, s6  }
0xb: {  	s5 =	smax.u32 s7, $0x1;
	s6 =	sadd.s32 $0x325400, s31;
	s7 =	simm.s32 $0x2  }
.LBB2_1:
0xc: {  	[tilespmem:s2], [sflag:$0x2] =	stream.linear.gather [hbm4b:s4+s2], $0x2000, $0x38;
	[tilespmem:$0x12000] =	vst v63  }
0xd: {  	_ =	swait.ge [sflag:s7], $0x2000  }
0xe: {  	[sflag:s7] =	ssyncset.done $0x0  }
0xf: {  	s15 =	simm.s32 $0x0;
	[sflag:s7] =	ssyncadd.s32 $0xFFFFE000  }
0x10: {  	[tilespmem:s9], [sflag:$0x1] =	stream.indirect.gather [hbm4b:s3+s8], $0x80, s15, s8, $0xb8;
	[tilespmem:$0x12000] =	vst v63  }
0x11: {  	s28 =	simm.s32 $0x80  }
0x12: {  	[tilespmem:s10], [sflag:$0x1] =	stream.indirect.gather [hbm4b:s3+s8], $0x80, s28, s8, $0xb8;
	[tilespmem:$0x12000] =	vst v63  }
0x13: {  	s29 =	simm.s32 $0x100  }
0x14: {  	[tilespmem:s11], [sflag:$0x1] =	stream.indirect.gather [hbm4b:s3+s8], $0x80, s29, s8, $0xb8;
	[tilespmem:$0x12000] =	vst v63  }
0x15: {  	s30 =	simm.s32 $0x180  }
0x16: {  	[tilespmem:s12], [sflag:$0x1] =	stream.indirect.gather [hbm4b:s3+s8], $0x80, s30, s8, $0xb8;
	[tilespmem:$0x12000] =	vst v63  }
0x17: {  	_ =	swait.ge [sflag:s13], $0x4000  }
0x18: {  	[sflag:s13] =	ssyncset.done $0x0  }
0x19: {  	[sflag:s13] =	ssyncadd.s32 $0xFFFFC000  }
0x1a: {  	_ =	swait.ge [sflag:s13], $0x4000  }
0x1b: {  	[sflag:s13] =	ssyncset.done $0x0  }
0x1c: {  	[sflag:s13] =	ssyncadd.s32 $0xFFFFC000  }
0x1d: {  	_ =	swait.ge [sflag:s13], $0x4000  }
0x1e: {  	[sflag:s13] =	ssyncset.done $0x0  }
0x1f: {  	[sflag:s13] =	ssyncadd.s32 $0xFFFFC000  }
0x20: {  	_ =	swait.ge [sflag:s13], $0x4000  }
0x21: {  	[sflag:s13] =	ssyncset.done $0x0  }
0x22: {  	s31 =	sadd.s32 $0x0, s6;
	[sflag:s13] =	ssyncadd.s32 $0xFFFFC000  }
0x23: {  	[hbm4b:s31+s2] =	stream.linear.scatter [tilespmem:s9], [sflag:$0x2], $0x10000, $0x38;
	[tilespmem:$0x12000] =	vst v63  }
0x24: {  	s17 =	simm.s32 $0x4000;
	_ =	swait.ge [sflag:s7], $0x10000  }
0x25: {  	s16 =	simm.s32 $0x380;
	s15 =	simm.s32 $0x2000;
	[sflag:s7] =	ssyncset.done $0x0  }
.LBB2_2:
0x26: {  	p0 =	sne.s32 s17, $0x1E000;
	s18 =	sadd.s32 $0xFFFFFE80, s16;
	[sflag:s7] =	ssyncadd.s32 $0xFFFF0000  }
0x27: {  	[tilespmem:s9], [sflag:$0x1] =	stream.indirect.gather [hbm4b:s3+s8], $0x80, s18, s8, $0xb8;
	[tilespmem:$0x12000] =	vst v63  }
0x28: {  	s19 =	smov.u32 s17;
	s17 =	sadd.s32 $0x2000, s17;
	s18 =	sadd.s32 $0xFFFFFF00, s16  }
0x29: {  	[tilespmem:s10], [sflag:$0x1] =	stream.indirect.gather [hbm4b:s3+s8], $0x80, s18, s8, $0xb8;
	[tilespmem:$0x12000] =	vst v63  }
0x2a: {  	s18 =	sadd.s32 $0xFFFFFF80, s16  }
0x2b: {  	[tilespmem:s11], [sflag:$0x1] =	stream.indirect.gather [hbm4b:s3+s8], $0x80, s18, s8, $0xb8;
	[tilespmem:$0x12000] =	vst v63  }
0x2c: {  	_ = 	snop  }
0x2d: {  	[tilespmem:s12], [sflag:$0x1] =	stream.indirect.gather [hbm4b:s3+s8], $0x80, s16, s8, $0xb8;
	[tilespmem:$0x12000] =	vst v63  }
0x2e: {  	_ =	swait.ge [sflag:s13], $0x4000  }
0x2f: {  	[sflag:s13] =	ssyncset.done $0x0  }
0x30: {  	[sflag:s13] =	ssyncadd.s32 $0xFFFFC000  }
0x31: {  	_ =	swait.ge [sflag:s13], $0x4000  }
0x32: {  	[sflag:s13] =	ssyncset.done $0x0  }
0x33: {  	[sflag:s13] =	ssyncadd.s32 $0xFFFFC000  }
0x34: {  	_ =	swait.ge [sflag:s13], $0x4000  }
0x35: {  	[sflag:s13] =	ssyncset.done $0x0  }
0x36: {  	[sflag:s13] =	ssyncadd.s32 $0xFFFFC000  }
0x37: {  	_ =	swait.ge [sflag:s13], $0x4000  }
.Ltmp0:
0x38: {  	[sflag:s13] =	ssyncset.done $0x0;
	(pc) =	sbr.rel @p0 .LBB2_2-.Ltmp0, $4  }
0x39: {  	s18 =	sadd.s32 s15, s6;
	s15 =	smov.u32 s19;
	[sflag:s13] =	ssyncadd.s32 $0xFFFFC000  }
0x3a: {  	[hbm4b:s18+s2] =	stream.linear.scatter [tilespmem:s9], [sflag:$0x2], $0x10000, $0x38;
	[tilespmem:$0x12000] =	vst v63  }
0x3b: {  	_ =	swait.ge [sflag:s7], $0x10000  }
0x3c: {  	s16 =	sadd.s32 $0x200, s16;
	[sflag:s7] =	ssyncset.done $0x0  }
0x3d: {  	s17 =	sadd.s32 $0xFFFFFE80, s16;
	[sflag:s7] =	ssyncadd.s32 $0xFFFF0000  }
0x3e: {  	[tilespmem:s9], [sflag:$0x1] =	stream.indirect.gather [hbm4b:s3+s8], $0x80, s17, s8, $0xb8;
	[tilespmem:$0x12000] =	vst v63  }
0x3f: {  	s30 =	sadd.s32 $0xFFFFFF00, s16  }
0x40: {  	[tilespmem:s10], [sflag:$0x1] =	stream.indirect.gather [hbm4b:s3+s8], $0x80, s30, s8, $0xb8;
	[tilespmem:$0x12000] =	vst v63  }
0x41: {  	s31 =	sadd.s32 $0xFFFFFF80, s16  }
0x42: {  	[tilespmem:s11], [sflag:$0x1] =	stream.indirect.gather [hbm4b:s3+s8], $0x80, s31, s8, $0xb8;
	[tilespmem:$0x12000] =	vst v63  }
0x43: {  	_ = 	snop  }
0x44: {  	[tilespmem:s12], [sflag:$0x1] =	stream.indirect.gather [hbm4b:s3+s8], $0x80, s16, s8, $0xb8;
	[tilespmem:$0x12000] =	vst v63  }
0x45: {  	_ =	swait.ge [sflag:s13], $0x4000  }
0x46: {  	[sflag:s13] =	ssyncset.done $0x0  }
0x47: {  	[sflag:s13] =	ssyncadd.s32 $0xFFFFC000  }
0x48: {  	_ =	swait.ge [sflag:s13], $0x4000  }
0x49: {  	[sflag:s13] =	ssyncset.done $0x0  }
0x4a: {  	[sflag:s13] =	ssyncadd.s32 $0xFFFFC000  }
0x4b: {  	_ =	swait.ge [sflag:s13], $0x4000  }
0x4c: {  	[sflag:s13] =	ssyncset.done $0x0  }
0x4d: {  	[sflag:s13] =	ssyncadd.s32 $0xFFFFC000  }
0x4e: {  	s14 =	sadd.s32 $0x1, s14;
	_ =	swait.ge [sflag:s13], $0x4000  }
0x4f: {  	p0 =	sne.s32 s14, s5;
	[sflag:s13] =	ssyncset.done $0x0  }
.Ltmp1:
0x50: {  	s15 =	sadd.s32 s15, s6;
	[sflag:s13] =	ssyncadd.s32 $0xFFFFC000;
	(pc) =	sbr.rel @p0 .LBB2_1-.Ltmp1, $4  }
0x51: {  	[hbm4b:s15+s2] =	stream.linear.scatter [tilespmem:s9], [sflag:$0x2], $0x10000, $0x38;
	[tilespmem:$0x12000] =	vst v63  }
0x52: {  	_ =	swait.ge [sflag:s7], $0x10000  }
0x53: {  	[sflag:s7] =	ssyncset.done $0x0  }
0x54: {  	[sflag:s7] =	ssyncadd.s32 $0xFFFF0000  }
0x55: {  	_ =	sfence.sel $0x180000  }
0x56: {  	[bflag:$0x0] =	sbarrier.arrive $0xFFFF  }
0x57: {  	p0 =	sne.s32 s1, $0x0;
	_ =	strace $0x9000004D  }
0x58: {  	s0 =	sadd.s32 @!p0 $0x100000, s0;
	[bflag:$0x2] =	sbarrier.arrive $0xFFFF  }
0x59: {  	[sflag:s0] =	ssyncadd.tile.s32 @!p0 $0x1;
	_ =	shalt  }
.Lfunc_end2:
_tile_overlayer_lowered:
.L_overlay_start_2:
0x5a: {  	(tag) =	ssettag $0x2  }
0x5b: {  	s0 =	rddreg [dreg:$0x0];
	s2 =	stileid.u32  }
0x5c: {  	s1 =	rddreg [dreg:$0x1];
	p0 =	sne.s32 s2, $0x0  }
0x5d: {  	s3 =	rddreg [dreg:$0x2];
	[bflag:$0x3] =	sbarrier.arrive $0xFFFF;
	s2 =	simm.s32 @!p0 $0x1C02  }
0x5e: {  	[timem:s3], [sflag:s2] =	dma.local @!p0 [hbm:s0], s1  }
0x5f: {  	s0 =	simm.s32 @!p0 $0x2  }
0x60: {  	_ =	swait.ge @!p0 [sflag:s0], s1  }
0x61: {  	s1 =	ssub.s32 @!p0 $0x0, s1;
	[sflag:s0] =	ssyncset.done @!p0 $0x0  }
0x62: {  	[sflag:s0] =	ssyncadd.s32 @!p0 s1  }
0x63: {  	[bflag:$0x3] =	sbarrier.arrive $0xFFFF  }
0x64: {  	_ =	shalt  }

// kernel: kernel.24.cloned.1.call-start
scs
__scs_entry_jumppad:
0x0: {  	(pc) =	sbr.rel $0x88, $3  }
0x1: {  	(tag) =	ssettag $0x0;
	lr =	simm.s32 $0x1  }
0x2: {  	[smem:$0x3F6E] =	sst lr;
	_ =	strace $0xD0000000  }
0x3: {  	_ = 	snop  }
0x4: {  	_ = 	snop  }
0x5: {  	_ = 	snop  }
0x6: {  	_ = 	snop  }
0x7: {  	_ = 	snop  }
__scs_overlays_trampoline_lowered:
0x8: {  	[smem:$0x3F7D] =	sst s0  }
0x9: {  	[smem:$0x3F7E] =	sst s1  }
0xa: {  	[smem:$0x3F7F] =	sst s2  }
0xb: {  	[smem:$0x3F80] =	sst s3  }
0xc: {  	[smem:$0x3F81] =	sst s4  }
0xd: {  	[smem:$0x3F82] =	sst s5  }
0xe: {  	[smem:$0x3F83] =	sst s6  }
0xf: {  	[smem:$0x3F84] =	sst s7  }
0x10: {  	[smem:$0x3F85] =	sst s8  }
0x11: {  	[smem:$0x3F86] =	sst s9;
	s0 =	simm.s32 @!p0 $0x0  }
0x12: {  	s1 =	sld [smem:$0x3F6C];
	s0 =	simm.s32 @p0 $0x1  }
0x13: {  	[smem:$0x3F87] =	sst s0;
	s0 =	simm.s32 @!p1 $0x0  }
0x14: {  	s2 =	sld [smem:$0x3F6B];
	s0 =	simm.s32 @p1 $0x1  }
0x15: {  	[smem:$0x3F88] =	sst s0;
	s0 =	simm.s32 @!p2 $0x0  }
0x16: {  	s3 =	sld [smem:$0x3FDB];
	s0 =	simm.s32 @p2 $0x1  }
0x17: {  	s4 =	simm.s32 $0x1BF5;
	[smem:$0x3F8A] =	sst s0  }
0x18: {  	s0 =	sld [smem:$0x3F6D];
	_ =	swait.ge [sflag:s4], $0x0  }
0x19: {  	s7 =	sld [smem:$0x3F6E]  }
0x1a: {  	s8 =	sadd.s32 $0xFFFFE003, lr  }
0x1b: {  	s9 =	sadd.s32 $0xFFFFFEF7, lr;
	s5 =	simm.s32 $0xFFFFFFFF;
	p2 =	slt.u32 s8, $0xFFFFF086  }
0x1c: {  	p1 =	slt.u32 s9, $0xF7A;
	s5 =	simm.s32 @!p2 $0x0  }
0x1d: {  	s5 =	simm.s32 @p1 $0x1;
	p0 =	seq.s32 s7, s2  }
0x1e: {  	s7 =	smul.u32 @!p0 $0xF7A, s2;
	p2 =	seq.s32 @!p0 s5, $0x0  }
0x1f: {  	s9 =	smul.u32 $0xF7A, s1;
	s8 =	simm.s32 @!p0 $0x1BF5;
	p2 =	por !p2, p0  }
0x20: {  	[sflag:s8] =	ssyncset.s32 @!p0 $0xFFFFF086;
	s6 =	sadd.s32 @!p0 s3, s7;
	s7 =	simm.s32 @!p0 $0x108  }
0x21: {  	s3 =	sadd.s32 s3, s9;
	s6 =	sadd.s32 @!p0 $0x88, s6;
	s7 =	simm.s32 @p2 $0x1082  }
0x22: {  	[simem:s7], [sflag:s8] =	dma.local @!p0 [hbm:s6], $0xF7A  }
0x23: {  	s9 =	sor.u32 $0xD0000000, s2;
	s6 =	simm.s32 $0x108;
	_ =	swait.ge @!p0 [sflag:s8], $0x0  }
0x24: {  	s3 =	sadd.s32 $0x88, s3;
	s6 =	simm.s32 @!p1 $0x1082;
	[sflag:s4] =	ssyncset.s32 $0xFFFFF086  }
0x25: {  	[simem:s6], [sflag:s4] =	dma.local [hbm:s3], $0xF7A  }
0x26: {  	[smem:$0x3F6E] =	sst s1;
	(tag) =	ssettag s2;
	_ =	strace s9  }
0x27: {  	s1 =	sld [smem:$0x3F7E]  }
0x28: {  	s2 =	sld [smem:$0x3F7F]  }
0x29: {  	s4 =	sld [smem:$0x3F81]  }
0x2a: {  	p0 =	seq.s32 s5, $0x0;
	s5 =	sld [smem:$0x3F82]  }
0x2b: {  	s6 =	sld [smem:$0x3F83]  }
0x2c: {  	s7 =	sld [smem:$0x3F84]  }
0x2d: {  	s3 =	simm.s32 $0x108;
	s8 =	sld [smem:$0x3F85]  }
0x2e: {  	s3 =	simm.s32 @!p0 $0x1082;
	s9 =	sld [smem:$0x3F86]  }
0x2f: {  	lr =	sadd.s32 s0, s3;
	s0 =	sld [smem:$0x3F7D]  }
0x30: {  	s3 =	sld [smem:$0x3F80]  }
0x31: {  	[smem:$0x3F89] =	sst s10  }
0x32: {  	s10 =	sld [smem:$0x3F87];
	_ =	sdelay $0x3  }
0x33: {  	p0 =	seq.s32 s10, $0x1;
	s10 =	sld [smem:$0x3F89];
	_ =	sdelay $0x3  }
0x34: {  	[smem:$0x3F89] =	sst s10  }
0x35: {  	s10 =	sld [smem:$0x3F88];
	_ =	sdelay $0x3  }
0x36: {  	p1 =	seq.s32 s10, $0x1;
	s10 =	sld [smem:$0x3F89];
	_ =	sdelay $0x3  }
0x37: {  	[smem:$0x3F89] =	sst s10  }
0x38: {  	s10 =	sld [smem:$0x3F8A]  }
0x39: {  	_ = 	snop;
	(pc) =	sbr.ind lr, $3  }
0x3a: {  	_ = 	snop  }
0x3b: {  	_ = 	snop  }
0x3c: {  	p2 =	seq.s32 s10, $0x1;
	s10 =	sld [smem:$0x3F89]  }
0x3d: {  	_ =	shalt  }
0x3e: {  	_ =	shalt  }
0x3f: {  	_ =	shalt  }
0x40: {  	_ =	shalt  }
0x41: {  	_ =	shalt  }
0x42: {  	_ =	shalt  }
0x43: {  	_ =	shalt  }
0x44: {  	_ =	shalt  }
0x45: {  	_ =	shalt  }
0x46: {  	_ =	shalt  }
0x47: {  	_ =	shalt  }
0x48: {  	_ =	shalt  }
0x49: {  	_ =	shalt  }
0x4a: {  	_ =	shalt  }
0x4b: {  	_ =	shalt  }
0x4c: {  	_ =	shalt  }
0x4d: {  	_ =	shalt  }
0x4e: {  	_ =	shalt  }
0x4f: {  	_ =	shalt  }
0x50: {  	_ =	shalt  }
0x51: {  	_ =	shalt  }
0x52: {  	_ =	shalt  }
0x53: {  	_ =	shalt  }
0x54: {  	_ =	shalt  }
0x55: {  	_ =	shalt  }
0x56: {  	_ =	shalt  }
0x57: {  	_ =	shalt  }
0x58: {  	_ =	shalt  }
0x59: {  	_ =	shalt  }
0x5a: {  	_ =	shalt  }
0x5b: {  	_ =	shalt  }
0x5c: {  	_ =	shalt  }
0x5d: {  	_ =	shalt  }
0x5e: {  	_ =	shalt  }
0x5f: {  	_ =	shalt  }
0x60: {  	_ =	shalt  }
0x61: {  	_ =	shalt  }
0x62: {  	_ =	shalt  }
0x63: {  	_ =	shalt  }
0x64: {  	_ =	shalt  }
0x65: {  	_ =	shalt  }
0x66: {  	_ =	shalt  }
0x67: {  	_ =	shalt  }
0x68: {  	_ =	shalt  }
0x69: {  	_ =	shalt  }
0x6a: {  	_ =	shalt  }
0x6b: {  	_ =	shalt  }
0x6c: {  	_ =	shalt  }
0x6d: {  	_ =	shalt  }
0x6e: {  	_ =	shalt  }
0x6f: {  	_ =	shalt  }
0x70: {  	_ =	shalt  }
0x71: {  	_ =	shalt  }
0x72: {  	_ =	shalt  }
0x73: {  	_ =	shalt  }
0x74: {  	_ =	shalt  }
0x75: {  	_ =	shalt  }
0x76: {  	_ =	shalt  }
0x77: {  	_ =	shalt  }
0x78: {  	_ =	shalt  }
0x79: {  	_ =	shalt  }
0x7a: {  	_ =	shalt  }
0x7b: {  	_ =	shalt  }
0x7c: {  	_ =	shalt  }
0x7d: {  	_ =	shalt  }
0x7e: {  	_ =	shalt  }
0x7f: {  	_ =	shalt  }
0x80: {  	_ =	shalt  }
0x81: {  	_ =	shalt  }
0x82: {  	_ =	shalt  }
0x83: {  	_ =	shalt  }
0x84: {  	_ =	shalt  }
0x85: {  	_ =	shalt  }
0x86: {  	_ =	shalt  }
0x87: {  	_ =	shalt  }
.Lfunc_end0:
.L_simem_size_0:
called_computation.3_lowered:
.L_overlay_start_0:
0x88: {  	s2 =	sld [smem:$0x3FD9]  }
0x89: {  	s3 =	sld [smem:$0x3FFE];
	_ =	sdelay $0x1  }
0x8a: {  	s1 =	srdreg.scid  }
0x8b: {  	s0 =	sand.u32 $0x1, s1  }
0x8c: {  	s16 =	sshll.u32 s0, $0xA;
	s2 =	sadd.s32 s3, s2  }
0x8d: {  	s2 =	sadd.s32 s2, s16  }
0x8e: {  	[smem:$0x3F95] =	sst s2  }
0x8f: {  	_ = 	snop  }
0x90: {  	(tm) =	ssettm $0x1  }
0x91: {  	s17 =	sld [smem:$0x3FFB];
	_ =	sdelay $0x3  }
0x92: {  	_ =	strace s17  }
0x93: {  	s2 =	sld [smem:$0x3FFC];
	_ =	sdelay $0x3  }
0x94: {  	_ =	strace s2  }
0x95: {  	s2 =	sld [smem:$0x3FFD];
	_ =	sdelay $0x3  }
0x96: {  	_ =	strace s2  }
0x97: {  	_ =	strace $0x8FFFFFFF  }
0x98: {  	s18 =	sld [smem:$0x3FDB];
	_ =	sdelay $0x1  }
0x99: {  	s19 =	simm.s32 $_scs_section_size  }
0x9a: {  	s4 =	simm.s32 $_size__tile_overlayer_lowered;
	s5 =	simm.s32 $_tile_overlayer_lowered  }
0x9b: {  	s22 =	simm.s32 $0x1BFF;
	s21 =	sshll.u32 s5, $0x1;
	s2 =	sadd.s32 s19, s18  }
0x9c: {  	s6 =	simm.s32 $0x0;
	s20 =	sshll.u32 s4, $0x1;
	s4 =	sadd.s32 s21, s2  }
0x9d: {  	[timem:s6], [sflag:s22] =	dma.local [hbm:s4], s20  }
0x9e: {  	_ =	swait.ge [sflag:s22], s20  }
0x9f: {  	s3 =	ssub.s32 $0x0, s20;
	[sflag:s22] =	ssyncset.done $0x0  }
0xa0: {  	[sflag:s22] =	ssyncadd.s32 s3;
	_ =	sdelay $0x1  }
0xa1: {  	s23 =	simm.s32 $0x1B8B  }
0xa2: {  	_ =	swait.ge [sflag:s23], $0x1  }
0xa3: {  	[sflag:s23] =	ssyncset.done $0x0  }
0xa4: {  	s25 =	simm.s32 $0x1B8E;
	s24 =	sld [smem:$0x3FFE];
	[sflag:s23] =	ssyncadd.s32 $0xFFFFFFFF  }
0xa5: {  	s26 =	simm.s32 $execute0_lowered;
	[smem:$0x3FD2] =	sst s25  }
0xa6: {  	s4 =	sshll.u32 s26, $0x1;
	_ =	strace $0x8000004F;
	[dreg:$0x1] =	wrdreg $0xFFFFFFFF  }
0xa7: {  	s28 =	simm.s32 $_size_execute0_lowered;
	s2 =	sadd.s32 s2, s4;
	[dreg:$0x0] =	wrdreg $0x0  }
0xa8: {  	s4 =	sshll.u32 s28, $0x1;
	[dreg:$0x2] =	wrdreg s2  }
0xa9: {  	[dreg:$0x3] =	wrdreg s4  }
0xaa: {  	[dreg:$0x4] =	wrdreg $0xC0  }
0xab: {  	_ =	task [dreg:s6], $0x5FFFF  }
0xac: {  	[dreg:$0x1] =	wrdreg $0xFFFFFFFF  }
0xad: {  	[dreg:$0x0] =	wrdreg $0x60  }
0xae: {  	[dreg:$0x2] =	wrdreg s24  }
0xaf: {  	[dreg:$0x3] =	wrdreg $0x9  }
0xb0: {  	_ =	task.clear_ibuf [dreg:s6], $0x4FFFF;
	_ =	strace $0x9000004F  }
0xb1: {  	s29 =	simm.s32 $0x9;
	_ =	strace $0x80000051  }
0xb2: {  	_ =	swait.ge [sflag:s29], $0x1  }
0xb3: {  	[sflag:s29] =	ssyncadd.s32 $0xFFFFFFFF  }
0xb4: {  	_ =	strace $0x90000051  }
0xb5: {  	_ =	sfence  }
0xb6: {  	s30 =	sld [smem:$0x0];
	_ =	sdelay $0x2  }
0xb7: {  	s31 =	sshll.u32 s1, $0xD;
	s1 =	sshrl.u32 s1, $0x2  }
0xb8: {  	s3 =	sand.u32 $0x4000, s31;
	s1 =	sadd.s32 s1, s30  }
0xb9: {  	s0 =	sor.u32 s3, s0;
	s1 =	sshll.u32 s1, $0x11  }
0xba: {  	s0 =	sor.u32 s1, s0  }
0xbb: {  	s0 =	sadd.s32 $0x8F2B, s0  }
0xbc: {  	[sflag:s0] =	ssyncadd.remote.s32 $0x1  }
0xbd: {  	_ =	sfence.sel $0xFFFF  }
0xbe: {  	[dreg:$0x0] =	wrdreg $0xFFFFFFFF;
	(pc) =	sbr.abs _section_cstart, $3  }
0xbf: {  	[dreg:$0x1] =	wrdreg $0xFFFFFFFF  }
0xc0: {  	_ =	task.clear_ibuf [dreg:s6], $0x2FFFF;
	_ =	strace $0x9FFFFFFF  }
0xc1: {  	(tm) =	ssettm $0x7FFFFFFF  }
tec
execute0_lowered:
.L_overlay_start_1:
0x0: {  	(tag) =	ssettag $0x1  }
0x1: {  	s4 =	rddreg [dreg:$0x0]  }
0x2: {  	s0 =	rddreg [dreg:$0x1];
	s2 =	simm.s32 $0x0;
	s3 =	srdreg.scid  }
0x3: {  	s1 =	stileid.u32;
	s10 =	simm.s32 $0x8000;
	s11 =	simm.s32 $0xC000  }
0x4: {  	s12 =	simm.s32 $0x10000;
	s13 =	simm.s32 $0x1;
	s14 =	simm.s32 $0x0  }
0x5: {  	[smem:$0x7FF] =	sst s2;
	s5 =	sand.u32 $0x1, s3;
	s6 =	sshll.u32 s1, $0xC  }
0x6: {  	s3 =	sadd.s32 $0xA5400, s4;
	s8 =	sshll.u32 s1, $0x13;
	_ =	strace $0x80000050  }
0x7: {  	s7 =	sshll.u32 s5, $0xB;
	s29 =	ssub.s32 $0x2, s5;
	s8 =	sadd.s32 s8, s4  }
0x8: {  	s30 =	sshll.u32 s5, $0x12;
	s6 =	sor.u32 s7, s6;
	s9 =	sshrl.u32 s29, $0x1  }
0x9: {  	s31 =	sadd.s32 s30, s8;
	s8 =	simm.s32 $0x80;
	s6 =	sadd.s32 s6, s4  }
0xa: {  	s7 =	ssub.s32 s29, s9;
	s9 =	simm.s32 $0x4000;
	s4 =	sadd.s32 $0x5200, s6  }
0xb: {  	s5 =	smax.u32 s7, $0x1;
	s6 =	sadd.s32 $0x725400, s31;
	s7 =	simm.s32 $0x2  }
.LBB2_1:
0xc: {  	[tilespmem:s2], [sflag:$0x2] =	stream.linear.gather [hbm4b:s4+s2], $0x4000, $0x38;
	[tilespmem:$0x14000] =	vst v63  }
0xd: {  	_ =	swait.ge [sflag:s7], $0x4000  }
0xe: {  	[sflag:s7] =	ssyncset.done $0x0  }
0xf: {  	s15 =	simm.s32 $0x0;
	[sflag:s7] =	ssyncadd.s32 $0xFFFFC000  }
0x10: {  	[tilespmem:s9], [sflag:$0x1] =	stream.indirect.gather [hbm4b:s3+s8], $0x80, s15, s8, $0xb8;
	[tilespmem:$0x14000] =	vst v63  }
0x11: {  	s28 =	simm.s32 $0x80  }
0x12: {  	[tilespmem:s10], [sflag:$0x1] =	stream.indirect.gather [hbm4b:s3+s8], $0x80, s28, s8, $0xb8;
	[tilespmem:$0x14000] =	vst v63  }
0x13: {  	s29 =	simm.s32 $0x100  }
0x14: {  	[tilespmem:s11], [sflag:$0x1] =	stream.indirect.gather [hbm4b:s3+s8], $0x80, s29, s8, $0xb8;
	[tilespmem:$0x14000] =	vst v63  }
0x15: {  	s30 =	simm.s32 $0x180  }
0x16: {  	[tilespmem:s12], [sflag:$0x1] =	stream.indirect.gather [hbm4b:s3+s8], $0x80, s30, s8, $0xb8;
	[tilespmem:$0x14000] =	vst v63  }
0x17: {  	_ =	swait.ge [sflag:s13], $0x4000  }
0x18: {  	[sflag:s13] =	ssyncset.done $0x0  }
0x19: {  	[sflag:s13] =	ssyncadd.s32 $0xFFFFC000  }
0x1a: {  	_ =	swait.ge [sflag:s13], $0x4000  }
0x1b: {  	[sflag:s13] =	ssyncset.done $0x0  }
0x1c: {  	[sflag:s13] =	ssyncadd.s32 $0xFFFFC000  }
0x1d: {  	_ =	swait.ge [sflag:s13], $0x4000  }
0x1e: {  	[sflag:s13] =	ssyncset.done $0x0  }
0x1f: {  	[sflag:s13] =	ssyncadd.s32 $0xFFFFC000  }
0x20: {  	_ =	swait.ge [sflag:s13], $0x4000  }
0x21: {  	[sflag:s13] =	ssyncset.done $0x0  }
0x22: {  	s31 =	sadd.s32 $0x0, s6;
	[sflag:s13] =	ssyncadd.s32 $0xFFFFC000  }
0x23: {  	[hbm4b:s31+s2] =	stream.linear.scatter [tilespmem:s9], [sflag:$0x2], $0x10000, $0x38;
	[tilespmem:$0x14000] =	vst v63  }
0x24: {  	s17 =	simm.s32 $0x4000;
	_ =	swait.ge [sflag:s7], $0x10000  }
0x25: {  	s16 =	simm.s32 $0x380;
	s15 =	simm.s32 $0x2000;
	[sflag:s7] =	ssyncset.done $0x0  }
.LBB2_2:
0x26: {  	p0 =	sne.s32 s17, $0x3E000;
	s18 =	sadd.s32 $0xFFFFFE80, s16;
	[sflag:s7] =	ssyncadd.s32 $0xFFFF0000  }
0x27: {  	[tilespmem:s9], [sflag:$0x1] =	stream.indirect.gather [hbm4b:s3+s8], $0x80, s18, s8, $0xb8;
	[tilespmem:$0x14000] =	vst v63  }
0x28: {  	s19 =	smov.u32 s17;
	s17 =	sadd.s32 $0x2000, s17;
	s18 =	sadd.s32 $0xFFFFFF00, s16  }
0x29: {  	[tilespmem:s10], [sflag:$0x1] =	stream.indirect.gather [hbm4b:s3+s8], $0x80, s18, s8, $0xb8;
	[tilespmem:$0x14000] =	vst v63  }
0x2a: {  	s18 =	sadd.s32 $0xFFFFFF80, s16  }
0x2b: {  	[tilespmem:s11], [sflag:$0x1] =	stream.indirect.gather [hbm4b:s3+s8], $0x80, s18, s8, $0xb8;
	[tilespmem:$0x14000] =	vst v63  }
0x2c: {  	_ = 	snop  }
0x2d: {  	[tilespmem:s12], [sflag:$0x1] =	stream.indirect.gather [hbm4b:s3+s8], $0x80, s16, s8, $0xb8;
	[tilespmem:$0x14000] =	vst v63  }
0x2e: {  	_ =	swait.ge [sflag:s13], $0x4000  }
0x2f: {  	[sflag:s13] =	ssyncset.done $0x0  }
0x30: {  	[sflag:s13] =	ssyncadd.s32 $0xFFFFC000  }
0x31: {  	_ =	swait.ge [sflag:s13], $0x4000  }
0x32: {  	[sflag:s13] =	ssyncset.done $0x0  }
0x33: {  	[sflag:s13] =	ssyncadd.s32 $0xFFFFC000  }
0x34: {  	_ =	swait.ge [sflag:s13], $0x4000  }
0x35: {  	[sflag:s13] =	ssyncset.done $0x0  }
0x36: {  	[sflag:s13] =	ssyncadd.s32 $0xFFFFC000  }
0x37: {  	_ =	swait.ge [sflag:s13], $0x4000  }
.Ltmp0:
0x38: {  	[sflag:s13] =	ssyncset.done $0x0;
	(pc) =	sbr.rel @p0 .LBB2_2-.Ltmp0, $4  }
0x39: {  	s18 =	sadd.s32 s15, s6;
	s15 =	smov.u32 s19;
	[sflag:s13] =	ssyncadd.s32 $0xFFFFC000  }
0x3a: {  	[hbm4b:s18+s2] =	stream.linear.scatter [tilespmem:s9], [sflag:$0x2], $0x10000, $0x38;
	[tilespmem:$0x14000] =	vst v63  }
0x3b: {  	_ =	swait.ge [sflag:s7], $0x10000  }
0x3c: {  	s16 =	sadd.s32 $0x200, s16;
	[sflag:s7] =	ssyncset.done $0x0  }
0x3d: {  	s17 =	sadd.s32 $0xFFFFFE80, s16;
	[sflag:s7] =	ssyncadd.s32 $0xFFFF0000  }
0x3e: {  	[tilespmem:s9], [sflag:$0x1] =	stream.indirect.gather [hbm4b:s3+s8], $0x80, s17, s8, $0xb8;
	[tilespmem:$0x14000] =	vst v63  }
0x3f: {  	s30 =	sadd.s32 $0xFFFFFF00, s16  }
0x40: {  	[tilespmem:s10], [sflag:$0x1] =	stream.indirect.gather [hbm4b:s3+s8], $0x80, s30, s8, $0xb8;
	[tilespmem:$0x14000] =	vst v63  }
0x41: {  	s31 =	sadd.s32 $0xFFFFFF80, s16  }
0x42: {  	[tilespmem:s11], [sflag:$0x1] =	stream.indirect.gather [hbm4b:s3+s8], $0x80, s31, s8, $0xb8;
	[tilespmem:$0x14000] =	vst v63  }
0x43: {  	_ = 	snop  }
0x44: {  	[tilespmem:s12], [sflag:$0x1] =	stream.indirect.gather [hbm4b:s3+s8], $0x80, s16, s8, $0xb8;
	[tilespmem:$0x14000] =	vst v63  }
0x45: {  	_ =	swait.ge [sflag:s13], $0x4000  }
0x46: {  	[sflag:s13] =	ssyncset.done $0x0  }
0x47: {  	[sflag:s13] =	ssyncadd.s32 $0xFFFFC000  }
0x48: {  	_ =	swait.ge [sflag:s13], $0x4000  }
0x49: {  	[sflag:s13] =	ssyncset.done $0x0  }
0x4a: {  	[sflag:s13] =	ssyncadd.s32 $0xFFFFC000  }
0x4b: {  	_ =	swait.ge [sflag:s13], $0x4000  }
0x4c: {  	[sflag:s13] =	ssyncset.done $0x0  }
0x4d: {  	[sflag:s13] =	ssyncadd.s32 $0xFFFFC000  }
0x4e: {  	s14 =	sadd.s32 $0x1, s14;
	_ =	swait.ge [sflag:s13], $0x4000  }
0x4f: {  	p0 =	sne.s32 s14, s5;
	[sflag:s13] =	ssyncset.done $0x0  }
.Ltmp1:
0x50: {  	s15 =	sadd.s32 s15, s6;
	[sflag:s13] =	ssyncadd.s32 $0xFFFFC000;
	(pc) =	sbr.rel @p0 .LBB2_1-.Ltmp1, $4  }
0x51: {  	[hbm4b:s15+s2] =	stream.linear.scatter [tilespmem:s9], [sflag:$0x2], $0x10000, $0x38;
	[tilespmem:$0x14000] =	vst v63  }
0x52: {  	_ =	swait.ge [sflag:s7], $0x10000  }
0x53: {  	[sflag:s7] =	ssyncset.done $0x0  }
0x54: {  	[sflag:s7] =	ssyncadd.s32 $0xFFFF0000  }
0x55: {  	_ =	sfence.sel $0x180000  }
0x56: {  	[bflag:$0x0] =	sbarrier.arrive $0xFFFF  }
0x57: {  	p0 =	sne.s32 s1, $0x0;
	_ =	strace $0x90000050  }
0x58: {  	s0 =	sadd.s32 @!p0 $0x100000, s0;
	[bflag:$0x2] =	sbarrier.arrive $0xFFFF  }
0x59: {  	[sflag:s0] =	ssyncadd.tile.s32 @!p0 $0x1;
	_ =	shalt  }
.Lfunc_end2:
_tile_overlayer_lowered:
.L_overlay_start_2:
0x5a: {  	(tag) =	ssettag $0x2  }
0x5b: {  	s0 =	rddreg [dreg:$0x0];
	s2 =	stileid.u32  }
0x5c: {  	s1 =	rddreg [dreg:$0x1];
	p0 =	sne.s32 s2, $0x0  }
0x5d: {  	s3 =	rddreg [dreg:$0x2];
	[bflag:$0x3] =	sbarrier.arrive $0xFFFF;
	s2 =	simm.s32 @!p0 $0x1C02  }
0x5e: {  	[timem:s3], [sflag:s2] =	dma.local @!p0 [hbm:s0], s1  }
0x5f: {  	s0 =	simm.s32 @!p0 $0x2  }
0x60: {  	_ =	swait.ge @!p0 [sflag:s0], s1  }
0x61: {  	s1 =	ssub.s32 @!p0 $0x0, s1;
	[sflag:s0] =	ssyncset.done @!p0 $0x0  }
0x62: {  	[sflag:s0] =	ssyncadd.s32 @!p0 s1  }
0x63: {  	[bflag:$0x3] =	sbarrier.arrive $0xFFFF  }
0x64: {  	_ =	shalt  }

</sc_bundles>
